<compile_context>
chip_gen: v7x
topology: tpu7x:2x2x1
jax: 0.10.2.dev20260603
libtpu: 0.0.44.dev20260713+nightly
codegen_flags: <defaults>
</compile_context>

<pallas_src>
import functools

import jax
import jax.numpy as jnp
from jax import lax
from jax.experimental import pallas as pl
from jax.experimental.pallas import tpu as pltpu
from jax.experimental.pallas import tpu_sc as plsc

N_NODES = 10000
D = 128
NC = 2
NS = 16
NW = NC * NS
CHUNK = 128
NCH = 80
NE_PAD = NW * NCH * CHUNK
SLOW_CORE = 1
CH_FAST = 80
CH_SLOW = 80
PHASE = 40
ACC_ROWS = 10240
STRIPE = ACC_ROWS // NS
DEG_W = 128


def _make_seg_sum():
    mesh = plsc.VectorSubcoreMesh(core_axis_name="c", subcore_axis_name="s")
    scratch = [
        pltpu.VMEM((PHASE, CHUNK), jnp.int32),
        pltpu.VMEM((PHASE, CHUNK), jnp.int32),
        pltpu.VMEM((CHUNK, D), jnp.float32),
        pltpu.VMEM((CHUNK, D), jnp.float32),
        pltpu.VMEM_SHARED((ACC_ROWS, D), jnp.float32),
        pltpu.SemaphoreType.DMA,
        pltpu.SemaphoreType.DMA,
    ]

    def body(x_hbm, src_hbm, dst_hbm, out_hbm, src_v, dst_v, rows_a, rows_b,
             acc, sem_a, sem_b):
        c = lax.axis_index("c")
        s = lax.axis_index("s")

        zero16 = jnp.zeros((16,), jnp.float32)

        def zbody(i, _):
            rows_a[i // 8, pl.ds((i % 8) * 16, 16)] = zero16
            return 0

        lax.fori_loop(0, CHUNK * 8, zbody, 0)
        for jj in range(STRIPE // CHUNK):
            pltpu.sync_copy(rows_a, acc.at[pl.ds(s * STRIPE + jj * CHUNK, CHUNK)])

        plsc.subcore_barrier()

        count = jnp.where(c == SLOW_CORE, CH_SLOW, CH_FAST)
        base = jnp.where(c == SLOW_CORE, NS * CH_FAST + s * CH_SLOW, s * CH_FAST)

        def chunk_pair(jj, _):
            j0 = jj * 2
            pltpu.async_copy(x_hbm.at[src_v.at[j0 + 1]], rows_b, sem_b)
            pltpu.make_async_copy(x_hbm.at[src_v.at[j0]], rows_a, sem_a).wait()
            pltpu.sync_copy(rows_a, acc.at[dst_v.at[j0]], add=True)

            @pl.when(jj < PHASE // 2 - 1)
            def _():
                pltpu.async_copy(x_hbm.at[src_v.at[j0 + 2]], rows_a, sem_a)

            pltpu.make_async_copy(x_hbm.at[src_v.at[j0 + 1]], rows_b, sem_b).wait()
            pltpu.sync_copy(rows_b, acc.at[dst_v.at[j0 + 1]], add=True)
            return 0

        def phase_body(p, _):
            pltpu.sync_copy(src_hbm.at[pl.ds(base + p * PHASE, PHASE)], src_v)
            pltpu.sync_copy(dst_hbm.at[pl.ds(base + p * PHASE, PHASE)], dst_v)
            pltpu.async_copy(x_hbm.at[src_v.at[0]], rows_a, sem_a)
            lax.fori_loop(0, PHASE // 2, chunk_pair, 0)
            return 0

        lax.fori_loop(0, count // PHASE, phase_body, 0)

        plsc.subcore_barrier()
        pltpu.sync_copy(acc.at[pl.ds(s * STRIPE, STRIPE)],
                        out_hbm.at[c, pl.ds(s * STRIPE, STRIPE)])

    return pl.kernel(
        body, mesh=mesh,
        out_type=jax.ShapeDtypeStruct((NC, ACC_ROWS, D), jnp.float32),
        scratch_types=scratch,
    )


def _make_deg():
    mesh = plsc.VectorSubcoreMesh(core_axis_name="c", subcore_axis_name="s")
    scratch = [
        pltpu.VMEM((NCH, CHUNK), jnp.int32),
        pltpu.VMEM((CHUNK, DEG_W), jnp.float32),
        pltpu.VMEM_SHARED((ACC_ROWS, DEG_W), jnp.float32),
    ]

    def body(dst_hbm, deg_hbm, dst_v, ones_v, dacc):
        c = lax.axis_index("c")
        s = lax.axis_index("s")
        w = s * NC + c

        zero16 = jnp.zeros((16,), jnp.float32)

        def z16(i, _):
            ones_v[i // 8, pl.ds((i % 8) * 16, 16)] = zero16
            return 0

        lax.fori_loop(0, CHUNK * (DEG_W // 16), z16, 0)
        for jj in range(STRIPE // CHUNK):
            pltpu.sync_copy(ones_v, dacc.at[pl.ds(s * STRIPE + jj * CHUNK, CHUNK)])
        one16 = jnp.ones((16,), jnp.float32)

        def o16(i, _):
            ones_v[i // 8, pl.ds((i % 8) * 16, 16)] = one16
            return 0

        lax.fori_loop(0, CHUNK * (DEG_W // 16), o16, 0)

        plsc.subcore_barrier()
        pltpu.sync_copy(dst_hbm.at[pl.ds(w * NCH, NCH)], dst_v)

        def chunk_body(j, _):
            pltpu.sync_copy(ones_v, dacc.at[dst_v.at[j]], add=True)
            return 0

        lax.fori_loop(0, NCH, chunk_body, 0)

        plsc.subcore_barrier()
        pltpu.sync_copy(dacc.at[pl.ds(s * STRIPE, STRIPE)],
                        deg_hbm.at[c, pl.ds(s * STRIPE, STRIPE)])

    return pl.kernel(
        body, mesh=mesh,
        out_type=jax.ShapeDtypeStruct((NC, ACC_ROWS, DEG_W), jnp.float32),
        scratch_types=scratch,
    )


_seg_sum = _make_seg_sum()
_deg_count = _make_deg()

_BLK = 1000
_DEGC = 8


def _tc_body(relu, x_ref, s0_ref, s1_ref, d0_ref, d1_ref, wa_ref, wb_ref,
             b_ref, o_ref):
    deg = d0_ref[:, 0:1] + d1_ref[:, 0:1]
    a = jnp.dot(x_ref[:, :], wa_ref[:, :], preferred_element_type=jnp.float32)
    a = a + b_ref[:, :]
    t = deg * a + jnp.dot(s0_ref[:, :] + s1_ref[:, :], wb_ref[:, :],
                          preferred_element_type=jnp.float32)
    o_ref[:, :] = jnp.maximum(t, 0.0) if relu else t


def _make_tc(relu):
    return pl.pallas_call(
        functools.partial(_tc_body, relu),
        grid=(N_NODES // _BLK,),
        in_specs=[
            pl.BlockSpec((_BLK, D), lambda i: (i, 0)),
            pl.BlockSpec((_BLK, D), lambda i: (i, 0)),
            pl.BlockSpec((_BLK, D), lambda i: (i, 0)),
            pl.BlockSpec((_BLK, _DEGC), lambda i: (i, 0)),
            pl.BlockSpec((_BLK, _DEGC), lambda i: (i, 0)),
            pl.BlockSpec((D, D), lambda i: (0, 0)),
            pl.BlockSpec((D, D), lambda i: (0, 0)),
            pl.BlockSpec((1, D), lambda i: (0, 0)),
        ],
        out_specs=pl.BlockSpec((_BLK, D), lambda i: (i, 0)),
        out_shape=jax.ShapeDtypeStruct((N_NODES, D), jnp.float32),
    )


_tc_relu = _make_tc(True)
_tc_lin = _make_tc(False)


def _layer(tc, h, Sp, d0, d1, W, b):
    WT = W.T
    return tc(h, Sp[0, :N_NODES], Sp[1, :N_NODES], d0, d1,
              WT[:D], WT[D:], b.reshape(1, D))


def kernel(x, edge_index, W1, b1, W2, b2, W3, b3):
    src = edge_index[0].astype(jnp.int32)
    dst = edge_index[1].astype(jnp.int32)
    pad = NE_PAD - src.shape[0]
    ar = jnp.arange(pad, dtype=jnp.int32)
    src2 = jnp.concatenate([src, ar % N_NODES]).reshape(-1, CHUNK)
    dst2 = jnp.concatenate(
        [dst, N_NODES + ar % (ACC_ROWS - N_NODES)]).reshape(-1, CHUNK)
    Dp = _deg_count(dst2)
    d0 = Dp[0, :N_NODES, :_DEGC]
    d1 = Dp[1, :N_NODES, :_DEGC]
    S1p = _seg_sum(x, src2, dst2)
    h1 = _layer(_tc_relu, x, S1p, d0, d1, W1, b1)
    S2p = _seg_sum(h1, src2, dst2)
    h2 = _layer(_tc_relu, h1, S2p, d0, d1, W2, b2)
    S3p = _seg_sum(h2, src2, dst2)
    return _layer(_tc_lin, h2, S3p, d0, d1, W3, b3)

# --- scband reference (transcript-rebuilt; emitter-appended) ---
"""Pipeline reference for scband-edge-conv-5995774345346 (READ-ONLY COPY).

The authoritative reference and input builder live on the scoring server;
editing this copy changes nothing except your own understanding.
"""

import jax, jax.numpy as jnp
import numpy as np

N_NODES = 10000
N_EDGES = 320000
D_IN = 128
D_HID = 128
D_OUT = 128


def setup_inputs(seed: int = 0) -> dict:
    key = jax.random.key(seed)
    ks = jax.random.split(key, 8)
    x = jax.random.normal(ks[0], (N_NODES, D_IN), dtype=jnp.float32)
    edge_index = jax.random.randint(ks[1], (2, N_EDGES), 0, N_NODES, dtype=jnp.int64)
    # Layer 1: Linear(2*D_IN + 0 -> D_HID)
    s1 = 1.0 / np.sqrt(2 * D_IN)
    W1 = jax.random.uniform(ks[2], (D_HID, 2 * D_IN), minval=-s1, maxval=s1, dtype=jnp.float32)
    b1 = jax.random.uniform(ks[3], (D_HID,), minval=-s1, maxval=s1, dtype=jnp.float32)
    # Layer 2: Linear(2*D_HID -> D_HID)
    s2 = 1.0 / np.sqrt(2 * D_HID)
    W2 = jax.random.uniform(ks[4], (D_HID, 2 * D_HID), minval=-s2, maxval=s2, dtype=jnp.float32)
    b2 = jax.random.uniform(ks[5], (D_HID,), minval=-s2, maxval=s2, dtype=jnp.float32)
    # Layer 3: Linear(2*D_HID -> D_OUT)
    W3 = jax.random.uniform(ks[6], (D_OUT, 2 * D_HID), minval=-s2, maxval=s2, dtype=jnp.float32)
    b3 = jax.random.uniform(ks[7], (D_OUT,), minval=-s2, maxval=s2, dtype=jnp.float32)
    return {"x": x, "edge_index": edge_index, "W1": W1, "b1": b1, "W2": W2, "b2": b2, "W3": W3, "b3": b3}


def _edgeconv_layer(x, edge_index, W, b):
    # PyG MessagePassing (flow=source_to_target, aggr='add'):
    #   x_j = x[edge_index[0]] (source), x_i = x[edge_index[1]] (target)
    #   message = nn(cat([x_i, x_j, edge_attr]))  (edge_dim=0 -> no edge_attr cols)
    #   aggregate: scatter-add at edge_index[1]
    src = edge_index[0]
    dst = edge_index[1]
    x_i = jnp.take(x, dst, axis=0)
    x_j = jnp.take(x, src, axis=0)
    temp = jnp.concatenate([x_i, x_j], axis=1)
    msg = temp @ W.T + b
    out = jax.ops.segment_sum(msg, dst, num_segments=x.shape[0])
    return out


def reference(x, edge_index, W1, b1, W2, b2, W3, b3):
    # dropout p=0.0 / eval mode -> identity
    h = _edgeconv_layer(x, edge_index, W1, b1)
    h = jax.nn.relu(h)
    h = _edgeconv_layer(h, edge_index, W2, b2)
    h = jax.nn.relu(h)
    out = _edgeconv_layer(h, edge_index, W3, b3)
    return out

if __name__ == "__main__":
    import jax
    _d = setup_inputs()
    print(jax.jit(kernel)(*tuple(_d.values())))

</pallas_src>

<mosaic_0001>
#map = affine_map<(d0, d1) -> (0, 0)>
#map1 = affine_map<(d0, d1) -> (0, 0, 0)>
module attributes {stable_mosaic.version = 14 : i64} {
  func.func @body(%arg0: i32, %arg1: i32, %arg2: memref<10000x128xf32, #tpu.memory_space<hbm>>, %arg3: memref<2560x128xi32, #tpu.memory_space<hbm>>, %arg4: memref<2560x128xi32, #tpu.memory_space<hbm>>, %arg5: memref<2x10240x128xf32, #tpu.memory_space<hbm>>, %arg6: memref<40x128xi32, #tpu.memory_space<vmem>>, %arg7: memref<40x128xi32, #tpu.memory_space<vmem>>, %arg8: memref<128x128xf32, #tpu.memory_space<vmem>>, %arg9: memref<128x128xf32, #tpu.memory_space<vmem>>, %arg10: memref<10240x128xf32, #tpu.memory_space<vmem_shared>>, %arg11: memref<!tpu.dma_semaphore, #tpu.memory_space<semaphore_mem>>, %arg12: memref<!tpu.dma_semaphore, #tpu.memory_space<semaphore_mem>>) attributes {dimension_semantics = [#tpu.dimension_semantics<core_parallel>, #tpu.dimension_semantics<subcore_parallel>], iteration_bounds = array<i64: 2, 16>, scalar_prefetch = 0 : i64, scratch_operands = 7 : i64, tpu.core_type = #tpu.core_type<sc_vector_subcore>, window_params = [{transform_indices = #map}, {transform_indices = #map}, {transform_indices = #map}, {transform_indices = #map1}]} {
    %broadcast_in_dim3A = arith.constant 0.000000e+00 : f32
    %broadcast_in_dim3A_0 = vector.broadcast %broadcast_in_dim3A : f32 to vector<16xf32>
    %scan3A = arith.constant 0 : i32
    %scan3A_1 = arith.constant 0 : i32
    %scan3A_2 = arith.constant 1024 : i32
    %scan3A_3 = arith.addi %scan3A_1, %scan3A_2 : i32
    %scan3A_4 = arith.constant 1 : i32
    %scan3A_5 = scf.for %scan3A_70 = %scan3A_1 to %scan3A_3 step %scan3A_4 iter_args(%scan3A_71 = %scan3A) -> (i32)  : i32 {
      %jit3A_72 = arith.constant 8 : i32
      %div3A_73 = arith.divsi %scan3A_70, %jit3A_72 : i32
      %sign3A_74 = arith.constant 0 : i32
      %sign3A_75 = arith.cmpi sgt, %scan3A_70, %sign3A_74 : i32
      %sign3A_76 = arith.extui %sign3A_75 : i1 to i32
      %sign3A_77 = arith.constant 0 : i32
      %sign3A_78 = arith.cmpi slt, %scan3A_70, %sign3A_77 : i32
      %sign3A_79 = arith.extui %sign3A_78 : i1 to i32
      %sign3A_80 = arith.subi %sign3A_76, %sign3A_79 : i32
      %sign3A_81 = arith.constant 0 : i32
      %sign3A_82 = arith.cmpi sgt, %jit3A_72, %sign3A_81 : i32
      %sign3A_83 = arith.extui %sign3A_82 : i1 to i32
      %sign3A_84 = arith.constant 0 : i32
      %sign3A_85 = arith.cmpi slt, %jit3A_72, %sign3A_84 : i32
      %sign3A_86 = arith.extui %sign3A_85 : i1 to i32
      %sign3A_87 = arith.subi %sign3A_83, %sign3A_86 : i32
      %ne3A_88 = arith.cmpi ne, %sign3A_80, %sign3A_87 : i32
      %rem3A_89 = arith.remsi %scan3A_70, %jit3A_72 : i32
      %ne3A_90 = arith.constant 0 : i32
      %ne3A_91 = arith.cmpi ne, %rem3A_89, %ne3A_90 : i32
      %and3A_92 = arith.andi %ne3A_88, %ne3A_91 : i1
      %sub3A_93 = arith.constant 1 : i32
      %sub3A_94 = arith.subi %div3A_73, %sub3A_93 : i32
      %select_n3A_95 = arith.select %and3A_92, %sub3A_94, %div3A_73 : i32
      %jit3A_96 = arith.constant 8 : i32
      %eq3A_97 = arith.constant 0 : i32
      %eq3A_98 = arith.cmpi eq, %jit3A_96, %eq3A_97 : i32
      %jit3A_99 = arith.constant 1 : i32
      %select_n3A_100 = arith.select %eq3A_98, %jit3A_99, %jit3A_96 : i32
      %rem3A_101 = arith.remsi %scan3A_70, %select_n3A_100 : i32
      %ne3A_102 = arith.constant 0 : i32
      %ne3A_103 = arith.cmpi ne, %rem3A_101, %ne3A_102 : i32
      %lt3A = arith.constant 0 : i32
      %lt3A_104 = arith.cmpi slt, %rem3A_101, %lt3A : i32
      %lt3A_105 = arith.constant 0 : i32
      %lt3A_106 = arith.cmpi slt, %select_n3A_100, %lt3A_105 : i32
      %ne3A_107 = arith.xori %lt3A_104, %lt3A_106 : i1
      %and3A_108 = arith.andi %ne3A_107, %ne3A_103 : i1
      %add3A_109 = arith.addi %rem3A_101, %select_n3A_100 : i32
      %select_n3A_110 = arith.select %and3A_108, %add3A_109, %rem3A_101 : i32
      %mul3A_111 = arith.constant 16 : i32
      %mul3A_112 = arith.muli %select_n3A_110, %mul3A_111 : i32
      %swap3A = arith.index_cast %select_n3A_95 : i32 to index
      %swap3A_113 = arith.index_cast %mul3A_112 : i32 to index
      %swap3A_114 = tpu.vector_load %arg8[%swap3A, %swap3A_113] {strides = array<i32>} : memref<128x128xf32, #tpu.memory_space<vmem>>, vector<1x16xf32>,
      %swap3A_115 = vector.shape_cast %swap3A_114 : vector<1x16xf32> to vector<16xf32>
      %swap3A_116 = vector.shape_cast %broadcast_in_dim3A_0 : vector<16xf32> to vector<1x16xf32>
      tpu.vector_store %arg8[%swap3A, %swap3A_113], %swap3A_116 {strides = array<i32>} : memref<128x128xf32, #tpu.memory_space<vmem>>, vector<1x16xf32>,
      %scan3A_117 = arith.constant 0 : i32
      scf.yield %scan3A_117 : i32
    }
    %scan3A_6 = arith.constant 1024 : i32
    %mul3A = arith.constant 640 : i32
    %mul3A_7 = arith.muli %arg1, %mul3A : i32
    %add3A = arith.constant 0 : i32
    %add3A_8 = arith.addi %mul3A_7, %add3A : i32
    "tpu.region"() ({
      %run_scoped3A = tpu.sem_alloc : memref<!tpu.dma_semaphore, #tpu.memory_space<semaphore_mem>>
      %dma_start3A = arith.constant 0 : i32
      %dma_start3A_70 = tpu.memref_slice %arg10[%add3A_8, %dma_start3A] : memref<10240x128xf32, #tpu.memory_space<vmem_shared>> -> memref<128x128xf32, #tpu.memory_space<vmem_shared>>
      %dma_start3A_71 = arith.constant 0 : i32
      %dma_start3A_72 = tpu.memref_slice %arg10[%add3A_8, %dma_start3A_71] : memref<10240x128xf32, #tpu.memory_space<vmem_shared>> -> memref<128x128xf32, #tpu.memory_space<vmem_shared>>
      tpu.enqueue_dma source(%arg8 : memref<128x128xf32, #tpu.memory_space<vmem>>) target(%dma_start3A_72 : memref<128x128xf32, #tpu.memory_space<vmem_shared>>) target_semaphore(%run_scoped3A : memref<!tpu.dma_semaphore, #tpu.memory_space<semaphore_mem>>)
      %dma_wait3A = arith.constant 0 : i32
      %dma_wait3A_73 = tpu.memref_slice %arg10[%add3A_8, %dma_wait3A] : memref<10240x128xf32, #tpu.memory_space<vmem_shared>> -> memref<128x128xf32, #tpu.memory_space<vmem_shared>>
      %dma_wait3A_74 = arith.constant 0 : i32
      %dma_wait3A_75 = tpu.memref_slice %arg10[%add3A_8, %dma_wait3A_74] : memref<10240x128xf32, #tpu.memory_space<vmem_shared>> -> memref<128x128xf32, #tpu.memory_space<vmem_shared>>
      tpu.wait_dma2 semaphore(%run_scoped3A : memref<!tpu.dma_semaphore, #tpu.memory_space<semaphore_mem>>) src(%arg8 : memref<128x128xf32, #tpu.memory_space<vmem>>) dst(%dma_wait3A_75 : memref<128x128xf32, #tpu.memory_space<vmem_shared>>)
      tpu.yield
    }) : () -> ()
    %mul3A_9 = arith.constant 640 : i32
    %mul3A_10 = arith.muli %arg1, %mul3A_9 : i32
    %add3A_11 = arith.constant 128 : i32
    %add3A_12 = arith.addi %mul3A_10, %add3A_11 : i32
    "tpu.region"() ({
      %run_scoped3A = tpu.sem_alloc : memref<!tpu.dma_semaphore, #tpu.memory_space<semaphore_mem>>
      %dma_start3A = arith.constant 0 : i32
      %dma_start3A_70 = tpu.memref_slice %arg10[%add3A_12, %dma_start3A] : memref<10240x128xf32, #tpu.memory_space<vmem_shared>> -> memref<128x128xf32, #tpu.memory_space<vmem_shared>>
      %dma_start3A_71 = arith.constant 0 : i32
      %dma_start3A_72 = tpu.memref_slice %arg10[%add3A_12, %dma_start3A_71] : memref<10240x128xf32, #tpu.memory_space<vmem_shared>> -> memref<128x128xf32, #tpu.memory_space<vmem_shared>>
      tpu.enqueue_dma source(%arg8 : memref<128x128xf32, #tpu.memory_space<vmem>>) target(%dma_start3A_72 : memref<128x128xf32, #tpu.memory_space<vmem_shared>>) target_semaphore(%run_scoped3A : memref<!tpu.dma_semaphore, #tpu.memory_space<semaphore_mem>>)
      %dma_wait3A = arith.constant 0 : i32
      %dma_wait3A_73 = tpu.memref_slice %arg10[%add3A_12, %dma_wait3A] : memref<10240x128xf32, #tpu.memory_space<vmem_shared>> -> memref<128x128xf32, #tpu.memory_space<vmem_shared>>
      %dma_wait3A_74 = arith.constant 0 : i32
      %dma_wait3A_75 = tpu.memref_slice %arg10[%add3A_12, %dma_wait3A_74] : memref<10240x128xf32, #tpu.memory_space<vmem_shared>> -> memref<128x128xf32, #tpu.memory_space<vmem_shared>>
      tpu.wait_dma2 semaphore(%run_scoped3A : memref<!tpu.dma_semaphore, #tpu.memory_space<semaphore_mem>>) src(%arg8 : memref<128x128xf32, #tpu.memory_space<vmem>>) dst(%dma_wait3A_75 : memref<128x128xf32, #tpu.memory_space<vmem_shared>>)
      tpu.yield
    }) : () -> ()
    %mul3A_13 = arith.constant 640 : i32
    %mul3A_14 = arith.muli %arg1, %mul3A_13 : i32
    %add3A_15 = arith.constant 256 : i32
    %add3A_16 = arith.addi %mul3A_14, %add3A_15 : i32
    "tpu.region"() ({
      %run_scoped3A = tpu.sem_alloc : memref<!tpu.dma_semaphore, #tpu.memory_space<semaphore_mem>>
      %dma_start3A = arith.constant 0 : i32
      %dma_start3A_70 = tpu.memref_slice %arg10[%add3A_16, %dma_start3A] : memref<10240x128xf32, #tpu.memory_space<vmem_shared>> -> memref<128x128xf32, #tpu.memory_space<vmem_shared>>
      %dma_start3A_71 = arith.constant 0 : i32
      %dma_start3A_72 = tpu.memref_slice %arg10[%add3A_16, %dma_start3A_71] : memref<10240x128xf32, #tpu.memory_space<vmem_shared>> -> memref<128x128xf32, #tpu.memory_space<vmem_shared>>
      tpu.enqueue_dma source(%arg8 : memref<128x128xf32, #tpu.memory_space<vmem>>) target(%dma_start3A_72 : memref<128x128xf32, #tpu.memory_space<vmem_shared>>) target_semaphore(%run_scoped3A : memref<!tpu.dma_semaphore, #tpu.memory_space<semaphore_mem>>)
      %dma_wait3A = arith.constant 0 : i32
      %dma_wait3A_73 = tpu.memref_slice %arg10[%add3A_16, %dma_wait3A] : memref<10240x128xf32, #tpu.memory_space<vmem_shared>> -> memref<128x128xf32, #tpu.memory_space<vmem_shared>>
      %dma_wait3A_74 = arith.constant 0 : i32
      %dma_wait3A_75 = tpu.memref_slice %arg10[%add3A_16, %dma_wait3A_74] : memref<10240x128xf32, #tpu.memory_space<vmem_shared>> -> memref<128x128xf32, #tpu.memory_space<vmem_shared>>
      tpu.wait_dma2 semaphore(%run_scoped3A : memref<!tpu.dma_semaphore, #tpu.memory_space<semaphore_mem>>) src(%arg8 : memref<128x128xf32, #tpu.memory_space<vmem>>) dst(%dma_wait3A_75 : memref<128x128xf32, #tpu.memory_space<vmem_shared>>)
      tpu.yield
    }) : () -> ()
    %mul3A_17 = arith.constant 640 : i32
    %mul3A_18 = arith.muli %arg1, %mul3A_17 : i32
    %add3A_19 = arith.constant 384 : i32
    %add3A_20 = arith.addi %mul3A_18, %add3A_19 : i32
    "tpu.region"() ({
      %run_scoped3A = tpu.sem_alloc : memref<!tpu.dma_semaphore, #tpu.memory_space<semaphore_mem>>
      %dma_start3A = arith.constant 0 : i32
      %dma_start3A_70 = tpu.memref_slice %arg10[%add3A_20, %dma_start3A] : memref<10240x128xf32, #tpu.memory_space<vmem_shared>> -> memref<128x128xf32, #tpu.memory_space<vmem_shared>>
      %dma_start3A_71 = arith.constant 0 : i32
      %dma_start3A_72 = tpu.memref_slice %arg10[%add3A_20, %dma_start3A_71] : memref<10240x128xf32, #tpu.memory_space<vmem_shared>> -> memref<128x128xf32, #tpu.memory_space<vmem_shared>>
      tpu.enqueue_dma source(%arg8 : memref<128x128xf32, #tpu.memory_space<vmem>>) target(%dma_start3A_72 : memref<128x128xf32, #tpu.memory_space<vmem_shared>>) target_semaphore(%run_scoped3A : memref<!tpu.dma_semaphore, #tpu.memory_space<semaphore_mem>>)
      %dma_wait3A = arith.constant 0 : i32
      %dma_wait3A_73 = tpu.memref_slice %arg10[%add3A_20, %dma_wait3A] : memref<10240x128xf32, #tpu.memory_space<vmem_shared>> -> memref<128x128xf32, #tpu.memory_space<vmem_shared>>
      %dma_wait3A_74 = arith.constant 0 : i32
      %dma_wait3A_75 = tpu.memref_slice %arg10[%add3A_20, %dma_wait3A_74] : memref<10240x128xf32, #tpu.memory_space<vmem_shared>> -> memref<128x128xf32, #tpu.memory_space<vmem_shared>>
      tpu.wait_dma2 semaphore(%run_scoped3A : memref<!tpu.dma_semaphore, #tpu.memory_space<semaphore_mem>>) src(%arg8 : memref<128x128xf32, #tpu.memory_space<vmem>>) dst(%dma_wait3A_75 : memref<128x128xf32, #tpu.memory_space<vmem_shared>>)
      tpu.yield
    }) : () -> ()
    %mul3A_21 = arith.constant 640 : i32
    %mul3A_22 = arith.muli %arg1, %mul3A_21 : i32
    %add3A_23 = arith.constant 512 : i32
    %add3A_24 = arith.addi %mul3A_22, %add3A_23 : i32
    "tpu.region"() ({
      %run_scoped3A = tpu.sem_alloc : memref<!tpu.dma_semaphore, #tpu.memory_space<semaphore_mem>>
      %dma_start3A = arith.constant 0 : i32
      %dma_start3A_70 = tpu.memref_slice %arg10[%add3A_24, %dma_start3A] : memref<10240x128xf32, #tpu.memory_space<vmem_shared>> -> memref<128x128xf32, #tpu.memory_space<vmem_shared>>
      %dma_start3A_71 = arith.constant 0 : i32
      %dma_start3A_72 = tpu.memref_slice %arg10[%add3A_24, %dma_start3A_71] : memref<10240x128xf32, #tpu.memory_space<vmem_shared>> -> memref<128x128xf32, #tpu.memory_space<vmem_shared>>
      tpu.enqueue_dma source(%arg8 : memref<128x128xf32, #tpu.memory_space<vmem>>) target(%dma_start3A_72 : memref<128x128xf32, #tpu.memory_space<vmem_shared>>) target_semaphore(%run_scoped3A : memref<!tpu.dma_semaphore, #tpu.memory_space<semaphore_mem>>)
      %dma_wait3A = arith.constant 0 : i32
      %dma_wait3A_73 = tpu.memref_slice %arg10[%add3A_24, %dma_wait3A] : memref<10240x128xf32, #tpu.memory_space<vmem_shared>> -> memref<128x128xf32, #tpu.memory_space<vmem_shared>>
      %dma_wait3A_74 = arith.constant 0 : i32
      %dma_wait3A_75 = tpu.memref_slice %arg10[%add3A_24, %dma_wait3A_74] : memref<10240x128xf32, #tpu.memory_space<vmem_shared>> -> memref<128x128xf32, #tpu.memory_space<vmem_shared>>
      tpu.wait_dma2 semaphore(%run_scoped3A : memref<!tpu.dma_semaphore, #tpu.memory_space<semaphore_mem>>) src(%arg8 : memref<128x128xf32, #tpu.memory_space<vmem>>) dst(%dma_wait3A_75 : memref<128x128xf32, #tpu.memory_space<vmem_shared>>)
      tpu.yield
    }) : () -> ()
    %barrier3A = arith.constant 0 : index
    tpu.barrier barrier_id(%barrier3A)
    %eq3A = arith.constant 1 : i32
    %eq3A_25 = arith.cmpi eq, %arg0, %eq3A : i32
    %jit3A = arith.constant 80 : i32
    %jit3A_26 = arith.constant 80 : i32
    %select_n3A = arith.select %eq3A_25, %jit3A, %jit3A_26 : i32
    %eq3A_27 = arith.constant 1 : i32
    %eq3A_28 = arith.cmpi eq, %arg0, %eq3A_27 : i32
    %mul3A_29 = arith.constant 80 : i32
    %mul3A_30 = arith.muli %arg1, %mul3A_29 : i32
    %add3A_31 = arith.constant 1280 : i32
    %add3A_32 = arith.addi %add3A_31, %mul3A_30 : i32
    %mul3A_33 = arith.constant 80 : i32
    %mul3A_34 = arith.muli %arg1, %mul3A_33 : i32
    %select_n3A_35 = arith.select %eq3A_28, %add3A_32, %mul3A_34 : i32
    %jit3A_36 = arith.constant 40 : i32
    %div3A = arith.divsi %select_n3A, %jit3A_36 : i32
    %sign3A = arith.constant 0 : i32
    %sign3A_37 = arith.cmpi sgt, %select_n3A, %sign3A : i32
    %sign3A_38 = arith.extui %sign3A_37 : i1 to i32
    %sign3A_39 = arith.constant 0 : i32
    %sign3A_40 = arith.cmpi slt, %select_n3A, %sign3A_39 : i32
    %sign3A_41 = arith.extui %sign3A_40 : i1 to i32
    %sign3A_42 = arith.subi %sign3A_38, %sign3A_41 : i32
    %sign3A_43 = arith.constant 0 : i32
    %sign3A_44 = arith.cmpi sgt, %jit3A_36, %sign3A_43 : i32
    %sign3A_45 = arith.extui %sign3A_44 : i1 to i32
    %sign3A_46 = arith.constant 0 : i32
    %sign3A_47 = arith.cmpi slt, %jit3A_36, %sign3A_46 : i32
    %sign3A_48 = arith.extui %sign3A_47 : i1 to i32
    %sign3A_49 = arith.subi %sign3A_45, %sign3A_48 : i32
    %ne3A = arith.cmpi ne, %sign3A_42, %sign3A_49 : i32
    %rem3A = arith.remsi %select_n3A, %jit3A_36 : i32
    %ne3A_50 = arith.constant 0 : i32
    %ne3A_51 = arith.cmpi ne, %rem3A, %ne3A_50 : i32
    %and3A = arith.andi %ne3A, %ne3A_51 : i1
    %sub3A = arith.constant 1 : i32
    %sub3A_52 = arith.subi %div3A, %sub3A : i32
    %select_n3A_53 = arith.select %and3A, %sub3A_52, %div3A : i32
    %while3A = arith.constant 0 : i32
    %while3A_54 = arith.constant 0 : i32
    %while3A_55 = arith.subi %select_n3A_53, %while3A : i32
    %while3A_56 = arith.addi %while3A, %while3A_55 : i32
    %while3A_57 = arith.constant 1 : i32
    %while3A_58 = arith.divsi %while3A_55, %while3A_57 : i32
    %while3A_59 = arith.muli %while3A_58, %while3A_57 : i32
    %while3A_60 = arith.addi %while3A, %while3A_59 : i32
    %while3A_61 = arith.constant 1 : i32
    %while3A_62 = scf.for %while3A_70 = %while3A to %while3A_60 step %while3A_61 iter_args(%while3A_71 = %while3A_54) -> (i32)  : i32 {
      %mul3A_72 = arith.constant 40 : i32
      %mul3A_73 = arith.muli %while3A_70, %mul3A_72 : i32
      %add3A_74 = arith.addi %select_n3A_35, %mul3A_73 : i32
      "tpu.region"() ({
        %run_scoped3A = tpu.sem_alloc : memref<!tpu.dma_semaphore, #tpu.memory_space<semaphore_mem>>
        %dma_start3A_92 = arith.constant 0 : i32
        %dma_start3A_93 = tpu.memref_slice %arg3[%add3A_74, %dma_start3A_92] : memref<2560x128xi32, #tpu.memory_space<hbm>> -> memref<40x128xi32, #tpu.memory_space<hbm>>
        %dma_start3A_94 = arith.constant 0 : i32
        %dma_start3A_95 = tpu.memref_slice %arg3[%add3A_74, %dma_start3A_94] : memref<2560x128xi32, #tpu.memory_space<hbm>> -> memref<40x128xi32, #tpu.memory_space<hbm>>
        tpu.enqueue_dma source(%dma_start3A_95 : memref<40x128xi32, #tpu.memory_space<hbm>>) target(%arg6 : memref<40x128xi32, #tpu.memory_space<vmem>>) target_semaphore(%run_scoped3A : memref<!tpu.dma_semaphore, #tpu.memory_space<semaphore_mem>>)
        %dma_wait3A = arith.constant 0 : i32
        %dma_wait3A_96 = tpu.memref_slice %arg3[%add3A_74, %dma_wait3A] : memref<2560x128xi32, #tpu.memory_space<hbm>> -> memref<40x128xi32, #tpu.memory_space<hbm>>
        %dma_wait3A_97 = arith.constant 0 : i32
        %dma_wait3A_98 = tpu.memref_slice %arg3[%add3A_74, %dma_wait3A_97] : memref<2560x128xi32, #tpu.memory_space<hbm>> -> memref<40x128xi32, #tpu.memory_space<hbm>>
        tpu.wait_dma2 semaphore(%run_scoped3A : memref<!tpu.dma_semaphore, #tpu.memory_space<semaphore_mem>>) src(%dma_wait3A_98 : memref<40x128xi32, #tpu.memory_space<hbm>>) dst(%arg6 : memref<40x128xi32, #tpu.memory_space<vmem>>)
        tpu.yield
      }) : () -> ()
      %mul3A_75 = arith.constant 40 : i32
      %mul3A_76 = arith.muli %while3A_70, %mul3A_75 : i32
      %add3A_77 = arith.addi %select_n3A_35, %mul3A_76 : i32
      "tpu.region"() ({
        %run_scoped3A = tpu.sem_alloc : memref<!tpu.dma_semaphore, #tpu.memory_space<semaphore_mem>>
        %dma_start3A_92 = arith.constant 0 : i32
        %dma_start3A_93 = tpu.memref_slice %arg4[%add3A_77, %dma_start3A_92] : memref<2560x128xi32, #tpu.memory_space<hbm>> -> memref<40x128xi32, #tpu.memory_space<hbm>>
        %dma_start3A_94 = arith.constant 0 : i32
        %dma_start3A_95 = tpu.memref_slice %arg4[%add3A_77, %dma_start3A_94] : memref<2560x128xi32, #tpu.memory_space<hbm>> -> memref<40x128xi32, #tpu.memory_space<hbm>>
        tpu.enqueue_dma source(%dma_start3A_95 : memref<40x128xi32, #tpu.memory_space<hbm>>) target(%arg7 : memref<40x128xi32, #tpu.memory_space<vmem>>) target_semaphore(%run_scoped3A : memref<!tpu.dma_semaphore, #tpu.memory_space<semaphore_mem>>)
        %dma_wait3A = arith.constant 0 : i32
        %dma_wait3A_96 = tpu.memref_slice %arg4[%add3A_77, %dma_wait3A] : memref<2560x128xi32, #tpu.memory_space<hbm>> -> memref<40x128xi32, #tpu.memory_space<hbm>>
        %dma_wait3A_97 = arith.constant 0 : i32
        %dma_wait3A_98 = tpu.memref_slice %arg4[%add3A_77, %dma_wait3A_97] : memref<2560x128xi32, #tpu.memory_space<hbm>> -> memref<40x128xi32, #tpu.memory_space<hbm>>
        tpu.wait_dma2 semaphore(%run_scoped3A : memref<!tpu.dma_semaphore, #tpu.memory_space<semaphore_mem>>) src(%dma_wait3A_98 : memref<40x128xi32, #tpu.memory_space<hbm>>) dst(%arg7 : memref<40x128xi32, #tpu.memory_space<vmem>>)
        tpu.yield
      }) : () -> ()
      %dma_start3A = arith.constant 0 : i32
      %dma_start3A_78 = arith.constant 0 : i32
      %dma_start3A_79 = tpu.memref_slice %arg6[%dma_start3A, %dma_start3A_78] : memref<40x128xi32, #tpu.memory_space<vmem>> -> memref<1x128xi32, #tpu.memory_space<vmem>>
      %dma_start3A_80 = tpu.memref_squeeze %dma_start3A_79 : memref<1x128xi32, #tpu.memory_space<vmem>> -> memref<128xi32, #tpu.memory_space<vmem>>
      %dma_start3A_81 = arith.constant 0 : i32
      %dma_start3A_82 = arith.constant 0 : i32
      %dma_start3A_83 = tpu.memref_slice %arg2[%dma_start3A_81, %dma_start3A_82] : memref<10000x128xf32, #tpu.memory_space<hbm>> -> memref<10000x128xf32, #tpu.memory_space<hbm>>
      tpu.enqueue_indirect_dma source(%dma_start3A_83 : memref<10000x128xf32, #tpu.memory_space<hbm>>) target(%arg8 : memref<128x128xf32, #tpu.memory_space<vmem>>) offsets(%dma_start3A_80 : memref<128xi32, #tpu.memory_space<vmem>>) semaphore(%arg11 : memref<!tpu.dma_semaphore, #tpu.memory_space<semaphore_mem>>)
      %scan3A_84 = arith.constant 0 : i32
      %scan3A_85 = arith.constant 0 : i32
      %scan3A_86 = arith.constant 20 : i32
      %scan3A_87 = arith.addi %scan3A_85, %scan3A_86 : i32
      %scan3A_88 = arith.constant 1 : i32
      %scan3A_89 = scf.for %scan3A_92 = %scan3A_85 to %scan3A_87 step %scan3A_88 iter_args(%scan3A_93 = %scan3A_84) -> (i32)  : i32 {
        %mul3A_94 = arith.constant 2 : i32
        %mul3A_95 = arith.muli %scan3A_92, %mul3A_94 : i32
        %add3A_96 = arith.constant 1 : i32
        %add3A_97 = arith.addi %mul3A_95, %add3A_96 : i32
        %dma_start3A_98 = arith.constant 0 : i32
        %dma_start3A_99 = tpu.memref_slice %arg6[%add3A_97, %dma_start3A_98] : memref<40x128xi32, #tpu.memory_space<vmem>> -> memref<1x128xi32, #tpu.memory_space<vmem>>
        %dma_start3A_100 = tpu.memref_squeeze %dma_start3A_99 : memref<1x128xi32, #tpu.memory_space<vmem>> -> memref<128xi32, #tpu.memory_space<vmem>>
        %dma_start3A_101 = arith.constant 0 : i32
        %dma_start3A_102 = arith.constant 0 : i32
        %dma_start3A_103 = tpu.memref_slice %arg2[%dma_start3A_101, %dma_start3A_102] : memref<10000x128xf32, #tpu.memory_space<hbm>> -> memref<10000x128xf32, #tpu.memory_space<hbm>>
        tpu.enqueue_indirect_dma source(%dma_start3A_103 : memref<10000x128xf32, #tpu.memory_space<hbm>>) target(%arg9 : memref<128x128xf32, #tpu.memory_space<vmem>>) offsets(%dma_start3A_100 : memref<128xi32, #tpu.memory_space<vmem>>) semaphore(%arg12 : memref<!tpu.dma_semaphore, #tpu.memory_space<semaphore_mem>>)
        %dma_wait3A = arith.constant 0 : i32
        %dma_wait3A_104 = tpu.memref_slice %arg6[%mul3A_95, %dma_wait3A] : memref<40x128xi32, #tpu.memory_space<vmem>> -> memref<1x128xi32, #tpu.memory_space<vmem>>
        %dma_wait3A_105 = tpu.memref_squeeze %dma_wait3A_104 : memref<1x128xi32, #tpu.memory_space<vmem>> -> memref<128xi32, #tpu.memory_space<vmem>>
        %dma_wait3A_106 = arith.constant 0 : i32
        %dma_wait3A_107 = arith.constant 0 : i32
        %dma_wait3A_108 = tpu.memref_slice %arg2[%dma_wait3A_106, %dma_wait3A_107] : memref<10000x128xf32, #tpu.memory_space<hbm>> -> memref<10000x128xf32, #tpu.memory_space<hbm>>
        tpu.wait_indirect_dma semaphore(%arg11 : memref<!tpu.dma_semaphore, #tpu.memory_space<semaphore_mem>>) src(%dma_wait3A_108 : memref<10000x128xf32, #tpu.memory_space<hbm>>) dst(%arg8 : memref<128x128xf32, #tpu.memory_space<vmem>>)
        "tpu.region"() ({
          %run_scoped3A = tpu.sem_alloc : memref<!tpu.dma_semaphore, #tpu.memory_space<semaphore_mem>>
          %dma_start3A_122 = arith.constant 0 : i32
          %dma_start3A_123 = tpu.memref_slice %arg7[%mul3A_95, %dma_start3A_122] : memref<40x128xi32, #tpu.memory_space<vmem>> -> memref<1x128xi32, #tpu.memory_space<vmem>>
          %dma_start3A_124 = tpu.memref_squeeze %dma_start3A_123 : memref<1x128xi32, #tpu.memory_space<vmem>> -> memref<128xi32, #tpu.memory_space<vmem>>
          %dma_start3A_125 = arith.constant 0 : i32
          %dma_start3A_126 = arith.constant 0 : i32
          %dma_start3A_127 = tpu.memref_slice %arg10[%dma_start3A_125, %dma_start3A_126] : memref<10240x128xf32, #tpu.memory_space<vmem_shared>> -> memref<10240x128xf32, #tpu.memory_space<vmem_shared>>
          tpu.enqueue_indirect_dma source(%arg8 : memref<128x128xf32, #tpu.memory_space<vmem>>) target(%dma_start3A_127 : memref<10240x128xf32, #tpu.memory_space<vmem_shared>>) offsets(%dma_start3A_124 : memref<128xi32, #tpu.memory_space<vmem>>) semaphore(%run_scoped3A : memref<!tpu.dma_semaphore, #tpu.memory_space<semaphore_mem>>) {add = true}
          %dma_wait3A_128 = arith.constant 0 : i32
          %dma_wait3A_129 = tpu.memref_slice %arg7[%mul3A_95, %dma_wait3A_128] : memref<40x128xi32, #tpu.memory_space<vmem>> -> memref<1x128xi32, #tpu.memory_space<vmem>>
          %dma_wait3A_130 = tpu.memref_squeeze %dma_wait3A_129 : memref<1x128xi32, #tpu.memory_space<vmem>> -> memref<128xi32, #tpu.memory_space<vmem>>
          %dma_wait3A_131 = arith.constant 0 : i32
          %dma_wait3A_132 = arith.constant 0 : i32
          %dma_wait3A_133 = tpu.memref_slice %arg10[%dma_wait3A_131, %dma_wait3A_132] : memref<10240x128xf32, #tpu.memory_space<vmem_shared>> -> memref<10240x128xf32, #tpu.memory_space<vmem_shared>>
          tpu.wait_indirect_dma semaphore(%run_scoped3A : memref<!tpu.dma_semaphore, #tpu.memory_space<semaphore_mem>>) src(%arg8 : memref<128x128xf32, #tpu.memory_space<vmem>>) dst(%dma_wait3A_133 : memref<10240x128xf32, #tpu.memory_space<vmem_shared>>)
          tpu.yield
        }) : () -> ()
        %lt3A = arith.constant 19 : i32
        %lt3A_109 = arith.cmpi slt, %scan3A_92, %lt3A : i32
        %convert_element_type3A = arith.extui %lt3A_109 : i1 to i32
        %cond3A = arith.constant 0 : i32
        %cond3A_110 = arith.cmpi ne, %convert_element_type3A, %cond3A : i32
        scf.if %cond3A_110 {
          %add3A_122 = arith.constant 2 : i32
          %add3A_123 = arith.addi %mul3A_95, %add3A_122 : i32
          %dma_start3A_124 = arith.constant 0 : i32
          %dma_start3A_125 = tpu.memref_slice %arg6[%add3A_123, %dma_start3A_124] : memref<40x128xi32, #tpu.memory_space<vmem>> -> memref<1x128xi32, #tpu.memory_space<vmem>>
          %dma_start3A_126 = tpu.memref_squeeze %dma_start3A_125 : memref<1x128xi32, #tpu.memory_space<vmem>> -> memref<128xi32, #tpu.memory_space<vmem>>
          %dma_start3A_127 = arith.constant 0 : i32
          %dma_start3A_128 = arith.constant 0 : i32
          %dma_start3A_129 = tpu.memref_slice %arg2[%dma_start3A_127, %dma_start3A_128] : memref<10000x128xf32, #tpu.memory_space<hbm>> -> memref<10000x128xf32, #tpu.memory_space<hbm>>
          tpu.enqueue_indirect_dma source(%dma_start3A_129 : memref<10000x128xf32, #tpu.memory_space<hbm>>) target(%arg8 : memref<128x128xf32, #tpu.memory_space<vmem>>) offsets(%dma_start3A_126 : memref<128xi32, #tpu.memory_space<vmem>>) semaphore(%arg11 : memref<!tpu.dma_semaphore, #tpu.memory_space<semaphore_mem>>)
        } else {
        }
        %add3A_111 = arith.constant 1 : i32
        %add3A_112 = arith.addi %mul3A_95, %add3A_111 : i32
        %dma_wait3A_113 = arith.constant 0 : i32
        %dma_wait3A_114 = tpu.memref_slice %arg6[%add3A_112, %dma_wait3A_113] : memref<40x128xi32, #tpu.memory_space<vmem>> -> memref<1x128xi32, #tpu.memory_space<vmem>>
        %dma_wait3A_115 = tpu.memref_squeeze %dma_wait3A_114 : memref<1x128xi32, #tpu.memory_space<vmem>> -> memref<128xi32, #tpu.memory_space<vmem>>
        %dma_wait3A_116 = arith.constant 0 : i32
        %dma_wait3A_117 = arith.constant 0 : i32
        %dma_wait3A_118 = tpu.memref_slice %arg2[%dma_wait3A_116, %dma_wait3A_117] : memref<10000x128xf32, #tpu.memory_space<hbm>> -> memref<10000x128xf32, #tpu.memory_space<hbm>>
        tpu.wait_indirect_dma semaphore(%arg12 : memref<!tpu.dma_semaphore, #tpu.memory_space<semaphore_mem>>) src(%dma_wait3A_118 : memref<10000x128xf32, #tpu.memory_space<hbm>>) dst(%arg9 : memref<128x128xf32, #tpu.memory_space<vmem>>)
        %add3A_119 = arith.constant 1 : i32
        %add3A_120 = arith.addi %mul3A_95, %add3A_119 : i32
        "tpu.region"() ({
          %run_scoped3A = tpu.sem_alloc : memref<!tpu.dma_semaphore, #tpu.memory_space<semaphore_mem>>
          %dma_start3A_122 = arith.constant 0 : i32
          %dma_start3A_123 = tpu.memref_slice %arg7[%add3A_120, %dma_start3A_122] : memref<40x128xi32, #tpu.memory_space<vmem>> -> memref<1x128xi32, #tpu.memory_space<vmem>>
          %dma_start3A_124 = tpu.memref_squeeze %dma_start3A_123 : memref<1x128xi32, #tpu.memory_space<vmem>> -> memref<128xi32, #tpu.memory_space<vmem>>
          %dma_start3A_125 = arith.constant 0 : i32
          %dma_start3A_126 = arith.constant 0 : i32
          %dma_start3A_127 = tpu.memref_slice %arg10[%dma_start3A_125, %dma_start3A_126] : memref<10240x128xf32, #tpu.memory_space<vmem_shared>> -> memref<10240x128xf32, #tpu.memory_space<vmem_shared>>
          tpu.enqueue_indirect_dma source(%arg9 : memref<128x128xf32, #tpu.memory_space<vmem>>) target(%dma_start3A_127 : memref<10240x128xf32, #tpu.memory_space<vmem_shared>>) offsets(%dma_start3A_124 : memref<128xi32, #tpu.memory_space<vmem>>) semaphore(%run_scoped3A : memref<!tpu.dma_semaphore, #tpu.memory_space<semaphore_mem>>) {add = true}
          %dma_wait3A_128 = arith.constant 0 : i32
          %dma_wait3A_129 = tpu.memref_slice %arg7[%add3A_120, %dma_wait3A_128] : memref<40x128xi32, #tpu.memory_space<vmem>> -> memref<1x128xi32, #tpu.memory_space<vmem>>
          %dma_wait3A_130 = tpu.memref_squeeze %dma_wait3A_129 : memref<1x128xi32, #tpu.memory_space<vmem>> -> memref<128xi32, #tpu.memory_space<vmem>>
          %dma_wait3A_131 = arith.constant 0 : i32
          %dma_wait3A_132 = arith.constant 0 : i32
          %dma_wait3A_133 = tpu.memref_slice %arg10[%dma_wait3A_131, %dma_wait3A_132] : memref<10240x128xf32, #tpu.memory_space<vmem_shared>> -> memref<10240x128xf32, #tpu.memory_space<vmem_shared>>
          tpu.wait_indirect_dma semaphore(%run_scoped3A : memref<!tpu.dma_semaphore, #tpu.memory_space<semaphore_mem>>) src(%arg9 : memref<128x128xf32, #tpu.memory_space<vmem>>) dst(%dma_wait3A_133 : memref<10240x128xf32, #tpu.memory_space<vmem_shared>>)
          tpu.yield
        }) : () -> ()
        %scan3A_121 = arith.constant 0 : i32
        scf.yield %scan3A_121 : i32
      }
      %scan3A_90 = arith.constant 20 : i32
      %while3A_91 = arith.constant 0 : i32
      scf.yield %while3A_91 : i32
    }
    %while3A_63 = arith.constant 1 : i32
    %while3A_64 = scf.for %while3A_70 = %while3A_60 to %while3A_56 step %while3A_63 iter_args(%while3A_71 = %while3A_62) -> (i32)  : i32 {
      %mul3A_72 = arith.constant 40 : i32
      %mul3A_73 = arith.muli %while3A_70, %mul3A_72 : i32
      %add3A_74 = arith.addi %select_n3A_35, %mul3A_73 : i32
      "tpu.region"() ({
        %run_scoped3A = tpu.sem_alloc : memref<!tpu.dma_semaphore, #tpu.memory_space<semaphore_mem>>
        %dma_start3A_92 = arith.constant 0 : i32
        %dma_start3A_93 = tpu.memref_slice %arg3[%add3A_74, %dma_start3A_92] : memref<2560x128xi32, #tpu.memory_space<hbm>> -> memref<40x128xi32, #tpu.memory_space<hbm>>
        %dma_start3A_94 = arith.constant 0 : i32
        %dma_start3A_95 = tpu.memref_slice %arg3[%add3A_74, %dma_start3A_94] : memref<2560x128xi32, #tpu.memory_space<hbm>> -> memref<40x128xi32, #tpu.memory_space<hbm>>
        tpu.enqueue_dma source(%dma_start3A_95 : memref<40x128xi32, #tpu.memory_space<hbm>>) target(%arg6 : memref<40x128xi32, #tpu.memory_space<vmem>>) target_semaphore(%run_scoped3A : memref<!tpu.dma_semaphore, #tpu.memory_space<semaphore_mem>>)
        %dma_wait3A = arith.constant 0 : i32
        %dma_wait3A_96 = tpu.memref_slice %arg3[%add3A_74, %dma_wait3A] : memref<2560x128xi32, #tpu.memory_space<hbm>> -> memref<40x128xi32, #tpu.memory_space<hbm>>
        %dma_wait3A_97 = arith.constant 0 : i32
        %dma_wait3A_98 = tpu.memref_slice %arg3[%add3A_74, %dma_wait3A_97] : memref<2560x128xi32, #tpu.memory_space<hbm>> -> memref<40x128xi32, #tpu.memory_space<hbm>>
        tpu.wait_dma2 semaphore(%run_scoped3A : memref<!tpu.dma_semaphore, #tpu.memory_space<semaphore_mem>>) src(%dma_wait3A_98 : memref<40x128xi32, #tpu.memory_space<hbm>>) dst(%arg6 : memref<40x128xi32, #tpu.memory_space<vmem>>)
        tpu.yield
      }) : () -> ()
      %mul3A_75 = arith.constant 40 : i32
      %mul3A_76 = arith.muli %while3A_70, %mul3A_75 : i32
      %add3A_77 = arith.addi %select_n3A_35, %mul3A_76 : i32
      "tpu.region"() ({
        %run_scoped3A = tpu.sem_alloc : memref<!tpu.dma_semaphore, #tpu.memory_space<semaphore_mem>>
        %dma_start3A_92 = arith.constant 0 : i32
        %dma_start3A_93 = tpu.memref_slice %arg4[%add3A_77, %dma_start3A_92] : memref<2560x128xi32, #tpu.memory_space<hbm>> -> memref<40x128xi32, #tpu.memory_space<hbm>>
        %dma_start3A_94 = arith.constant 0 : i32
        %dma_start3A_95 = tpu.memref_slice %arg4[%add3A_77, %dma_start3A_94] : memref<2560x128xi32, #tpu.memory_space<hbm>> -> memref<40x128xi32, #tpu.memory_space<hbm>>
        tpu.enqueue_dma source(%dma_start3A_95 : memref<40x128xi32, #tpu.memory_space<hbm>>) target(%arg7 : memref<40x128xi32, #tpu.memory_space<vmem>>) target_semaphore(%run_scoped3A : memref<!tpu.dma_semaphore, #tpu.memory_space<semaphore_mem>>)
        %dma_wait3A = arith.constant 0 : i32
        %dma_wait3A_96 = tpu.memref_slice %arg4[%add3A_77, %dma_wait3A] : memref<2560x128xi32, #tpu.memory_space<hbm>> -> memref<40x128xi32, #tpu.memory_space<hbm>>
        %dma_wait3A_97 = arith.constant 0 : i32
        %dma_wait3A_98 = tpu.memref_slice %arg4[%add3A_77, %dma_wait3A_97] : memref<2560x128xi32, #tpu.memory_space<hbm>> -> memref<40x128xi32, #tpu.memory_space<hbm>>
        tpu.wait_dma2 semaphore(%run_scoped3A : memref<!tpu.dma_semaphore, #tpu.memory_space<semaphore_mem>>) src(%dma_wait3A_98 : memref<40x128xi32, #tpu.memory_space<hbm>>) dst(%arg7 : memref<40x128xi32, #tpu.memory_space<vmem>>)
        tpu.yield
      }) : () -> ()
      %dma_start3A = arith.constant 0 : i32
      %dma_start3A_78 = arith.constant 0 : i32
      %dma_start3A_79 = tpu.memref_slice %arg6[%dma_start3A, %dma_start3A_78] : memref<40x128xi32, #tpu.memory_space<vmem>> -> memref<1x128xi32, #tpu.memory_space<vmem>>
      %dma_start3A_80 = tpu.memref_squeeze %dma_start3A_79 : memref<1x128xi32, #tpu.memory_space<vmem>> -> memref<128xi32, #tpu.memory_space<vmem>>
      %dma_start3A_81 = arith.constant 0 : i32
      %dma_start3A_82 = arith.constant 0 : i32
      %dma_start3A_83 = tpu.memref_slice %arg2[%dma_start3A_81, %dma_start3A_82] : memref<10000x128xf32, #tpu.memory_space<hbm>> -> memref<10000x128xf32, #tpu.memory_space<hbm>>
      tpu.enqueue_indirect_dma source(%dma_start3A_83 : memref<10000x128xf32, #tpu.memory_space<hbm>>) target(%arg8 : memref<128x128xf32, #tpu.memory_space<vmem>>) offsets(%dma_start3A_80 : memref<128xi32, #tpu.memory_space<vmem>>) semaphore(%arg11 : memref<!tpu.dma_semaphore, #tpu.memory_space<semaphore_mem>>)
      %scan3A_84 = arith.constant 0 : i32
      %scan3A_85 = arith.constant 0 : i32
      %scan3A_86 = arith.constant 20 : i32
      %scan3A_87 = arith.addi %scan3A_85, %scan3A_86 : i32
      %scan3A_88 = arith.constant 1 : i32
      %scan3A_89 = scf.for %scan3A_92 = %scan3A_85 to %scan3A_87 step %scan3A_88 iter_args(%scan3A_93 = %scan3A_84) -> (i32)  : i32 {
        %mul3A_94 = arith.constant 2 : i32
        %mul3A_95 = arith.muli %scan3A_92, %mul3A_94 : i32
        %add3A_96 = arith.constant 1 : i32
        %add3A_97 = arith.addi %mul3A_95, %add3A_96 : i32
        %dma_start3A_98 = arith.constant 0 : i32
        %dma_start3A_99 = tpu.memref_slice %arg6[%add3A_97, %dma_start3A_98] : memref<40x128xi32, #tpu.memory_space<vmem>> -> memref<1x128xi32, #tpu.memory_space<vmem>>
        %dma_start3A_100 = tpu.memref_squeeze %dma_start3A_99 : memref<1x128xi32, #tpu.memory_space<vmem>> -> memref<128xi32, #tpu.memory_space<vmem>>
        %dma_start3A_101 = arith.constant 0 : i32
        %dma_start3A_102 = arith.constant 0 : i32
        %dma_start3A_103 = tpu.memref_slice %arg2[%dma_start3A_101, %dma_start3A_102] : memref<10000x128xf32, #tpu.memory_space<hbm>> -> memref<10000x128xf32, #tpu.memory_space<hbm>>
        tpu.enqueue_indirect_dma source(%dma_start3A_103 : memref<10000x128xf32, #tpu.memory_space<hbm>>) target(%arg9 : memref<128x128xf32, #tpu.memory_space<vmem>>) offsets(%dma_start3A_100 : memref<128xi32, #tpu.memory_space<vmem>>) semaphore(%arg12 : memref<!tpu.dma_semaphore, #tpu.memory_space<semaphore_mem>>)
        %dma_wait3A = arith.constant 0 : i32
        %dma_wait3A_104 = tpu.memref_slice %arg6[%mul3A_95, %dma_wait3A] : memref<40x128xi32, #tpu.memory_space<vmem>> -> memref<1x128xi32, #tpu.memory_space<vmem>>
        %dma_wait3A_105 = tpu.memref_squeeze %dma_wait3A_104 : memref<1x128xi32, #tpu.memory_space<vmem>> -> memref<128xi32, #tpu.memory_space<vmem>>
        %dma_wait3A_106 = arith.constant 0 : i32
        %dma_wait3A_107 = arith.constant 0 : i32
        %dma_wait3A_108 = tpu.memref_slice %arg2[%dma_wait3A_106, %dma_wait3A_107] : memref<10000x128xf32, #tpu.memory_space<hbm>> -> memref<10000x128xf32, #tpu.memory_space<hbm>>
        tpu.wait_indirect_dma semaphore(%arg11 : memref<!tpu.dma_semaphore, #tpu.memory_space<semaphore_mem>>) src(%dma_wait3A_108 : memref<10000x128xf32, #tpu.memory_space<hbm>>) dst(%arg8 : memref<128x128xf32, #tpu.memory_space<vmem>>)
        "tpu.region"() ({
          %run_scoped3A = tpu.sem_alloc : memref<!tpu.dma_semaphore, #tpu.memory_space<semaphore_mem>>
          %dma_start3A_122 = arith.constant 0 : i32
          %dma_start3A_123 = tpu.memref_slice %arg7[%mul3A_95, %dma_start3A_122] : memref<40x128xi32, #tpu.memory_space<vmem>> -> memref<1x128xi32, #tpu.memory_space<vmem>>
          %dma_start3A_124 = tpu.memref_squeeze %dma_start3A_123 : memref<1x128xi32, #tpu.memory_space<vmem>> -> memref<128xi32, #tpu.memory_space<vmem>>
          %dma_start3A_125 = arith.constant 0 : i32
          %dma_start3A_126 = arith.constant 0 : i32
          %dma_start3A_127 = tpu.memref_slice %arg10[%dma_start3A_125, %dma_start3A_126] : memref<10240x128xf32, #tpu.memory_space<vmem_shared>> -> memref<10240x128xf32, #tpu.memory_space<vmem_shared>>
          tpu.enqueue_indirect_dma source(%arg8 : memref<128x128xf32, #tpu.memory_space<vmem>>) target(%dma_start3A_127 : memref<10240x128xf32, #tpu.memory_space<vmem_shared>>) offsets(%dma_start3A_124 : memref<128xi32, #tpu.memory_space<vmem>>) semaphore(%run_scoped3A : memref<!tpu.dma_semaphore, #tpu.memory_space<semaphore_mem>>) {add = true}
          %dma_wait3A_128 = arith.constant 0 : i32
          %dma_wait3A_129 = tpu.memref_slice %arg7[%mul3A_95, %dma_wait3A_128] : memref<40x128xi32, #tpu.memory_space<vmem>> -> memref<1x128xi32, #tpu.memory_space<vmem>>
          %dma_wait3A_130 = tpu.memref_squeeze %dma_wait3A_129 : memref<1x128xi32, #tpu.memory_space<vmem>> -> memref<128xi32, #tpu.memory_space<vmem>>
          %dma_wait3A_131 = arith.constant 0 : i32
          %dma_wait3A_132 = arith.constant 0 : i32
          %dma_wait3A_133 = tpu.memref_slice %arg10[%dma_wait3A_131, %dma_wait3A_132] : memref<10240x128xf32, #tpu.memory_space<vmem_shared>> -> memref<10240x128xf32, #tpu.memory_space<vmem_shared>>
          tpu.wait_indirect_dma semaphore(%run_scoped3A : memref<!tpu.dma_semaphore, #tpu.memory_space<semaphore_mem>>) src(%arg8 : memref<128x128xf32, #tpu.memory_space<vmem>>) dst(%dma_wait3A_133 : memref<10240x128xf32, #tpu.memory_space<vmem_shared>>)
          tpu.yield
        }) : () -> ()
        %lt3A = arith.constant 19 : i32
        %lt3A_109 = arith.cmpi slt, %scan3A_92, %lt3A : i32
        %convert_element_type3A = arith.extui %lt3A_109 : i1 to i32
        %cond3A = arith.constant 0 : i32
        %cond3A_110 = arith.cmpi ne, %convert_element_type3A, %cond3A : i32
        scf.if %cond3A_110 {
          %add3A_122 = arith.constant 2 : i32
          %add3A_123 = arith.addi %mul3A_95, %add3A_122 : i32
          %dma_start3A_124 = arith.constant 0 : i32
          %dma_start3A_125 = tpu.memref_slice %arg6[%add3A_123, %dma_start3A_124] : memref<40x128xi32, #tpu.memory_space<vmem>> -> memref<1x128xi32, #tpu.memory_space<vmem>>
          %dma_start3A_126 = tpu.memref_squeeze %dma_start3A_125 : memref<1x128xi32, #tpu.memory_space<vmem>> -> memref<128xi32, #tpu.memory_space<vmem>>
          %dma_start3A_127 = arith.constant 0 : i32
          %dma_start3A_128 = arith.constant 0 : i32
          %dma_start3A_129 = tpu.memref_slice %arg2[%dma_start3A_127, %dma_start3A_128] : memref<10000x128xf32, #tpu.memory_space<hbm>> -> memref<10000x128xf32, #tpu.memory_space<hbm>>
          tpu.enqueue_indirect_dma source(%dma_start3A_129 : memref<10000x128xf32, #tpu.memory_space<hbm>>) target(%arg8 : memref<128x128xf32, #tpu.memory_space<vmem>>) offsets(%dma_start3A_126 : memref<128xi32, #tpu.memory_space<vmem>>) semaphore(%arg11 : memref<!tpu.dma_semaphore, #tpu.memory_space<semaphore_mem>>)
        } else {
        }
        %add3A_111 = arith.constant 1 : i32
        %add3A_112 = arith.addi %mul3A_95, %add3A_111 : i32
        %dma_wait3A_113 = arith.constant 0 : i32
        %dma_wait3A_114 = tpu.memref_slice %arg6[%add3A_112, %dma_wait3A_113] : memref<40x128xi32, #tpu.memory_space<vmem>> -> memref<1x128xi32, #tpu.memory_space<vmem>>
        %dma_wait3A_115 = tpu.memref_squeeze %dma_wait3A_114 : memref<1x128xi32, #tpu.memory_space<vmem>> -> memref<128xi32, #tpu.memory_space<vmem>>
        %dma_wait3A_116 = arith.constant 0 : i32
        %dma_wait3A_117 = arith.constant 0 : i32
        %dma_wait3A_118 = tpu.memref_slice %arg2[%dma_wait3A_116, %dma_wait3A_117] : memref<10000x128xf32, #tpu.memory_space<hbm>> -> memref<10000x128xf32, #tpu.memory_space<hbm>>
        tpu.wait_indirect_dma semaphore(%arg12 : memref<!tpu.dma_semaphore, #tpu.memory_space<semaphore_mem>>) src(%dma_wait3A_118 : memref<10000x128xf32, #tpu.memory_space<hbm>>) dst(%arg9 : memref<128x128xf32, #tpu.memory_space<vmem>>)
        %add3A_119 = arith.constant 1 : i32
        %add3A_120 = arith.addi %mul3A_95, %add3A_119 : i32
        "tpu.region"() ({
          %run_scoped3A = tpu.sem_alloc : memref<!tpu.dma_semaphore, #tpu.memory_space<semaphore_mem>>
          %dma_start3A_122 = arith.constant 0 : i32
          %dma_start3A_123 = tpu.memref_slice %arg7[%add3A_120, %dma_start3A_122] : memref<40x128xi32, #tpu.memory_space<vmem>> -> memref<1x128xi32, #tpu.memory_space<vmem>>
          %dma_start3A_124 = tpu.memref_squeeze %dma_start3A_123 : memref<1x128xi32, #tpu.memory_space<vmem>> -> memref<128xi32, #tpu.memory_space<vmem>>
          %dma_start3A_125 = arith.constant 0 : i32
          %dma_start3A_126 = arith.constant 0 : i32
          %dma_start3A_127 = tpu.memref_slice %arg10[%dma_start3A_125, %dma_start3A_126] : memref<10240x128xf32, #tpu.memory_space<vmem_shared>> -> memref<10240x128xf32, #tpu.memory_space<vmem_shared>>
          tpu.enqueue_indirect_dma source(%arg9 : memref<128x128xf32, #tpu.memory_space<vmem>>) target(%dma_start3A_127 : memref<10240x128xf32, #tpu.memory_space<vmem_shared>>) offsets(%dma_start3A_124 : memref<128xi32, #tpu.memory_space<vmem>>) semaphore(%run_scoped3A : memref<!tpu.dma_semaphore, #tpu.memory_space<semaphore_mem>>) {add = true}
          %dma_wait3A_128 = arith.constant 0 : i32
          %dma_wait3A_129 = tpu.memref_slice %arg7[%add3A_120, %dma_wait3A_128] : memref<40x128xi32, #tpu.memory_space<vmem>> -> memref<1x128xi32, #tpu.memory_space<vmem>>
          %dma_wait3A_130 = tpu.memref_squeeze %dma_wait3A_129 : memref<1x128xi32, #tpu.memory_space<vmem>> -> memref<128xi32, #tpu.memory_space<vmem>>
          %dma_wait3A_131 = arith.constant 0 : i32
          %dma_wait3A_132 = arith.constant 0 : i32
          %dma_wait3A_133 = tpu.memref_slice %arg10[%dma_wait3A_131, %dma_wait3A_132] : memref<10240x128xf32, #tpu.memory_space<vmem_shared>> -> memref<10240x128xf32, #tpu.memory_space<vmem_shared>>
          tpu.wait_indirect_dma semaphore(%run_scoped3A : memref<!tpu.dma_semaphore, #tpu.memory_space<semaphore_mem>>) src(%arg9 : memref<128x128xf32, #tpu.memory_space<vmem>>) dst(%dma_wait3A_133 : memref<10240x128xf32, #tpu.memory_space<vmem_shared>>)
          tpu.yield
        }) : () -> ()
        %scan3A_121 = arith.constant 0 : i32
        scf.yield %scan3A_121 : i32
      }
      %scan3A_90 = arith.constant 20 : i32
      %while3A_91 = arith.constant 0 : i32
      scf.yield %while3A_91 : i32
    }
    %barrier3A_65 = arith.constant 0 : index
    tpu.barrier barrier_id(%barrier3A_65)
    %mul3A_66 = arith.constant 640 : i32
    %mul3A_67 = arith.muli %arg1, %mul3A_66 : i32
    %mul3A_68 = arith.constant 640 : i32
    %mul3A_69 = arith.muli %arg1, %mul3A_68 : i32
    "tpu.region"() ({
      %run_scoped3A = tpu.sem_alloc : memref<!tpu.dma_semaphore, #tpu.memory_space<semaphore_mem>>
      %dma_start3A = arith.constant 0 : i32
      %dma_start3A_70 = tpu.memref_slice %arg5[%arg0, %mul3A_69, %dma_start3A] : memref<2x10240x128xf32, #tpu.memory_space<hbm>> -> memref<1x640x128xf32, #tpu.memory_space<hbm>>
      %dma_start3A_71 = tpu.memref_squeeze %dma_start3A_70 : memref<1x640x128xf32, #tpu.memory_space<hbm>> -> memref<640x128xf32, #tpu.memory_space<hbm>>
      %dma_start3A_72 = arith.constant 0 : i32
      %dma_start3A_73 = tpu.memref_slice %arg10[%mul3A_67, %dma_start3A_72] : memref<10240x128xf32, #tpu.memory_space<vmem_shared>> -> memref<640x128xf32, #tpu.memory_space<vmem_shared>>
      tpu.enqueue_dma source(%dma_start3A_73 : memref<640x128xf32, #tpu.memory_space<vmem_shared>>) target(%dma_start3A_71 : memref<640x128xf32, #tpu.memory_space<hbm>>) target_semaphore(%run_scoped3A : memref<!tpu.dma_semaphore, #tpu.memory_space<semaphore_mem>>)
      %dma_wait3A = arith.constant 0 : i32
      %dma_wait3A_74 = tpu.memref_slice %arg5[%arg0, %mul3A_69, %dma_wait3A] : memref<2x10240x128xf32, #tpu.memory_space<hbm>> -> memref<1x640x128xf32, #tpu.memory_space<hbm>>
      %dma_wait3A_75 = tpu.memref_squeeze %dma_wait3A_74 : memref<1x640x128xf32, #tpu.memory_space<hbm>> -> memref<640x128xf32, #tpu.memory_space<hbm>>
      %dma_wait3A_76 = arith.constant 0 : i32
      %dma_wait3A_77 = tpu.memref_slice %arg10[%mul3A_67, %dma_wait3A_76] : memref<10240x128xf32, #tpu.memory_space<vmem_shared>> -> memref<640x128xf32, #tpu.memory_space<vmem_shared>>
      tpu.wait_dma2 semaphore(%run_scoped3A : memref<!tpu.dma_semaphore, #tpu.memory_space<semaphore_mem>>) src(%dma_wait3A_77 : memref<640x128xf32, #tpu.memory_space<vmem_shared>>) dst(%dma_wait3A_75 : memref<640x128xf32, #tpu.memory_space<hbm>>)
      tpu.yield
    }) : () -> ()
    return
  }
}

#map = affine_map<(d0, d1) -> (0, 0)>
#map1 = affine_map<(d0, d1) -> (0, 0, 0)>
module attributes {stable_mosaic.version = 14 : i64} {
  func.func @body(%arg0: i32, %arg1: i32, %arg2: memref<10000x128xf32, #tpu.memory_space<hbm>>, %arg3: memref<2560x128xi32, #tpu.memory_space<hbm>>, %arg4: memref<2560x128xi32, #tpu.memory_space<hbm>>, %arg5: memref<2x10240x128xf32, #tpu.memory_space<hbm>>, %arg6: memref<40x128xi32, #tpu.memory_space<vmem>>, %arg7: memref<40x128xi32, #tpu.memory_space<vmem>>, %arg8: memref<128x128xf32, #tpu.memory_space<vmem>>, %arg9: memref<128x128xf32, #tpu.memory_space<vmem>>, %arg10: memref<10240x128xf32, #tpu.memory_space<vmem_shared>>, %arg11: memref<!tpu.dma_semaphore, #tpu.memory_space<semaphore_mem>>, %arg12: memref<!tpu.dma_semaphore, #tpu.memory_space<semaphore_mem>>) attributes {dimension_semantics = [#tpu.dimension_semantics<core_parallel>, #tpu.dimension_semantics<subcore_parallel>], iteration_bounds = array<i64: 2, 16>, scalar_prefetch = 0 : i64, scratch_operands = 7 : i64, tpu.core_type = #tpu.core_type<sc_vector_subcore>, window_params = [{transform_indices = #map}, {transform_indices = #map}, {transform_indices = #map}, {transform_indices = #map1}]} {
    %broadcast_in_dim3A = arith.constant 0.000000e+00 : f32
    %broadcast_in_dim3A_0 = vector.broadcast %broadcast_in_dim3A : f32 to vector<16xf32>
    %scan3A = arith.constant 0 : i32
    %scan3A_1 = arith.constant 0 : i32
    %scan3A_2 = arith.constant 1024 : i32
    %scan3A_3 = arith.addi %scan3A_1, %scan3A_2 : i32
    %scan3A_4 = arith.constant 1 : i32
    %scan3A_5 = scf.for %scan3A_70 = %scan3A_1 to %scan3A_3 step %scan3A_4 iter_args(%scan3A_71 = %scan3A) -> (i32)  : i32 {
      %jit3A_72 = arith.constant 8 : i32
      %div3A_73 = arith.divsi %scan3A_70, %jit3A_72 : i32
      %sign3A_74 = arith.constant 0 : i32
      %sign3A_75 = arith.cmpi sgt, %scan3A_70, %sign3A_74 : i32
      %sign3A_76 = arith.extui %sign3A_75 : i1 to i32
      %sign3A_77 = arith.constant 0 : i32
      %sign3A_78 = arith.cmpi slt, %scan3A_70, %sign3A_77 : i32
      %sign3A_79 = arith.extui %sign3A_78 : i1 to i32
      %sign3A_80 = arith.subi %sign3A_76, %sign3A_79 : i32
      %sign3A_81 = arith.constant 0 : i32
      %sign3A_82 = arith.cmpi sgt, %jit3A_72, %sign3A_81 : i32
      %sign3A_83 = arith.extui %sign3A_82 : i1 to i32
      %sign3A_84 = arith.constant 0 : i32
      %sign3A_85 = arith.cmpi slt, %jit3A_72, %sign3A_84 : i32
      %sign3A_86 = arith.extui %sign3A_85 : i1 to i32
      %sign3A_87 = arith.subi %sign3A_83, %sign3A_86 : i32
      %ne3A_88 = arith.cmpi ne, %sign3A_80, %sign3A_87 : i32
      %rem3A_89 = arith.remsi %scan3A_70, %jit3A_72 : i32
      %ne3A_90 = arith.constant 0 : i32
      %ne3A_91 = arith.cmpi ne, %rem3A_89, %ne3A_90 : i32
      %and3A_92 = arith.andi %ne3A_88, %ne3A_91 : i1
      %sub3A_93 = arith.constant 1 : i32
      %sub3A_94 = arith.subi %div3A_73, %sub3A_93 : i32
      %select_n3A_95 = arith.select %and3A_92, %sub3A_94, %div3A_73 : i32
      %jit3A_96 = arith.constant 8 : i32
      %eq3A_97 = arith.constant 0 : i32
      %eq3A_98 = arith.cmpi eq, %jit3A_96, %eq3A_97 : i32
      %jit3A_99 = arith.constant 1 : i32
      %select_n3A_100 = arith.select %eq3A_98, %jit3A_99, %jit3A_96 : i32
      %rem3A_101 = arith.remsi %scan3A_70, %select_n3A_100 : i32
      %ne3A_102 = arith.constant 0 : i32
      %ne3A_103 = arith.cmpi ne, %rem3A_101, %ne3A_102 : i32
      %lt3A = arith.constant 0 : i32
      %lt3A_104 = arith.cmpi slt, %rem3A_101, %lt3A : i32
      %lt3A_105 = arith.constant 0 : i32
      %lt3A_106 = arith.cmpi slt, %select_n3A_100, %lt3A_105 : i32
      %ne3A_107 = arith.xori %lt3A_104, %lt3A_106 : i1
      %and3A_108 = arith.andi %ne3A_107, %ne3A_103 : i1
      %add3A_109 = arith.addi %rem3A_101, %select_n3A_100 : i32
      %select_n3A_110 = arith.select %and3A_108, %add3A_109, %rem3A_101 : i32
      %mul3A_111 = arith.constant 16 : i32
      %mul3A_112 = arith.muli %select_n3A_110, %mul3A_111 : i32
      %swap3A = arith.index_cast %select_n3A_95 : i32 to index
      %swap3A_113 = arith.index_cast %mul3A_112 : i32 to index
      %swap3A_114 = tpu.vector_load %arg8[%swap3A, %swap3A_113] {strides = array<i32>} : memref<128x128xf32, #tpu.memory_space<vmem>>, vector<1x16xf32>,
      %swap3A_115 = vector.shape_cast %swap3A_114 : vector<1x16xf32> to vector<16xf32>
      %swap3A_116 = vector.shape_cast %broadcast_in_dim3A_0 : vector<16xf32> to vector<1x16xf32>
      tpu.vector_store %arg8[%swap3A, %swap3A_113], %swap3A_116 {strides = array<i32>} : memref<128x128xf32, #tpu.memory_space<vmem>>, vector<1x16xf32>,
      %scan3A_117 = arith.constant 0 : i32
      scf.yield %scan3A_117 : i32
    }
    %scan3A_6 = arith.constant 1024 : i32
    %mul3A = arith.constant 640 : i32
    %mul3A_7 = arith.muli %arg1, %mul3A : i32
    %add3A = arith.constant 0 : i32
    %add3A_8 = arith.addi %mul3A_7, %add3A : i32
    "tpu.region"() ({
      %run_scoped3A = tpu.sem_alloc : memref<!tpu.dma_semaphore, #tpu.memory_space<semaphore_mem>>
      %dma_start3A = arith.constant 0 : i32
      %dma_start3A_70 = tpu.memref_slice %arg10[%add3A_8, %dma_start3A] : memref<10240x128xf32, #tpu.memory_space<vmem_shared>> -> memref<128x128xf32, #tpu.memory_space<vmem_shared>>
      %dma_start3A_71 = arith.constant 0 : i32
      %dma_start3A_72 = tpu.memref_slice %arg10[%add3A_8, %dma_start3A_71] : memref<10240x128xf32, #tpu.memory_space<vmem_shared>> -> memref<128x128xf32, #tpu.memory_space<vmem_shared>>
      tpu.enqueue_dma source(%arg8 : memref<128x128xf32, #tpu.memory_space<vmem>>) target(%dma_start3A_72 : memref<128x128xf32, #tpu.memory_space<vmem_shared>>) target_semaphore(%run_scoped3A : memref<!tpu.dma_semaphore, #tpu.memory_space<semaphore_mem>>)
      %dma_wait3A = arith.constant 0 : i32
      %dma_wait3A_73 = tpu.memref_slice %arg10[%add3A_8, %dma_wait3A] : memref<10240x128xf32, #tpu.memory_space<vmem_shared>> -> memref<128x128xf32, #tpu.memory_space<vmem_shared>>
      %dma_wait3A_74 = arith.constant 0 : i32
      %dma_wait3A_75 = tpu.memref_slice %arg10[%add3A_8, %dma_wait3A_74] : memref<10240x128xf32, #tpu.memory_space<vmem_shared>> -> memref<128x128xf32, #tpu.memory_space<vmem_shared>>
      tpu.wait_dma2 semaphore(%run_scoped3A : memref<!tpu.dma_semaphore, #tpu.memory_space<semaphore_mem>>) src(%arg8 : memref<128x128xf32, #tpu.memory_space<vmem>>) dst(%dma_wait3A_75 : memref<128x128xf32, #tpu.memory_space<vmem_shared>>)
      tpu.yield
    }) : () -> ()
    %mul3A_9 = arith.constant 640 : i32
    %mul3A_10 = arith.muli %arg1, %mul3A_9 : i32
    %add3A_11 = arith.constant 128 : i32
    %add3A_12 = arith.addi %mul3A_10, %add3A_11 : i32
    "tpu.region"() ({
      %run_scoped3A = tpu.sem_alloc : memref<!tpu.dma_semaphore, #tpu.memory_space<semaphore_mem>>
      %dma_start3A = arith.constant 0 : i32
      %dma_start3A_70 = tpu.memref_slice %arg10[%add3A_12, %dma_start3A] : memref<10240x128xf32, #tpu.memory_space<vmem_shared>> -> memref<128x128xf32, #tpu.memory_space<vmem_shared>>
      %dma_start3A_71 = arith.constant 0 : i32
      %dma_start3A_72 = tpu.memref_slice %arg10[%add3A_12, %dma_start3A_71] : memref<10240x128xf32, #tpu.memory_space<vmem_shared>> -> memref<128x128xf32, #tpu.memory_space<vmem_shared>>
      tpu.enqueue_dma source(%arg8 : memref<128x128xf32, #tpu.memory_space<vmem>>) target(%dma_start3A_72 : memref<128x128xf32, #tpu.memory_space<vmem_shared>>) target_semaphore(%run_scoped3A : memref<!tpu.dma_semaphore, #tpu.memory_space<semaphore_mem>>)
      %dma_wait3A = arith.constant 0 : i32
      %dma_wait3A_73 = tpu.memref_slice %arg10[%add3A_12, %dma_wait3A] : memref<10240x128xf32, #tpu.memory_space<vmem_shared>> -> memref<128x128xf32, #tpu.memory_space<vmem_shared>>
      %dma_wait3A_74 = arith.constant 0 : i32
      %dma_wait3A_75 = tpu.memref_slice %arg10[%add3A_12, %dma_wait3A_74] : memref<10240x128xf32, #tpu.memory_space<vmem_shared>> -> memref<128x128xf32, #tpu.memory_space<vmem_shared>>
      tpu.wait_dma2 semaphore(%run_scoped3A : memref<!tpu.dma_semaphore, #tpu.memory_space<semaphore_mem>>) src(%arg8 : memref<128x128xf32, #tpu.memory_space<vmem>>) dst(%dma_wait3A_75 : memref<128x128xf32, #tpu.memory_space<vmem_shared>>)
      tpu.yield
    }) : () -> ()
    %mul3A_13 = arith.constant 640 : i32
    %mul3A_14 = arith.muli %arg1, %mul3A_13 : i32
    %add3A_15 = arith.constant 256 : i32
    %add3A_16 = arith.addi %mul3A_14, %add3A_15 : i32
    "tpu.region"() ({
      %run_scoped3A = tpu.sem_alloc : memref<!tpu.dma_semaphore, #tpu.memory_space<semaphore_mem>>
      %dma_start3A = arith.constant 0 : i32
      %dma_start3A_70 = tpu.memref_slice %arg10[%add3A_16, %dma_start3A] : memref<10240x128xf32, #tpu.memory_space<vmem_shared>> -> memref<128x128xf32, #tpu.memory_space<vmem_shared>>
      %dma_start3A_71 = arith.constant 0 : i32
      %dma_start3A_72 = tpu.memref_slice %arg10[%add3A_16, %dma_start3A_71] : memref<10240x128xf32, #tpu.memory_space<vmem_shared>> -> memref<128x128xf32, #tpu.memory_space<vmem_shared>>
      tpu.enqueue_dma source(%arg8 : memref<128x128xf32, #tpu.memory_space<vmem>>) target(%dma_start3A_72 : memref<128x128xf32, #tpu.memory_space<vmem_shared>>) target_semaphore(%run_scoped3A : memref<!tpu.dma_semaphore, #tpu.memory_space<semaphore_mem>>)
      %dma_wait3A = arith.constant 0 : i32
      %dma_wait3A_73 = tpu.memref_slice %arg10[%add3A_16, %dma_wait3A] : memref<10240x128xf32, #tpu.memory_space<vmem_shared>> -> memref<128x128xf32, #tpu.memory_space<vmem_shared>>
      %dma_wait3A_74 = arith.constant 0 : i32
      %dma_wait3A_75 = tpu.memref_slice %arg10[%add3A_16, %dma_wait3A_74] : memref<10240x128xf32, #tpu.memory_space<vmem_shared>> -> memref<128x128xf32, #tpu.memory_space<vmem_shared>>
      tpu.wait_dma2 semaphore(%run_scoped3A : memref<!tpu.dma_semaphore, #tpu.memory_space<semaphore_mem>>) src(%arg8 : memref<128x128xf32, #tpu.memory_space<vmem>>) dst(%dma_wait3A_75 : memref<128x128xf32, #tpu.memory_space<vmem_shared>>)
      tpu.yield
    }) : () -> ()
    %mul3A_17 = arith.constant 640 : i32
    %mul3A_18 = arith.muli %arg1, %mul3A_17 : i32
    %add3A_19 = arith.constant 384 : i32
    %add3A_20 = arith.addi %mul3A_18, %add3A_19 : i32
    "tpu.region"() ({
      %run_scoped3A = tpu.sem_alloc : memref<!tpu.dma_semaphore, #tpu.memory_space<semaphore_mem>>
      %dma_start3A = arith.constant 0 : i32
      %dma_start3A_70 = tpu.memref_slice %arg10[%add3A_20, %dma_start3A] : memref<10240x128xf32, #tpu.memory_space<vmem_shared>> -> memref<128x128xf32, #tpu.memory_space<vmem_shared>>
      %dma_start3A_71 = arith.constant 0 : i32
      %dma_start3A_72 = tpu.memref_slice %arg10[%add3A_20, %dma_start3A_71] : memref<10240x128xf32, #tpu.memory_space<vmem_shared>> -> memref<128x128xf32, #tpu.memory_space<vmem_shared>>
      tpu.enqueue_dma source(%arg8 : memref<128x128xf32, #tpu.memory_space<vmem>>) target(%dma_start3A_72 : memref<128x128xf32, #tpu.memory_space<vmem_shared>>) target_semaphore(%run_scoped3A : memref<!tpu.dma_semaphore, #tpu.memory_space<semaphore_mem>>)
      %dma_wait3A = arith.constant 0 : i32
      %dma_wait3A_73 = tpu.memref_slice %arg10[%add3A_20, %dma_wait3A] : memref<10240x128xf32, #tpu.memory_space<vmem_shared>> -> memref<128x128xf32, #tpu.memory_space<vmem_shared>>
      %dma_wait3A_74 = arith.constant 0 : i32
      %dma_wait3A_75 = tpu.memref_slice %arg10[%add3A_20, %dma_wait3A_74] : memref<10240x128xf32, #tpu.memory_space<vmem_shared>> -> memref<128x128xf32, #tpu.memory_space<vmem_shared>>
      tpu.wait_dma2 semaphore(%run_scoped3A : memref<!tpu.dma_semaphore, #tpu.memory_space<semaphore_mem>>) src(%arg8 : memref<128x128xf32, #tpu.memory_space<vmem>>) dst(%dma_wait3A_75 : memref<128x128xf32, #tpu.memory_space<vmem_shared>>)
      tpu.yield
    }) : () -> ()
    %mul3A_21 = arith.constant 640 : i32
    %mul3A_22 = arith.muli %arg1, %mul3A_21 : i32
    %add3A_23 = arith.constant 512 : i32
    %add3A_24 = arith.addi %mul3A_22, %add3A_23 : i32
    "tpu.region"() ({
      %run_scoped3A = tpu.sem_alloc : memref<!tpu.dma_semaphore, #tpu.memory_space<semaphore_mem>>
      %dma_start3A = arith.constant 0 : i32
      %dma_start3A_70 = tpu.memref_slice %arg10[%add3A_24, %dma_start3A] : memref<10240x128xf32, #tpu.memory_space<vmem_shared>> -> memref<128x128xf32, #tpu.memory_space<vmem_shared>>
      %dma_start3A_71 = arith.constant 0 : i32
      %dma_start3A_72 = tpu.memref_slice %arg10[%add3A_24, %dma_start3A_71] : memref<10240x128xf32, #tpu.memory_space<vmem_shared>> -> memref<128x128xf32, #tpu.memory_space<vmem_shared>>
      tpu.enqueue_dma source(%arg8 : memref<128x128xf32, #tpu.memory_space<vmem>>) target(%dma_start3A_72 : memref<128x128xf32, #tpu.memory_space<vmem_shared>>) target_semaphore(%run_scoped3A : memref<!tpu.dma_semaphore, #tpu.memory_space<semaphore_mem>>)
      %dma_wait3A = arith.constant 0 : i32
      %dma_wait3A_73 = tpu.memref_slice %arg10[%add3A_24, %dma_wait3A] : memref<10240x128xf32, #tpu.memory_space<vmem_shared>> -> memref<128x128xf32, #tpu.memory_space<vmem_shared>>
      %dma_wait3A_74 = arith.constant 0 : i32
      %dma_wait3A_75 = tpu.memref_slice %arg10[%add3A_24, %dma_wait3A_74] : memref<10240x128xf32, #tpu.memory_space<vmem_shared>> -> memref<128x128xf32, #tpu.memory_space<vmem_shared>>
      tpu.wait_dma2 semaphore(%run_scoped3A : memref<!tpu.dma_semaphore, #tpu.memory_space<semaphore_mem>>) src(%arg8 : memref<128x128xf32, #tpu.memory_space<vmem>>) dst(%dma_wait3A_75 : memref<128x128xf32, #tpu.memory_space<vmem_shared>>)
      tpu.yield
    }) : () -> ()
    %barrier3A = arith.constant 0 : index
    tpu.barrier barrier_id(%barrier3A)
    %eq3A = arith.constant 1 : i32
    %eq3A_25 = arith.cmpi eq, %arg0, %eq3A : i32
    %jit3A = arith.constant 80 : i32
    %jit3A_26 = arith.constant 80 : i32
    %select_n3A = arith.select %eq3A_25, %jit3A, %jit3A_26 : i32
    %eq3A_27 = arith.constant 1 : i32
    %eq3A_28 = arith.cmpi eq, %arg0, %eq3A_27 : i32
    %mul3A_29 = arith.constant 80 : i32
    %mul3A_30 = arith.muli %arg1, %mul3A_29 : i32
    %add3A_31 = arith.constant 1280 : i32
    %add3A_32 = arith.addi %add3A_31, %mul3A_30 : i32
    %mul3A_33 = arith.constant 80 : i32
    %mul3A_34 = arith.muli %arg1, %mul3A_33 : i32
    %select_n3A_35 = arith.select %eq3A_28, %add3A_32, %mul3A_34 : i32
    %jit3A_36 = arith.constant 40 : i32
    %div3A = arith.divsi %select_n3A, %jit3A_36 : i32
    %sign3A = arith.constant 0 : i32
    %sign3A_37 = arith.cmpi sgt, %select_n3A, %sign3A : i32
    %sign3A_38 = arith.extui %sign3A_37 : i1 to i32
    %sign3A_39 = arith.constant 0 : i32
    %sign3A_40 = arith.cmpi slt, %select_n3A, %sign3A_39 : i32
    %sign3A_41 = arith.extui %sign3A_40 : i1 to i32
    %sign3A_42 = arith.subi %sign3A_38, %sign3A_41 : i32
    %sign3A_43 = arith.constant 0 : i32
    %sign3A_44 = arith.cmpi sgt, %jit3A_36, %sign3A_43 : i32
    %sign3A_45 = arith.extui %sign3A_44 : i1 to i32
    %sign3A_46 = arith.constant 0 : i32
    %sign3A_47 = arith.cmpi slt, %jit3A_36, %sign3A_46 : i32
    %sign3A_48 = arith.extui %sign3A_47 : i1 to i32
    %sign3A_49 = arith.subi %sign3A_45, %sign3A_48 : i32
    %ne3A = arith.cmpi ne, %sign3A_42, %sign3A_49 : i32
    %rem3A = arith.remsi %select_n3A, %jit3A_36 : i32
    %ne3A_50 = arith.constant 0 : i32
    %ne3A_51 = arith.cmpi ne, %rem3A, %ne3A_50 : i32
    %and3A = arith.andi %ne3A, %ne3A_51 : i1
    %sub3A = arith.constant 1 : i32
    %sub3A_52 = arith.subi %div3A, %sub3A : i32
    %select_n3A_53 = arith.select %and3A, %sub3A_52, %div3A : i32
    %while3A = arith.constant 0 : i32
    %while3A_54 = arith.constant 0 : i32
    %while3A_55 = arith.subi %select_n3A_53, %while3A : i32
    %while3A_56 = arith.addi %while3A, %while3A_55 : i32
    %while3A_57 = arith.constant 1 : i32
    %while3A_58 = arith.divsi %while3A_55, %while3A_57 : i32
    %while3A_59 = arith.muli %while3A_58, %while3A_57 : i32
    %while3A_60 = arith.addi %while3A, %while3A_59 : i32
    %while3A_61 = arith.constant 1 : i32
    %while3A_62 = scf.for %while3A_70 = %while3A to %while3A_60 step %while3A_61 iter_args(%while3A_71 = %while3A_54) -> (i32)  : i32 {
      %mul3A_72 = arith.constant 40 : i32
      %mul3A_73 = arith.muli %while3A_70, %mul3A_72 : i32
      %add3A_74 = arith.addi %select_n3A_35, %mul3A_73 : i32
      "tpu.region"() ({
        %run_scoped3A = tpu.sem_alloc : memref<!tpu.dma_semaphore, #tpu.memory_space<semaphore_mem>>
        %dma_start3A_92 = arith.constant 0 : i32
        %dma_start3A_93 = tpu.memref_slice %arg3[%add3A_74, %dma_start3A_92] : memref<2560x128xi32, #tpu.memory_space<hbm>> -> memref<40x128xi32, #tpu.memory_space<hbm>>
        %dma_start3A_94 = arith.constant 0 : i32
        %dma_start3A_95 = tpu.memref_slice %arg3[%add3A_74, %dma_start3A_94] : memref<2560x128xi32, #tpu.memory_space<hbm>> -> memref<40x128xi32, #tpu.memory_space<hbm>>
        tpu.enqueue_dma source(%dma_start3A_95 : memref<40x128xi32, #tpu.memory_space<hbm>>) target(%arg6 : memref<40x128xi32, #tpu.memory_space<vmem>>) target_semaphore(%run_scoped3A : memref<!tpu.dma_semaphore, #tpu.memory_space<semaphore_mem>>)
        %dma_wait3A = arith.constant 0 : i32
        %dma_wait3A_96 = tpu.memref_slice %arg3[%add3A_74, %dma_wait3A] : memref<2560x128xi32, #tpu.memory_space<hbm>> -> memref<40x128xi32, #tpu.memory_space<hbm>>
        %dma_wait3A_97 = arith.constant 0 : i32
        %dma_wait3A_98 = tpu.memref_slice %arg3[%add3A_74, %dma_wait3A_97] : memref<2560x128xi32, #tpu.memory_space<hbm>> -> memref<40x128xi32, #tpu.memory_space<hbm>>
        tpu.wait_dma2 semaphore(%run_scoped3A : memref<!tpu.dma_semaphore, #tpu.memory_space<semaphore_mem>>) src(%dma_wait3A_98 : memref<40x128xi32, #tpu.memory_space<hbm>>) dst(%arg6 : memref<40x128xi32, #tpu.memory_space<vmem>>)
        tpu.yield
      }) : () -> ()
      %mul3A_75 = arith.constant 40 : i32
      %mul3A_76 = arith.muli %while3A_70, %mul3A_75 : i32
      %add3A_77 = arith.addi %select_n3A_35, %mul3A_76 : i32
      "tpu.region"() ({
        %run_scoped3A = tpu.sem_alloc : memref<!tpu.dma_semaphore, #tpu.memory_space<semaphore_mem>>
        %dma_start3A_92 = arith.constant 0 : i32
        %dma_start3A_93 = tpu.memref_slice %arg4[%add3A_77, %dma_start3A_92] : memref<2560x128xi32, #tpu.memory_space<hbm>> -> memref<40x128xi32, #tpu.memory_space<hbm>>
        %dma_start3A_94 = arith.constant 0 : i32
        %dma_start3A_95 = tpu.memref_slice %arg4[%add3A_77, %dma_start3A_94] : memref<2560x128xi32, #tpu.memory_space<hbm>> -> memref<40x128xi32, #tpu.memory_space<hbm>>
        tpu.enqueue_dma source(%dma_start3A_95 : memref<40x128xi32, #tpu.memory_space<hbm>>) target(%arg7 : memref<40x128xi32, #tpu.memory_space<vmem>>) target_semaphore(%run_scoped3A : memref<!tpu.dma_semaphore, #tpu.memory_space<semaphore_mem>>)
        %dma_wait3A = arith.constant 0 : i32
        %dma_wait3A_96 = tpu.memref_slice %arg4[%add3A_77, %dma_wait3A] : memref<2560x128xi32, #tpu.memory_space<hbm>> -> memref<40x128xi32, #tpu.memory_space<hbm>>
        %dma_wait3A_97 = arith.constant 0 : i32
        %dma_wait3A_98 = tpu.memref_slice %arg4[%add3A_77, %dma_wait3A_97] : memref<2560x128xi32, #tpu.memory_space<hbm>> -> memref<40x128xi32, #tpu.memory_space<hbm>>
        tpu.wait_dma2 semaphore(%run_scoped3A : memref<!tpu.dma_semaphore, #tpu.memory_space<semaphore_mem>>) src(%dma_wait3A_98 : memref<40x128xi32, #tpu.memory_space<hbm>>) dst(%arg7 : memref<40x128xi32, #tpu.memory_space<vmem>>)
        tpu.yield
      }) : () -> ()
      %dma_start3A = arith.constant 0 : i32
      %dma_start3A_78 = arith.constant 0 : i32
      %dma_start3A_79 = tpu.memref_slice %arg6[%dma_start3A, %dma_start3A_78] : memref<40x128xi32, #tpu.memory_space<vmem>> -> memref<1x128xi32, #tpu.memory_space<vmem>>
      %dma_start3A_80 = tpu.memref_squeeze %dma_start3A_79 : memref<1x128xi32, #tpu.memory_space<vmem>> -> memref<128xi32, #tpu.memory_space<vmem>>
      %dma_start3A_81 = arith.constant 0 : i32
      %dma_start3A_82 = arith.constant 0 : i32
      %dma_start3A_83 = tpu.memref_slice %arg2[%dma_start3A_81, %dma_start3A_82] : memref<10000x128xf32, #tpu.memory_space<hbm>> -> memref<10000x128xf32, #tpu.memory_space<hbm>>
      tpu.enqueue_indirect_dma source(%dma_start3A_83 : memref<10000x128xf32, #tpu.memory_space<hbm>>) target(%arg8 : memref<128x128xf32, #tpu.memory_space<vmem>>) offsets(%dma_start3A_80 : memref<128xi32, #tpu.memory_space<vmem>>) semaphore(%arg11 : memref<!tpu.dma_semaphore, #tpu.memory_space<semaphore_mem>>)
      %scan3A_84 = arith.constant 0 : i32
      %scan3A_85 = arith.constant 0 : i32
      %scan3A_86 = arith.constant 20 : i32
      %scan3A_87 = arith.addi %scan3A_85, %scan3A_86 : i32
      %scan3A_88 = arith.constant 1 : i32
      %scan3A_89 = scf.for %scan3A_92 = %scan3A_85 to %scan3A_87 step %scan3A_88 iter_args(%scan3A_93 = %scan3A_84) -> (i32)  : i32 {
        %mul3A_94 = arith.constant 2 : i32
        %mul3A_95 = arith.muli %scan3A_92, %mul3A_94 : i32
        %add3A_96 = arith.constant 1 : i32
        %add3A_97 = arith.addi %mul3A_95, %add3A_96 : i32
        %dma_start3A_98 = arith.constant 0 : i32
        %dma_start3A_99 = tpu.memref_slice %arg6[%add3A_97, %dma_start3A_98] : memref<40x128xi32, #tpu.memory_space<vmem>> -> memref<1x128xi32, #tpu.memory_space<vmem>>
        %dma_start3A_100 = tpu.memref_squeeze %dma_start3A_99 : memref<1x128xi32, #tpu.memory_space<vmem>> -> memref<128xi32, #tpu.memory_space<vmem>>
        %dma_start3A_101 = arith.constant 0 : i32
        %dma_start3A_102 = arith.constant 0 : i32
        %dma_start3A_103 = tpu.memref_slice %arg2[%dma_start3A_101, %dma_start3A_102] : memref<10000x128xf32, #tpu.memory_space<hbm>> -> memref<10000x128xf32, #tpu.memory_space<hbm>>
        tpu.enqueue_indirect_dma source(%dma_start3A_103 : memref<10000x128xf32, #tpu.memory_space<hbm>>) target(%arg9 : memref<128x128xf32, #tpu.memory_space<vmem>>) offsets(%dma_start3A_100 : memref<128xi32, #tpu.memory_space<vmem>>) semaphore(%arg12 : memref<!tpu.dma_semaphore, #tpu.memory_space<semaphore_mem>>)
        %dma_wait3A = arith.constant 0 : i32
        %dma_wait3A_104 = tpu.memref_slice %arg6[%mul3A_95, %dma_wait3A] : memref<40x128xi32, #tpu.memory_space<vmem>> -> memref<1x128xi32, #tpu.memory_space<vmem>>
        %dma_wait3A_105 = tpu.memref_squeeze %dma_wait3A_104 : memref<1x128xi32, #tpu.memory_space<vmem>> -> memref<128xi32, #tpu.memory_space<vmem>>
        %dma_wait3A_106 = arith.constant 0 : i32
        %dma_wait3A_107 = arith.constant 0 : i32
        %dma_wait3A_108 = tpu.memref_slice %arg2[%dma_wait3A_106, %dma_wait3A_107] : memref<10000x128xf32, #tpu.memory_space<hbm>> -> memref<10000x128xf32, #tpu.memory_space<hbm>>
        tpu.wait_indirect_dma semaphore(%arg11 : memref<!tpu.dma_semaphore, #tpu.memory_space<semaphore_mem>>) src(%dma_wait3A_108 : memref<10000x128xf32, #tpu.memory_space<hbm>>) dst(%arg8 : memref<128x128xf32, #tpu.memory_space<vmem>>)
        "tpu.region"() ({
          %run_scoped3A = tpu.sem_alloc : memref<!tpu.dma_semaphore, #tpu.memory_space<semaphore_mem>>
          %dma_start3A_122 = arith.constant 0 : i32
          %dma_start3A_123 = tpu.memref_slice %arg7[%mul3A_95, %dma_start3A_122] : memref<40x128xi32, #tpu.memory_space<vmem>> -> memref<1x128xi32, #tpu.memory_space<vmem>>
          %dma_start3A_124 = tpu.memref_squeeze %dma_start3A_123 : memref<1x128xi32, #tpu.memory_space<vmem>> -> memref<128xi32, #tpu.memory_space<vmem>>
          %dma_start3A_125 = arith.constant 0 : i32
          %dma_start3A_126 = arith.constant 0 : i32
          %dma_start3A_127 = tpu.memref_slice %arg10[%dma_start3A_125, %dma_start3A_126] : memref<10240x128xf32, #tpu.memory_space<vmem_shared>> -> memref<10240x128xf32, #tpu.memory_space<vmem_shared>>
          tpu.enqueue_indirect_dma source(%arg8 : memref<128x128xf32, #tpu.memory_space<vmem>>) target(%dma_start3A_127 : memref<10240x128xf32, #tpu.memory_space<vmem_shared>>) offsets(%dma_start3A_124 : memref<128xi32, #tpu.memory_space<vmem>>) semaphore(%run_scoped3A : memref<!tpu.dma_semaphore, #tpu.memory_space<semaphore_mem>>) {add = true}
          %dma_wait3A_128 = arith.constant 0 : i32
          %dma_wait3A_129 = tpu.memref_slice %arg7[%mul3A_95, %dma_wait3A_128] : memref<40x128xi32, #tpu.memory_space<vmem>> -> memref<1x128xi32, #tpu.memory_space<vmem>>
          %dma_wait3A_130 = tpu.memref_squeeze %dma_wait3A_129 : memref<1x128xi32, #tpu.memory_space<vmem>> -> memref<128xi32, #tpu.memory_space<vmem>>
          %dma_wait3A_131 = arith.constant 0 : i32
          %dma_wait3A_132 = arith.constant 0 : i32
          %dma_wait3A_133 = tpu.memref_slice %arg10[%dma_wait3A_131, %dma_wait3A_132] : memref<10240x128xf32, #tpu.memory_space<vmem_shared>> -> memref<10240x128xf32, #tpu.memory_space<vmem_shared>>
          tpu.wait_indirect_dma semaphore(%run_scoped3A : memref<!tpu.dma_semaphore, #tpu.memory_space<semaphore_mem>>) src(%arg8 : memref<128x128xf32, #tpu.memory_space<vmem>>) dst(%dma_wait3A_133 : memref<10240x128xf32, #tpu.memory_space<vmem_shared>>)
          tpu.yield
        }) : () -> ()
        %lt3A = arith.constant 19 : i32
        %lt3A_109 = arith.cmpi slt, %scan3A_92, %lt3A : i32
        %convert_element_type3A = arith.extui %lt3A_109 : i1 to i32
        %cond3A = arith.constant 0 : i32
        %cond3A_110 = arith.cmpi ne, %convert_element_type3A, %cond3A : i32
        scf.if %cond3A_110 {
          %add3A_122 = arith.constant 2 : i32
          %add3A_123 = arith.addi %mul3A_95, %add3A_122 : i32
          %dma_start3A_124 = arith.constant 0 : i32
          %dma_start3A_125 = tpu.memref_slice %arg6[%add3A_123, %dma_start3A_124] : memref<40x128xi32, #tpu.memory_space<vmem>> -> memref<1x128xi32, #tpu.memory_space<vmem>>
          %dma_start3A_126 = tpu.memref_squeeze %dma_start3A_125 : memref<1x128xi32, #tpu.memory_space<vmem>> -> memref<128xi32, #tpu.memory_space<vmem>>
          %dma_start3A_127 = arith.constant 0 : i32
          %dma_start3A_128 = arith.constant 0 : i32
          %dma_start3A_129 = tpu.memref_slice %arg2[%dma_start3A_127, %dma_start3A_128] : memref<10000x128xf32, #tpu.memory_space<hbm>> -> memref<10000x128xf32, #tpu.memory_space<hbm>>
          tpu.enqueue_indirect_dma source(%dma_start3A_129 : memref<10000x128xf32, #tpu.memory_space<hbm>>) target(%arg8 : memref<128x128xf32, #tpu.memory_space<vmem>>) offsets(%dma_start3A_126 : memref<128xi32, #tpu.memory_space<vmem>>) semaphore(%arg11 : memref<!tpu.dma_semaphore, #tpu.memory_space<semaphore_mem>>)
        } else {
        }
        %add3A_111 = arith.constant 1 : i32
        %add3A_112 = arith.addi %mul3A_95, %add3A_111 : i32
        %dma_wait3A_113 = arith.constant 0 : i32
        %dma_wait3A_114 = tpu.memref_slice %arg6[%add3A_112, %dma_wait3A_113] : memref<40x128xi32, #tpu.memory_space<vmem>> -> memref<1x128xi32, #tpu.memory_space<vmem>>
        %dma_wait3A_115 = tpu.memref_squeeze %dma_wait3A_114 : memref<1x128xi32, #tpu.memory_space<vmem>> -> memref<128xi32, #tpu.memory_space<vmem>>
        %dma_wait3A_116 = arith.constant 0 : i32
        %dma_wait3A_117 = arith.constant 0 : i32
        %dma_wait3A_118 = tpu.memref_slice %arg2[%dma_wait3A_116, %dma_wait3A_117] : memref<10000x128xf32, #tpu.memory_space<hbm>> -> memref<10000x128xf32, #tpu.memory_space<hbm>>
        tpu.wait_indirect_dma semaphore(%arg12 : memref<!tpu.dma_semaphore, #tpu.memory_space<semaphore_mem>>) src(%dma_wait3A_118 : memref<10000x128xf32, #tpu.memory_space<hbm>>) dst(%arg9 : memref<128x128xf32, #tpu.memory_space<vmem>>)
        %add3A_119 = arith.constant 1 : i32
        %add3A_120 = arith.addi %mul3A_95, %add3A_119 : i32
        "tpu.region"() ({
          %run_scoped3A = tpu.sem_alloc : memref<!tpu.dma_semaphore, #tpu.memory_space<semaphore_mem>>
          %dma_start3A_122 = arith.constant 0 : i32
          %dma_start3A_123 = tpu.memref_slice %arg7[%add3A_120, %dma_start3A_122] : memref<40x128xi32, #tpu.memory_space<vmem>> -> memref<1x128xi32, #tpu.memory_space<vmem>>
          %dma_start3A_124 = tpu.memref_squeeze %dma_start3A_123 : memref<1x128xi32, #tpu.memory_space<vmem>> -> memref<128xi32, #tpu.memory_space<vmem>>
          %dma_start3A_125 = arith.constant 0 : i32
          %dma_start3A_126 = arith.constant 0 : i32
          %dma_start3A_127 = tpu.memref_slice %arg10[%dma_start3A_125, %dma_start3A_126] : memref<10240x128xf32, #tpu.memory_space<vmem_shared>> -> memref<10240x128xf32, #tpu.memory_space<vmem_shared>>
          tpu.enqueue_indirect_dma source(%arg9 : memref<128x128xf32, #tpu.memory_space<vmem>>) target(%dma_start3A_127 : memref<10240x128xf32, #tpu.memory_space<vmem_shared>>) offsets(%dma_start3A_124 : memref<128xi32, #tpu.memory_space<vmem>>) semaphore(%run_scoped3A : memref<!tpu.dma_semaphore, #tpu.memory_space<semaphore_mem>>) {add = true}
          %dma_wait3A_128 = arith.constant 0 : i32
          %dma_wait3A_129 = tpu.memref_slice %arg7[%add3A_120, %dma_wait3A_128] : memref<40x128xi32, #tpu.memory_space<vmem>> -> memref<1x128xi32, #tpu.memory_space<vmem>>
          %dma_wait3A_130 = tpu.memref_squeeze %dma_wait3A_129 : memref<1x128xi32, #tpu.memory_space<vmem>> -> memref<128xi32, #tpu.memory_space<vmem>>
          %dma_wait3A_131 = arith.constant 0 : i32
          %dma_wait3A_132 = arith.constant 0 : i32
          %dma_wait3A_133 = tpu.memref_slice %arg10[%dma_wait3A_131, %dma_wait3A_132] : memref<10240x128xf32, #tpu.memory_space<vmem_shared>> -> memref<10240x128xf32, #tpu.memory_space<vmem_shared>>
          tpu.wait_indirect_dma semaphore(%run_scoped3A : memref<!tpu.dma_semaphore, #tpu.memory_space<semaphore_mem>>) src(%arg9 : memref<128x128xf32, #tpu.memory_space<vmem>>) dst(%dma_wait3A_133 : memref<10240x128xf32, #tpu.memory_space<vmem_shared>>)
          tpu.yield
        }) : () -> ()
        %scan3A_121 = arith.constant 0 : i32
        scf.yield %scan3A_121 : i32
      }
      %scan3A_90 = arith.constant 20 : i32
      %while3A_91 = arith.constant 0 : i32
      scf.yield %while3A_91 : i32
    }
    %while3A_63 = arith.constant 1 : i32
    %while3A_64 = scf.for %while3A_70 = %while3A_60 to %while3A_56 step %while3A_63 iter_args(%while3A_71 = %while3A_62) -> (i32)  : i32 {
      %mul3A_72 = arith.constant 40 : i32
      %mul3A_73 = arith.muli %while3A_70, %mul3A_72 : i32
      %add3A_74 = arith.addi %select_n3A_35, %mul3A_73 : i32
      "tpu.region"() ({
        %run_scoped3A = tpu.sem_alloc : memref<!tpu.dma_semaphore, #tpu.memory_space<semaphore_mem>>
        %dma_start3A_92 = arith.constant 0 : i32
        %dma_start3A_93 = tpu.memref_slice %arg3[%add3A_74, %dma_start3A_92] : memref<2560x128xi32, #tpu.memory_space<hbm>> -> memref<40x128xi32, #tpu.memory_space<hbm>>
        %dma_start3A_94 = arith.constant 0 : i32
        %dma_start3A_95 = tpu.memref_slice %arg3[%add3A_74, %dma_start3A_94] : memref<2560x128xi32, #tpu.memory_space<hbm>> -> memref<40x128xi32, #tpu.memory_space<hbm>>
        tpu.enqueue_dma source(%dma_start3A_95 : memref<40x128xi32, #tpu.memory_space<hbm>>) target(%arg6 : memref<40x128xi32, #tpu.memory_space<vmem>>) target_semaphore(%run_scoped3A : memref<!tpu.dma_semaphore, #tpu.memory_space<semaphore_mem>>)
        %dma_wait3A = arith.constant 0 : i32
        %dma_wait3A_96 = tpu.memref_slice %arg3[%add3A_74, %dma_wait3A] : memref<2560x128xi32, #tpu.memory_space<hbm>> -> memref<40x128xi32, #tpu.memory_space<hbm>>
        %dma_wait3A_97 = arith.constant 0 : i32
        %dma_wait3A_98 = tpu.memref_slice %arg3[%add3A_74, %dma_wait3A_97] : memref<2560x128xi32, #tpu.memory_space<hbm>> -> memref<40x128xi32, #tpu.memory_space<hbm>>
        tpu.wait_dma2 semaphore(%run_scoped3A : memref<!tpu.dma_semaphore, #tpu.memory_space<semaphore_mem>>) src(%dma_wait3A_98 : memref<40x128xi32, #tpu.memory_space<hbm>>) dst(%arg6 : memref<40x128xi32, #tpu.memory_space<vmem>>)
        tpu.yield
      }) : () -> ()
      %mul3A_75 = arith.constant 40 : i32
      %mul3A_76 = arith.muli %while3A_70, %mul3A_75 : i32
      %add3A_77 = arith.addi %select_n3A_35, %mul3A_76 : i32
      "tpu.region"() ({
        %run_scoped3A = tpu.sem_alloc : memref<!tpu.dma_semaphore, #tpu.memory_space<semaphore_mem>>
        %dma_start3A_92 = arith.constant 0 : i32
        %dma_start3A_93 = tpu.memref_slice %arg4[%add3A_77, %dma_start3A_92] : memref<2560x128xi32, #tpu.memory_space<hbm>> -> memref<40x128xi32, #tpu.memory_space<hbm>>
        %dma_start3A_94 = arith.constant 0 : i32
        %dma_start3A_95 = tpu.memref_slice %arg4[%add3A_77, %dma_start3A_94] : memref<2560x128xi32, #tpu.memory_space<hbm>> -> memref<40x128xi32, #tpu.memory_space<hbm>>
        tpu.enqueue_dma source(%dma_start3A_95 : memref<40x128xi32, #tpu.memory_space<hbm>>) target(%arg7 : memref<40x128xi32, #tpu.memory_space<vmem>>) target_semaphore(%run_scoped3A : memref<!tpu.dma_semaphore, #tpu.memory_space<semaphore_mem>>)
        %dma_wait3A = arith.constant 0 : i32
        %dma_wait3A_96 = tpu.memref_slice %arg4[%add3A_77, %dma_wait3A] : memref<2560x128xi32, #tpu.memory_space<hbm>> -> memref<40x128xi32, #tpu.memory_space<hbm>>
        %dma_wait3A_97 = arith.constant 0 : i32
        %dma_wait3A_98 = tpu.memref_slice %arg4[%add3A_77, %dma_wait3A_97] : memref<2560x128xi32, #tpu.memory_space<hbm>> -> memref<40x128xi32, #tpu.memory_space<hbm>>
        tpu.wait_dma2 semaphore(%run_scoped3A : memref<!tpu.dma_semaphore, #tpu.memory_space<semaphore_mem>>) src(%dma_wait3A_98 : memref<40x128xi32, #tpu.memory_space<hbm>>) dst(%arg7 : memref<40x128xi32, #tpu.memory_space<vmem>>)
        tpu.yield
      }) : () -> ()
      %dma_start3A = arith.constant 0 : i32
      %dma_start3A_78 = arith.constant 0 : i32
      %dma_start3A_79 = tpu.memref_slice %arg6[%dma_start3A, %dma_start3A_78] : memref<40x128xi32, #tpu.memory_space<vmem>> -> memref<1x128xi32, #tpu.memory_space<vmem>>
      %dma_start3A_80 = tpu.memref_squeeze %dma_start3A_79 : memref<1x128xi32, #tpu.memory_space<vmem>> -> memref<128xi32, #tpu.memory_space<vmem>>
      %dma_start3A_81 = arith.constant 0 : i32
      %dma_start3A_82 = arith.constant 0 : i32
      %dma_start3A_83 = tpu.memref_slice %arg2[%dma_start3A_81, %dma_start3A_82] : memref<10000x128xf32, #tpu.memory_space<hbm>> -> memref<10000x128xf32, #tpu.memory_space<hbm>>
      tpu.enqueue_indirect_dma source(%dma_start3A_83 : memref<10000x128xf32, #tpu.memory_space<hbm>>) target(%arg8 : memref<128x128xf32, #tpu.memory_space<vmem>>) offsets(%dma_start3A_80 : memref<128xi32, #tpu.memory_space<vmem>>) semaphore(%arg11 : memref<!tpu.dma_semaphore, #tpu.memory_space<semaphore_mem>>)
      %scan3A_84 = arith.constant 0 : i32
      %scan3A_85 = arith.constant 0 : i32
      %scan3A_86 = arith.constant 20 : i32
      %scan3A_87 = arith.addi %scan3A_85, %scan3A_86 : i32
      %scan3A_88 = arith.constant 1 : i32
      %scan3A_89 = scf.for %scan3A_92 = %scan3A_85 to %scan3A_87 step %scan3A_88 iter_args(%scan3A_93 = %scan3A_84) -> (i32)  : i32 {
        %mul3A_94 = arith.constant 2 : i32
        %mul3A_95 = arith.muli %scan3A_92, %mul3A_94 : i32
        %add3A_96 = arith.constant 1 : i32
        %add3A_97 = arith.addi %mul3A_95, %add3A_96 : i32
        %dma_start3A_98 = arith.constant 0 : i32
        %dma_start3A_99 = tpu.memref_slice %arg6[%add3A_97, %dma_start3A_98] : memref<40x128xi32, #tpu.memory_space<vmem>> -> memref<1x128xi32, #tpu.memory_space<vmem>>
        %dma_start3A_100 = tpu.memref_squeeze %dma_start3A_99 : memref<1x128xi32, #tpu.memory_space<vmem>> -> memref<128xi32, #tpu.memory_space<vmem>>
        %dma_start3A_101 = arith.constant 0 : i32
        %dma_start3A_102 = arith.constant 0 : i32
        %dma_start3A_103 = tpu.memref_slice %arg2[%dma_start3A_101, %dma_start3A_102] : memref<10000x128xf32, #tpu.memory_space<hbm>> -> memref<10000x128xf32, #tpu.memory_space<hbm>>
        tpu.enqueue_indirect_dma source(%dma_start3A_103 : memref<10000x128xf32, #tpu.memory_space<hbm>>) target(%arg9 : memref<128x128xf32, #tpu.memory_space<vmem>>) offsets(%dma_start3A_100 : memref<128xi32, #tpu.memory_space<vmem>>) semaphore(%arg12 : memref<!tpu.dma_semaphore, #tpu.memory_space<semaphore_mem>>)
        %dma_wait3A = arith.constant 0 : i32
        %dma_wait3A_104 = tpu.memref_slice %arg6[%mul3A_95, %dma_wait3A] : memref<40x128xi32, #tpu.memory_space<vmem>> -> memref<1x128xi32, #tpu.memory_space<vmem>>
        %dma_wait3A_105 = tpu.memref_squeeze %dma_wait3A_104 : memref<1x128xi32, #tpu.memory_space<vmem>> -> memref<128xi32, #tpu.memory_space<vmem>>
        %dma_wait3A_106 = arith.constant 0 : i32
        %dma_wait3A_107 = arith.constant 0 : i32
        %dma_wait3A_108 = tpu.memref_slice %arg2[%dma_wait3A_106, %dma_wait3A_107] : memref<10000x128xf32, #tpu.memory_space<hbm>> -> memref<10000x128xf32, #tpu.memory_space<hbm>>
        tpu.wait_indirect_dma semaphore(%arg11 : memref<!tpu.dma_semaphore, #tpu.memory_space<semaphore_mem>>) src(%dma_wait3A_108 : memref<10000x128xf32, #tpu.memory_space<hbm>>) dst(%arg8 : memref<128x128xf32, #tpu.memory_space<vmem>>)
        "tpu.region"() ({
          %run_scoped3A = tpu.sem_alloc : memref<!tpu.dma_semaphore, #tpu.memory_space<semaphore_mem>>
          %dma_start3A_122 = arith.constant 0 : i32
          %dma_start3A_123 = tpu.memref_slice %arg7[%mul3A_95, %dma_start3A_122] : memref<40x128xi32, #tpu.memory_space<vmem>> -> memref<1x128xi32, #tpu.memory_space<vmem>>
          %dma_start3A_124 = tpu.memref_squeeze %dma_start3A_123 : memref<1x128xi32, #tpu.memory_space<vmem>> -> memref<128xi32, #tpu.memory_space<vmem>>
          %dma_start3A_125 = arith.constant 0 : i32
          %dma_start3A_126 = arith.constant 0 : i32
          %dma_start3A_127 = tpu.memref_slice %arg10[%dma_start3A_125, %dma_start3A_126] : memref<10240x128xf32, #tpu.memory_space<vmem_shared>> -> memref<10240x128xf32, #tpu.memory_space<vmem_shared>>
          tpu.enqueue_indirect_dma source(%arg8 : memref<128x128xf32, #tpu.memory_space<vmem>>) target(%dma_start3A_127 : memref<10240x128xf32, #tpu.memory_space<vmem_shared>>) offsets(%dma_start3A_124 : memref<128xi32, #tpu.memory_space<vmem>>) semaphore(%run_scoped3A : memref<!tpu.dma_semaphore, #tpu.memory_space<semaphore_mem>>) {add = true}
          %dma_wait3A_128 = arith.constant 0 : i32
          %dma_wait3A_129 = tpu.memref_slice %arg7[%mul3A_95, %dma_wait3A_128] : memref<40x128xi32, #tpu.memory_space<vmem>> -> memref<1x128xi32, #tpu.memory_space<vmem>>
          %dma_wait3A_130 = tpu.memref_squeeze %dma_wait3A_129 : memref<1x128xi32, #tpu.memory_space<vmem>> -> memref<128xi32, #tpu.memory_space<vmem>>
          %dma_wait3A_131 = arith.constant 0 : i32
          %dma_wait3A_132 = arith.constant 0 : i32
          %dma_wait3A_133 = tpu.memref_slice %arg10[%dma_wait3A_131, %dma_wait3A_132] : memref<10240x128xf32, #tpu.memory_space<vmem_shared>> -> memref<10240x128xf32, #tpu.memory_space<vmem_shared>>
          tpu.wait_indirect_dma semaphore(%run_scoped3A : memref<!tpu.dma_semaphore, #tpu.memory_space<semaphore_mem>>) src(%arg8 : memref<128x128xf32, #tpu.memory_space<vmem>>) dst(%dma_wait3A_133 : memref<10240x128xf32, #tpu.memory_space<vmem_shared>>)
          tpu.yield
        }) : () -> ()
        %lt3A = arith.constant 19 : i32
        %lt3A_109 = arith.cmpi slt, %scan3A_92, %lt3A : i32
        %convert_element_type3A = arith.extui %lt3A_109 : i1 to i32
        %cond3A = arith.constant 0 : i32
        %cond3A_110 = arith.cmpi ne, %convert_element_type3A, %cond3A : i32
        scf.if %cond3A_110 {
          %add3A_122 = arith.constant 2 : i32
          %add3A_123 = arith.addi %mul3A_95, %add3A_122 : i32
          %dma_start3A_124 = arith.constant 0 : i32
          %dma_start3A_125 = tpu.memref_slice %arg6[%add3A_123, %dma_start3A_124] : memref<40x128xi32, #tpu.memory_space<vmem>> -> memref<1x128xi32, #tpu.memory_space<vmem>>
          %dma_start3A_126 = tpu.memref_squeeze %dma_start3A_125 : memref<1x128xi32, #tpu.memory_space<vmem>> -> memref<128xi32, #tpu.memory_space<vmem>>
          %dma_start3A_127 = arith.constant 0 : i32
          %dma_start3A_128 = arith.constant 0 : i32
          %dma_start3A_129 = tpu.memref_slice %arg2[%dma_start3A_127, %dma_start3A_128] : memref<10000x128xf32, #tpu.memory_space<hbm>> -> memref<10000x128xf32, #tpu.memory_space<hbm>>
          tpu.enqueue_indirect_dma source(%dma_start3A_129 : memref<10000x128xf32, #tpu.memory_space<hbm>>) target(%arg8 : memref<128x128xf32, #tpu.memory_space<vmem>>) offsets(%dma_start3A_126 : memref<128xi32, #tpu.memory_space<vmem>>) semaphore(%arg11 : memref<!tpu.dma_semaphore, #tpu.memory_space<semaphore_mem>>)
        } else {
        }
        %add3A_111 = arith.constant 1 : i32
        %add3A_112 = arith.addi %mul3A_95, %add3A_111 : i32
        %dma_wait3A_113 = arith.constant 0 : i32
        %dma_wait3A_114 = tpu.memref_slice %arg6[%add3A_112, %dma_wait3A_113] : memref<40x128xi32, #tpu.memory_space<vmem>> -> memref<1x128xi32, #tpu.memory_space<vmem>>
        %dma_wait3A_115 = tpu.memref_squeeze %dma_wait3A_114 : memref<1x128xi32, #tpu.memory_space<vmem>> -> memref<128xi32, #tpu.memory_space<vmem>>
        %dma_wait3A_116 = arith.constant 0 : i32
        %dma_wait3A_117 = arith.constant 0 : i32
        %dma_wait3A_118 = tpu.memref_slice %arg2[%dma_wait3A_116, %dma_wait3A_117] : memref<10000x128xf32, #tpu.memory_space<hbm>> -> memref<10000x128xf32, #tpu.memory_space<hbm>>
        tpu.wait_indirect_dma semaphore(%arg12 : memref<!tpu.dma_semaphore, #tpu.memory_space<semaphore_mem>>) src(%dma_wait3A_118 : memref<10000x128xf32, #tpu.memory_space<hbm>>) dst(%arg9 : memref<128x128xf32, #tpu.memory_space<vmem>>)
        %add3A_119 = arith.constant 1 : i32
        %add3A_120 = arith.addi %mul3A_95, %add3A_119 : i32
        "tpu.region"() ({
          %run_scoped3A = tpu.sem_alloc : memref<!tpu.dma_semaphore, #tpu.memory_space<semaphore_mem>>
          %dma_start3A_122 = arith.constant 0 : i32
          %dma_start3A_123 = tpu.memref_slice %arg7[%add3A_120, %dma_start3A_122] : memref<40x128xi32, #tpu.memory_space<vmem>> -> memref<1x128xi32, #tpu.memory_space<vmem>>
          %dma_start3A_124 = tpu.memref_squeeze %dma_start3A_123 : memref<1x128xi32, #tpu.memory_space<vmem>> -> memref<128xi32, #tpu.memory_space<vmem>>
          %dma_start3A_125 = arith.constant 0 : i32
          %dma_start3A_126 = arith.constant 0 : i32
          %dma_start3A_127 = tpu.memref_slice %arg10[%dma_start3A_125, %dma_start3A_126] : memref<10240x128xf32, #tpu.memory_space<vmem_shared>> -> memref<10240x128xf32, #tpu.memory_space<vmem_shared>>
          tpu.enqueue_indirect_dma source(%arg9 : memref<128x128xf32, #tpu.memory_space<vmem>>) target(%dma_start3A_127 : memref<10240x128xf32, #tpu.memory_space<vmem_shared>>) offsets(%dma_start3A_124 : memref<128xi32, #tpu.memory_space<vmem>>) semaphore(%run_scoped3A : memref<!tpu.dma_semaphore, #tpu.memory_space<semaphore_mem>>) {add = true}
          %dma_wait3A_128 = arith.constant 0 : i32
          %dma_wait3A_129 = tpu.memref_slice %arg7[%add3A_120, %dma_wait3A_128] : memref<40x128xi32, #tpu.memory_space<vmem>> -> memref<1x128xi32, #tpu.memory_space<vmem>>
          %dma_wait3A_130 = tpu.memref_squeeze %dma_wait3A_129 : memref<1x128xi32, #tpu.memory_space<vmem>> -> memref<128xi32, #tpu.memory_space<vmem>>
          %dma_wait3A_131 = arith.constant 0 : i32
          %dma_wait3A_132 = arith.constant 0 : i32
          %dma_wait3A_133 = tpu.memref_slice %arg10[%dma_wait3A_131, %dma_wait3A_132] : memref<10240x128xf32, #tpu.memory_space<vmem_shared>> -> memref<10240x128xf32, #tpu.memory_space<vmem_shared>>
          tpu.wait_indirect_dma semaphore(%run_scoped3A : memref<!tpu.dma_semaphore, #tpu.memory_space<semaphore_mem>>) src(%arg9 : memref<128x128xf32, #tpu.memory_space<vmem>>) dst(%dma_wait3A_133 : memref<10240x128xf32, #tpu.memory_space<vmem_shared>>)
          tpu.yield
        }) : () -> ()
        %scan3A_121 = arith.constant 0 : i32
        scf.yield %scan3A_121 : i32
      }
      %scan3A_90 = arith.constant 20 : i32
      %while3A_91 = arith.constant 0 : i32
      scf.yield %while3A_91 : i32
    }
    %barrier3A_65 = arith.constant 0 : index
    tpu.barrier barrier_id(%barrier3A_65)
    %mul3A_66 = arith.constant 640 : i32
    %mul3A_67 = arith.muli %arg1, %mul3A_66 : i32
    %mul3A_68 = arith.constant 640 : i32
    %mul3A_69 = arith.muli %arg1, %mul3A_68 : i32
    "tpu.region"() ({
      %run_scoped3A = tpu.sem_alloc : memref<!tpu.dma_semaphore, #tpu.memory_space<semaphore_mem>>
      %dma_start3A = arith.constant 0 : i32
      %dma_start3A_70 = tpu.memref_slice %arg5[%arg0, %mul3A_69, %dma_start3A] : memref<2x10240x128xf32, #tpu.memory_space<hbm>> -> memref<1x640x128xf32, #tpu.memory_space<hbm>>
      %dma_start3A_71 = tpu.memref_squeeze %dma_start3A_70 : memref<1x640x128xf32, #tpu.memory_space<hbm>> -> memref<640x128xf32, #tpu.memory_space<hbm>>
      %dma_start3A_72 = arith.constant 0 : i32
      %dma_start3A_73 = tpu.memref_slice %arg10[%mul3A_67, %dma_start3A_72] : memref<10240x128xf32, #tpu.memory_space<vmem_shared>> -> memref<640x128xf32, #tpu.memory_space<vmem_shared>>
      tpu.enqueue_dma source(%dma_start3A_73 : memref<640x128xf32, #tpu.memory_space<vmem_shared>>) target(%dma_start3A_71 : memref<640x128xf32, #tpu.memory_space<hbm>>) target_semaphore(%run_scoped3A : memref<!tpu.dma_semaphore, #tpu.memory_space<semaphore_mem>>)
      %dma_wait3A = arith.constant 0 : i32
      %dma_wait3A_74 = tpu.memref_slice %arg5[%arg0, %mul3A_69, %dma_wait3A] : memref<2x10240x128xf32, #tpu.memory_space<hbm>> -> memref<1x640x128xf32, #tpu.memory_space<hbm>>
      %dma_wait3A_75 = tpu.memref_squeeze %dma_wait3A_74 : memref<1x640x128xf32, #tpu.memory_space<hbm>> -> memref<640x128xf32, #tpu.memory_space<hbm>>
      %dma_wait3A_76 = arith.constant 0 : i32
      %dma_wait3A_77 = tpu.memref_slice %arg10[%mul3A_67, %dma_wait3A_76] : memref<10240x128xf32, #tpu.memory_space<vmem_shared>> -> memref<640x128xf32, #tpu.memory_space<vmem_shared>>
      tpu.wait_dma2 semaphore(%run_scoped3A : memref<!tpu.dma_semaphore, #tpu.memory_space<semaphore_mem>>) src(%dma_wait3A_77 : memref<640x128xf32, #tpu.memory_space<vmem_shared>>) dst(%dma_wait3A_75 : memref<640x128xf32, #tpu.memory_space<hbm>>)
      tpu.yield
    }) : () -> ()
    return
  }
}

#map = affine_map<(d0, d1) -> (0, 0)>
#map1 = affine_map<(d0, d1) -> (0, 0, 0)>
module attributes {stable_mosaic.version = 14 : i64} {
  func.func @body(%arg0: i32, %arg1: i32, %arg2: memref<10000x128xf32, #tpu.memory_space<hbm>>, %arg3: memref<2560x128xi32, #tpu.memory_space<hbm>>, %arg4: memref<2560x128xi32, #tpu.memory_space<hbm>>, %arg5: memref<2x10240x128xf32, #tpu.memory_space<hbm>>, %arg6: memref<40x128xi32, #tpu.memory_space<vmem>>, %arg7: memref<40x128xi32, #tpu.memory_space<vmem>>, %arg8: memref<128x128xf32, #tpu.memory_space<vmem>>, %arg9: memref<128x128xf32, #tpu.memory_space<vmem>>, %arg10: memref<10240x128xf32, #tpu.memory_space<vmem_shared>>, %arg11: memref<!tpu.dma_semaphore, #tpu.memory_space<semaphore_mem>>, %arg12: memref<!tpu.dma_semaphore, #tpu.memory_space<semaphore_mem>>) attributes {dimension_semantics = [#tpu.dimension_semantics<core_parallel>, #tpu.dimension_semantics<subcore_parallel>], iteration_bounds = array<i64: 2, 16>, scalar_prefetch = 0 : i64, scratch_operands = 7 : i64, tpu.core_type = #tpu.core_type<sc_vector_subcore>, window_params = [{transform_indices = #map}, {transform_indices = #map}, {transform_indices = #map}, {transform_indices = #map1}]} {
    %broadcast_in_dim3A = arith.constant 0.000000e+00 : f32
    %broadcast_in_dim3A_0 = vector.broadcast %broadcast_in_dim3A : f32 to vector<16xf32>
    %scan3A = arith.constant 0 : i32
    %scan3A_1 = arith.constant 0 : i32
    %scan3A_2 = arith.constant 1024 : i32
    %scan3A_3 = arith.addi %scan3A_1, %scan3A_2 : i32
    %scan3A_4 = arith.constant 1 : i32
    %scan3A_5 = scf.for %scan3A_70 = %scan3A_1 to %scan3A_3 step %scan3A_4 iter_args(%scan3A_71 = %scan3A) -> (i32)  : i32 {
      %jit3A_72 = arith.constant 8 : i32
      %div3A_73 = arith.divsi %scan3A_70, %jit3A_72 : i32
      %sign3A_74 = arith.constant 0 : i32
      %sign3A_75 = arith.cmpi sgt, %scan3A_70, %sign3A_74 : i32
      %sign3A_76 = arith.extui %sign3A_75 : i1 to i32
      %sign3A_77 = arith.constant 0 : i32
      %sign3A_78 = arith.cmpi slt, %scan3A_70, %sign3A_77 : i32
      %sign3A_79 = arith.extui %sign3A_78 : i1 to i32
      %sign3A_80 = arith.subi %sign3A_76, %sign3A_79 : i32
      %sign3A_81 = arith.constant 0 : i32
      %sign3A_82 = arith.cmpi sgt, %jit3A_72, %sign3A_81 : i32
      %sign3A_83 = arith.extui %sign3A_82 : i1 to i32
      %sign3A_84 = arith.constant 0 : i32
      %sign3A_85 = arith.cmpi slt, %jit3A_72, %sign3A_84 : i32
      %sign3A_86 = arith.extui %sign3A_85 : i1 to i32
      %sign3A_87 = arith.subi %sign3A_83, %sign3A_86 : i32
      %ne3A_88 = arith.cmpi ne, %sign3A_80, %sign3A_87 : i32
      %rem3A_89 = arith.remsi %scan3A_70, %jit3A_72 : i32
      %ne3A_90 = arith.constant 0 : i32
      %ne3A_91 = arith.cmpi ne, %rem3A_89, %ne3A_90 : i32
      %and3A_92 = arith.andi %ne3A_88, %ne3A_91 : i1
      %sub3A_93 = arith.constant 1 : i32
      %sub3A_94 = arith.subi %div3A_73, %sub3A_93 : i32
      %select_n3A_95 = arith.select %and3A_92, %sub3A_94, %div3A_73 : i32
      %jit3A_96 = arith.constant 8 : i32
      %eq3A_97 = arith.constant 0 : i32
      %eq3A_98 = arith.cmpi eq, %jit3A_96, %eq3A_97 : i32
      %jit3A_99 = arith.constant 1 : i32
      %select_n3A_100 = arith.select %eq3A_98, %jit3A_99, %jit3A_96 : i32
      %rem3A_101 = arith.remsi %scan3A_70, %select_n3A_100 : i32
      %ne3A_102 = arith.constant 0 : i32
      %ne3A_103 = arith.cmpi ne, %rem3A_101, %ne3A_102 : i32
      %lt3A = arith.constant 0 : i32
      %lt3A_104 = arith.cmpi slt, %rem3A_101, %lt3A : i32
      %lt3A_105 = arith.constant 0 : i32
      %lt3A_106 = arith.cmpi slt, %select_n3A_100, %lt3A_105 : i32
      %ne3A_107 = arith.xori %lt3A_104, %lt3A_106 : i1
      %and3A_108 = arith.andi %ne3A_107, %ne3A_103 : i1
      %add3A_109 = arith.addi %rem3A_101, %select_n3A_100 : i32
      %select_n3A_110 = arith.select %and3A_108, %add3A_109, %rem3A_101 : i32
      %mul3A_111 = arith.constant 16 : i32
      %mul3A_112 = arith.muli %select_n3A_110, %mul3A_111 : i32
      %swap3A = arith.index_cast %select_n3A_95 : i32 to index
      %swap3A_113 = arith.index_cast %mul3A_112 : i32 to index
      %swap3A_114 = tpu.vector_load %arg8[%swap3A, %swap3A_113] {strides = array<i32>} : memref<128x128xf32, #tpu.memory_space<vmem>>, vector<1x16xf32>,
      %swap3A_115 = vector.shape_cast %swap3A_114 : vector<1x16xf32> to vector<16xf32>
      %swap3A_116 = vector.shape_cast %broadcast_in_dim3A_0 : vector<16xf32> to vector<1x16xf32>
      tpu.vector_store %arg8[%swap3A, %swap3A_113], %swap3A_116 {strides = array<i32>} : memref<128x128xf32, #tpu.memory_space<vmem>>, vector<1x16xf32>,
      %scan3A_117 = arith.constant 0 : i32
      scf.yield %scan3A_117 : i32
    }
    %scan3A_6 = arith.constant 1024 : i32
    %mul3A = arith.constant 640 : i32
    %mul3A_7 = arith.muli %arg1, %mul3A : i32
    %add3A = arith.constant 0 : i32
    %add3A_8 = arith.addi %mul3A_7, %add3A : i32
    "tpu.region"() ({
      %run_scoped3A = tpu.sem_alloc : memref<!tpu.dma_semaphore, #tpu.memory_space<semaphore_mem>>
      %dma_start3A = arith.constant 0 : i32
      %dma_start3A_70 = tpu.memref_slice %arg10[%add3A_8, %dma_start3A] : memref<10240x128xf32, #tpu.memory_space<vmem_shared>> -> memref<128x128xf32, #tpu.memory_space<vmem_shared>>
      %dma_start3A_71 = arith.constant 0 : i32
      %dma_start3A_72 = tpu.memref_slice %arg10[%add3A_8, %dma_start3A_71] : memref<10240x128xf32, #tpu.memory_space<vmem_shared>> -> memref<128x128xf32, #tpu.memory_space<vmem_shared>>
      tpu.enqueue_dma source(%arg8 : memref<128x128xf32, #tpu.memory_space<vmem>>) target(%dma_start3A_72 : memref<128x128xf32, #tpu.memory_space<vmem_shared>>) target_semaphore(%run_scoped3A : memref<!tpu.dma_semaphore, #tpu.memory_space<semaphore_mem>>)
      %dma_wait3A = arith.constant 0 : i32
      %dma_wait3A_73 = tpu.memref_slice %arg10[%add3A_8, %dma_wait3A] : memref<10240x128xf32, #tpu.memory_space<vmem_shared>> -> memref<128x128xf32, #tpu.memory_space<vmem_shared>>
      %dma_wait3A_74 = arith.constant 0 : i32
      %dma_wait3A_75 = tpu.memref_slice %arg10[%add3A_8, %dma_wait3A_74] : memref<10240x128xf32, #tpu.memory_space<vmem_shared>> -> memref<128x128xf32, #tpu.memory_space<vmem_shared>>
      tpu.wait_dma2 semaphore(%run_scoped3A : memref<!tpu.dma_semaphore, #tpu.memory_space<semaphore_mem>>) src(%arg8 : memref<128x128xf32, #tpu.memory_space<vmem>>) dst(%dma_wait3A_75 : memref<128x128xf32, #tpu.memory_space<vmem_shared>>)
      tpu.yield
    }) : () -> ()
    %mul3A_9 = arith.constant 640 : i32
    %mul3A_10 = arith.muli %arg1, %mul3A_9 : i32
    %add3A_11 = arith.constant 128 : i32
    %add3A_12 = arith.addi %mul3A_10, %add3A_11 : i32
    "tpu.region"() ({
      %run_scoped3A = tpu.sem_alloc : memref<!tpu.dma_semaphore, #tpu.memory_space<semaphore_mem>>
      %dma_start3A = arith.constant 0 : i32
      %dma_start3A_70 = tpu.memref_slice %arg10[%add3A_12, %dma_start3A] : memref<10240x128xf32, #tpu.memory_space<vmem_shared>> -> memref<128x128xf32, #tpu.memory_space<vmem_shared>>
      %dma_start3A_71 = arith.constant 0 : i32
      %dma_start3A_72 = tpu.memref_slice %arg10[%add3A_12, %dma_start3A_71] : memref<10240x128xf32, #tpu.memory_space<vmem_shared>> -> memref<128x128xf32, #tpu.memory_space<vmem_shared>>
      tpu.enqueue_dma source(%arg8 : memref<128x128xf32, #tpu.memory_space<vmem>>) target(%dma_start3A_72 : memref<128x128xf32, #tpu.memory_space<vmem_shared>>) target_semaphore(%run_scoped3A : memref<!tpu.dma_semaphore, #tpu.memory_space<semaphore_mem>>)
      %dma_wait3A = arith.constant 0 : i32
      %dma_wait3A_73 = tpu.memref_slice %arg10[%add3A_12, %dma_wait3A] : memref<10240x128xf32, #tpu.memory_space<vmem_shared>> -> memref<128x128xf32, #tpu.memory_space<vmem_shared>>
      %dma_wait3A_74 = arith.constant 0 : i32
      %dma_wait3A_75 = tpu.memref_slice %arg10[%add3A_12, %dma_wait3A_74] : memref<10240x128xf32, #tpu.memory_space<vmem_shared>> -> memref<128x128xf32, #tpu.memory_space<vmem_shared>>
      tpu.wait_dma2 semaphore(%run_scoped3A : memref<!tpu.dma_semaphore, #tpu.memory_space<semaphore_mem>>) src(%arg8 : memref<128x128xf32, #tpu.memory_space<vmem>>) dst(%dma_wait3A_75 : memref<128x128xf32, #tpu.memory_space<vmem_shared>>)
      tpu.yield
    }) : () -> ()
    %mul3A_13 = arith.constant 640 : i32
    %mul3A_14 = arith.muli %arg1, %mul3A_13 : i32
    %add3A_15 = arith.constant 256 : i32
    %add3A_16 = arith.addi %mul3A_14, %add3A_15 : i32
    "tpu.region"() ({
      %run_scoped3A = tpu.sem_alloc : memref<!tpu.dma_semaphore, #tpu.memory_space<semaphore_mem>>
      %dma_start3A = arith.constant 0 : i32
      %dma_start3A_70 = tpu.memref_slice %arg10[%add3A_16, %dma_start3A] : memref<10240x128xf32, #tpu.memory_space<vmem_shared>> -> memref<128x128xf32, #tpu.memory_space<vmem_shared>>
      %dma_start3A_71 = arith.constant 0 : i32
      %dma_start3A_72 = tpu.memref_slice %arg10[%add3A_16, %dma_start3A_71] : memref<10240x128xf32, #tpu.memory_space<vmem_shared>> -> memref<128x128xf32, #tpu.memory_space<vmem_shared>>
      tpu.enqueue_dma source(%arg8 : memref<128x128xf32, #tpu.memory_space<vmem>>) target(%dma_start3A_72 : memref<128x128xf32, #tpu.memory_space<vmem_shared>>) target_semaphore(%run_scoped3A : memref<!tpu.dma_semaphore, #tpu.memory_space<semaphore_mem>>)
      %dma_wait3A = arith.constant 0 : i32
      %dma_wait3A_73 = tpu.memref_slice %arg10[%add3A_16, %dma_wait3A] : memref<10240x128xf32, #tpu.memory_space<vmem_shared>> -> memref<128x128xf32, #tpu.memory_space<vmem_shared>>
      %dma_wait3A_74 = arith.constant 0 : i32
      %dma_wait3A_75 = tpu.memref_slice %arg10[%add3A_16, %dma_wait3A_74] : memref<10240x128xf32, #tpu.memory_space<vmem_shared>> -> memref<128x128xf32, #tpu.memory_space<vmem_shared>>
      tpu.wait_dma2 semaphore(%run_scoped3A : memref<!tpu.dma_semaphore, #tpu.memory_space<semaphore_mem>>) src(%arg8 : memref<128x128xf32, #tpu.memory_space<vmem>>) dst(%dma_wait3A_75 : memref<128x128xf32, #tpu.memory_space<vmem_shared>>)
      tpu.yield
    }) : () -> ()
    %mul3A_17 = arith.constant 640 : i32
    %mul3A_18 = arith.muli %arg1, %mul3A_17 : i32
    %add3A_19 = arith.constant 384 : i32
    %add3A_20 = arith.addi %mul3A_18, %add3A_19 : i32
    "tpu.region"() ({
      %run_scoped3A = tpu.sem_alloc : memref<!tpu.dma_semaphore, #tpu.memory_space<semaphore_mem>>
      %dma_start3A = arith.constant 0 : i32
      %dma_start3A_70 = tpu.memref_slice %arg10[%add3A_20, %dma_start3A] : memref<10240x128xf32, #tpu.memory_space<vmem_shared>> -> memref<128x128xf32, #tpu.memory_space<vmem_shared>>
      %dma_start3A_71 = arith.constant 0 : i32
      %dma_start3A_72 = tpu.memref_slice %arg10[%add3A_20, %dma_start3A_71] : memref<10240x128xf32, #tpu.memory_space<vmem_shared>> -> memref<128x128xf32, #tpu.memory_space<vmem_shared>>
      tpu.enqueue_dma source(%arg8 : memref<128x128xf32, #tpu.memory_space<vmem>>) target(%dma_start3A_72 : memref<128x128xf32, #tpu.memory_space<vmem_shared>>) target_semaphore(%run_scoped3A : memref<!tpu.dma_semaphore, #tpu.memory_space<semaphore_mem>>)
      %dma_wait3A = arith.constant 0 : i32
      %dma_wait3A_73 = tpu.memref_slice %arg10[%add3A_20, %dma_wait3A] : memref<10240x128xf32, #tpu.memory_space<vmem_shared>> -> memref<128x128xf32, #tpu.memory_space<vmem_shared>>
      %dma_wait3A_74 = arith.constant 0 : i32
      %dma_wait3A_75 = tpu.memref_slice %arg10[%add3A_20, %dma_wait3A_74] : memref<10240x128xf32, #tpu.memory_space<vmem_shared>> -> memref<128x128xf32, #tpu.memory_space<vmem_shared>>
      tpu.wait_dma2 semaphore(%run_scoped3A : memref<!tpu.dma_semaphore, #tpu.memory_space<semaphore_mem>>) src(%arg8 : memref<128x128xf32, #tpu.memory_space<vmem>>) dst(%dma_wait3A_75 : memref<128x128xf32, #tpu.memory_space<vmem_shared>>)
      tpu.yield
    }) : () -> ()
    %mul3A_21 = arith.constant 640 : i32
    %mul3A_22 = arith.muli %arg1, %mul3A_21 : i32
    %add3A_23 = arith.constant 512 : i32
    %add3A_24 = arith.addi %mul3A_22, %add3A_23 : i32
    "tpu.region"() ({
      %run_scoped3A = tpu.sem_alloc : memref<!tpu.dma_semaphore, #tpu.memory_space<semaphore_mem>>
      %dma_start3A = arith.constant 0 : i32
      %dma_start3A_70 = tpu.memref_slice %arg10[%add3A_24, %dma_start3A] : memref<10240x128xf32, #tpu.memory_space<vmem_shared>> -> memref<128x128xf32, #tpu.memory_space<vmem_shared>>
      %dma_start3A_71 = arith.constant 0 : i32
      %dma_start3A_72 = tpu.memref_slice %arg10[%add3A_24, %dma_start3A_71] : memref<10240x128xf32, #tpu.memory_space<vmem_shared>> -> memref<128x128xf32, #tpu.memory_space<vmem_shared>>
      tpu.enqueue_dma source(%arg8 : memref<128x128xf32, #tpu.memory_space<vmem>>) target(%dma_start3A_72 : memref<128x128xf32, #tpu.memory_space<vmem_shared>>) target_semaphore(%run_scoped3A : memref<!tpu.dma_semaphore, #tpu.memory_space<semaphore_mem>>)
      %dma_wait3A = arith.constant 0 : i32
      %dma_wait3A_73 = tpu.memref_slice %arg10[%add3A_24, %dma_wait3A] : memref<10240x128xf32, #tpu.memory_space<vmem_shared>> -> memref<128x128xf32, #tpu.memory_space<vmem_shared>>
      %dma_wait3A_74 = arith.constant 0 : i32
      %dma_wait3A_75 = tpu.memref_slice %arg10[%add3A_24, %dma_wait3A_74] : memref<10240x128xf32, #tpu.memory_space<vmem_shared>> -> memref<128x128xf32, #tpu.memory_space<vmem_shared>>
      tpu.wait_dma2 semaphore(%run_scoped3A : memref<!tpu.dma_semaphore, #tpu.memory_space<semaphore_mem>>) src(%arg8 : memref<128x128xf32, #tpu.memory_space<vmem>>) dst(%dma_wait3A_75 : memref<128x128xf32, #tpu.memory_space<vmem_shared>>)
      tpu.yield
    }) : () -> ()
    %barrier3A = arith.constant 0 : index
    tpu.barrier barrier_id(%barrier3A)
    %eq3A = arith.constant 1 : i32
    %eq3A_25 = arith.cmpi eq, %arg0, %eq3A : i32
    %jit3A = arith.constant 80 : i32
    %jit3A_26 = arith.constant 80 : i32
    %select_n3A = arith.select %eq3A_25, %jit3A, %jit3A_26 : i32
    %eq3A_27 = arith.constant 1 : i32
    %eq3A_28 = arith.cmpi eq, %arg0, %eq3A_27 : i32
    %mul3A_29 = arith.constant 80 : i32
    %mul3A_30 = arith.muli %arg1, %mul3A_29 : i32
    %add3A_31 = arith.constant 1280 : i32
    %add3A_32 = arith.addi %add3A_31, %mul3A_30 : i32
    %mul3A_33 = arith.constant 80 : i32
    %mul3A_34 = arith.muli %arg1, %mul3A_33 : i32
    %select_n3A_35 = arith.select %eq3A_28, %add3A_32, %mul3A_34 : i32
    %jit3A_36 = arith.constant 40 : i32
    %div3A = arith.divsi %select_n3A, %jit3A_36 : i32
    %sign3A = arith.constant 0 : i32
    %sign3A_37 = arith.cmpi sgt, %select_n3A, %sign3A : i32
    %sign3A_38 = arith.extui %sign3A_37 : i1 to i32
    %sign3A_39 = arith.constant 0 : i32
    %sign3A_40 = arith.cmpi slt, %select_n3A, %sign3A_39 : i32
    %sign3A_41 = arith.extui %sign3A_40 : i1 to i32
    %sign3A_42 = arith.subi %sign3A_38, %sign3A_41 : i32
    %sign3A_43 = arith.constant 0 : i32
    %sign3A_44 = arith.cmpi sgt, %jit3A_36, %sign3A_43 : i32
    %sign3A_45 = arith.extui %sign3A_44 : i1 to i32
    %sign3A_46 = arith.constant 0 : i32
    %sign3A_47 = arith.cmpi slt, %jit3A_36, %sign3A_46 : i32
    %sign3A_48 = arith.extui %sign3A_47 : i1 to i32
    %sign3A_49 = arith.subi %sign3A_45, %sign3A_48 : i32
    %ne3A = arith.cmpi ne, %sign3A_42, %sign3A_49 : i32
    %rem3A = arith.remsi %select_n3A, %jit3A_36 : i32
    %ne3A_50 = arith.constant 0 : i32
    %ne3A_51 = arith.cmpi ne, %rem3A, %ne3A_50 : i32
    %and3A = arith.andi %ne3A, %ne3A_51 : i1
    %sub3A = arith.constant 1 : i32
    %sub3A_52 = arith.subi %div3A, %sub3A : i32
    %select_n3A_53 = arith.select %and3A, %sub3A_52, %div3A : i32
    %while3A = arith.constant 0 : i32
    %while3A_54 = arith.constant 0 : i32
    %while3A_55 = arith.subi %select_n3A_53, %while3A : i32
    %while3A_56 = arith.addi %while3A, %while3A_55 : i32
    %while3A_57 = arith.constant 1 : i32
    %while3A_58 = arith.divsi %while3A_55, %while3A_57 : i32
    %while3A_59 = arith.muli %while3A_58, %while3A_57 : i32
    %while3A_60 = arith.addi %while3A, %while3A_59 : i32
    %while3A_61 = arith.constant 1 : i32
    %while3A_62 = scf.for %while3A_70 = %while3A to %while3A_60 step %while3A_61 iter_args(%while3A_71 = %while3A_54) -> (i32)  : i32 {
      %mul3A_72 = arith.constant 40 : i32
      %mul3A_73 = arith.muli %while3A_70, %mul3A_72 : i32
      %add3A_74 = arith.addi %select_n3A_35, %mul3A_73 : i32
      "tpu.region"() ({
        %run_scoped3A = tpu.sem_alloc : memref<!tpu.dma_semaphore, #tpu.memory_space<semaphore_mem>>
        %dma_start3A_92 = arith.constant 0 : i32
        %dma_start3A_93 = tpu.memref_slice %arg3[%add3A_74, %dma_start3A_92] : memref<2560x128xi32, #tpu.memory_space<hbm>> -> memref<40x128xi32, #tpu.memory_space<hbm>>
        %dma_start3A_94 = arith.constant 0 : i32
        %dma_start3A_95 = tpu.memref_slice %arg3[%add3A_74, %dma_start3A_94] : memref<2560x128xi32, #tpu.memory_space<hbm>> -> memref<40x128xi32, #tpu.memory_space<hbm>>
        tpu.enqueue_dma source(%dma_start3A_95 : memref<40x128xi32, #tpu.memory_space<hbm>>) target(%arg6 : memref<40x128xi32, #tpu.memory_space<vmem>>) target_semaphore(%run_scoped3A : memref<!tpu.dma_semaphore, #tpu.memory_space<semaphore_mem>>)
        %dma_wait3A = arith.constant 0 : i32
        %dma_wait3A_96 = tpu.memref_slice %arg3[%add3A_74, %dma_wait3A] : memref<2560x128xi32, #tpu.memory_space<hbm>> -> memref<40x128xi32, #tpu.memory_space<hbm>>
        %dma_wait3A_97 = arith.constant 0 : i32
        %dma_wait3A_98 = tpu.memref_slice %arg3[%add3A_74, %dma_wait3A_97] : memref<2560x128xi32, #tpu.memory_space<hbm>> -> memref<40x128xi32, #tpu.memory_space<hbm>>
        tpu.wait_dma2 semaphore(%run_scoped3A : memref<!tpu.dma_semaphore, #tpu.memory_space<semaphore_mem>>) src(%dma_wait3A_98 : memref<40x128xi32, #tpu.memory_space<hbm>>) dst(%arg6 : memref<40x128xi32, #tpu.memory_space<vmem>>)
        tpu.yield
      }) : () -> ()
      %mul3A_75 = arith.constant 40 : i32
      %mul3A_76 = arith.muli %while3A_70, %mul3A_75 : i32
      %add3A_77 = arith.addi %select_n3A_35, %mul3A_76 : i32
      "tpu.region"() ({
        %run_scoped3A = tpu.sem_alloc : memref<!tpu.dma_semaphore, #tpu.memory_space<semaphore_mem>>
        %dma_start3A_92 = arith.constant 0 : i32
        %dma_start3A_93 = tpu.memref_slice %arg4[%add3A_77, %dma_start3A_92] : memref<2560x128xi32, #tpu.memory_space<hbm>> -> memref<40x128xi32, #tpu.memory_space<hbm>>
        %dma_start3A_94 = arith.constant 0 : i32
        %dma_start3A_95 = tpu.memref_slice %arg4[%add3A_77, %dma_start3A_94] : memref<2560x128xi32, #tpu.memory_space<hbm>> -> memref<40x128xi32, #tpu.memory_space<hbm>>
        tpu.enqueue_dma source(%dma_start3A_95 : memref<40x128xi32, #tpu.memory_space<hbm>>) target(%arg7 : memref<40x128xi32, #tpu.memory_space<vmem>>) target_semaphore(%run_scoped3A : memref<!tpu.dma_semaphore, #tpu.memory_space<semaphore_mem>>)
        %dma_wait3A = arith.constant 0 : i32
        %dma_wait3A_96 = tpu.memref_slice %arg4[%add3A_77, %dma_wait3A] : memref<2560x128xi32, #tpu.memory_space<hbm>> -> memref<40x128xi32, #tpu.memory_space<hbm>>
        %dma_wait3A_97 = arith.constant 0 : i32
        %dma_wait3A_98 = tpu.memref_slice %arg4[%add3A_77, %dma_wait3A_97] : memref<2560x128xi32, #tpu.memory_space<hbm>> -> memref<40x128xi32, #tpu.memory_space<hbm>>
        tpu.wait_dma2 semaphore(%run_scoped3A : memref<!tpu.dma_semaphore, #tpu.memory_space<semaphore_mem>>) src(%dma_wait3A_98 : memref<40x128xi32, #tpu.memory_space<hbm>>) dst(%arg7 : memref<40x128xi32, #tpu.memory_space<vmem>>)
        tpu.yield
      }) : () -> ()
      %dma_start3A = arith.constant 0 : i32
      %dma_start3A_78 = arith.constant 0 : i32
      %dma_start3A_79 = tpu.memref_slice %arg6[%dma_start3A, %dma_start3A_78] : memref<40x128xi32, #tpu.memory_space<vmem>> -> memref<1x128xi32, #tpu.memory_space<vmem>>
      %dma_start3A_80 = tpu.memref_squeeze %dma_start3A_79 : memref<1x128xi32, #tpu.memory_space<vmem>> -> memref<128xi32, #tpu.memory_space<vmem>>
      %dma_start3A_81 = arith.constant 0 : i32
      %dma_start3A_82 = arith.constant 0 : i32
      %dma_start3A_83 = tpu.memref_slice %arg2[%dma_start3A_81, %dma_start3A_82] : memref<10000x128xf32, #tpu.memory_space<hbm>> -> memref<10000x128xf32, #tpu.memory_space<hbm>>
      tpu.enqueue_indirect_dma source(%dma_start3A_83 : memref<10000x128xf32, #tpu.memory_space<hbm>>) target(%arg8 : memref<128x128xf32, #tpu.memory_space<vmem>>) offsets(%dma_start3A_80 : memref<128xi32, #tpu.memory_space<vmem>>) semaphore(%arg11 : memref<!tpu.dma_semaphore, #tpu.memory_space<semaphore_mem>>)
      %scan3A_84 = arith.constant 0 : i32
      %scan3A_85 = arith.constant 0 : i32
      %scan3A_86 = arith.constant 20 : i32
      %scan3A_87 = arith.addi %scan3A_85, %scan3A_86 : i32
      %scan3A_88 = arith.constant 1 : i32
      %scan3A_89 = scf.for %scan3A_92 = %scan3A_85 to %scan3A_87 step %scan3A_88 iter_args(%scan3A_93 = %scan3A_84) -> (i32)  : i32 {
        %mul3A_94 = arith.constant 2 : i32
        %mul3A_95 = arith.muli %scan3A_92, %mul3A_94 : i32
        %add3A_96 = arith.constant 1 : i32
        %add3A_97 = arith.addi %mul3A_95, %add3A_96 : i32
        %dma_start3A_98 = arith.constant 0 : i32
        %dma_start3A_99 = tpu.memref_slice %arg6[%add3A_97, %dma_start3A_98] : memref<40x128xi32, #tpu.memory_space<vmem>> -> memref<1x128xi32, #tpu.memory_space<vmem>>
        %dma_start3A_100 = tpu.memref_squeeze %dma_start3A_99 : memref<1x128xi32, #tpu.memory_space<vmem>> -> memref<128xi32, #tpu.memory_space<vmem>>
        %dma_start3A_101 = arith.constant 0 : i32
        %dma_start3A_102 = arith.constant 0 : i32
        %dma_start3A_103 = tpu.memref_slice %arg2[%dma_start3A_101, %dma_start3A_102] : memref<10000x128xf32, #tpu.memory_space<hbm>> -> memref<10000x128xf32, #tpu.memory_space<hbm>>
        tpu.enqueue_indirect_dma source(%dma_start3A_103 : memref<10000x128xf32, #tpu.memory_space<hbm>>) target(%arg9 : memref<128x128xf32, #tpu.memory_space<vmem>>) offsets(%dma_start3A_100 : memref<128xi32, #tpu.memory_space<vmem>>) semaphore(%arg12 : memref<!tpu.dma_semaphore, #tpu.memory_space<semaphore_mem>>)
        %dma_wait3A = arith.constant 0 : i32
        %dma_wait3A_104 = tpu.memref_slice %arg6[%mul3A_95, %dma_wait3A] : memref<40x128xi32, #tpu.memory_space<vmem>> -> memref<1x128xi32, #tpu.memory_space<vmem>>
        %dma_wait3A_105 = tpu.memref_squeeze %dma_wait3A_104 : memref<1x128xi32, #tpu.memory_space<vmem>> -> memref<128xi32, #tpu.memory_space<vmem>>
        %dma_wait3A_106 = arith.constant 0 : i32
        %dma_wait3A_107 = arith.constant 0 : i32
        %dma_wait3A_108 = tpu.memref_slice %arg2[%dma_wait3A_106, %dma_wait3A_107] : memref<10000x128xf32, #tpu.memory_space<hbm>> -> memref<10000x128xf32, #tpu.memory_space<hbm>>
        tpu.wait_indirect_dma semaphore(%arg11 : memref<!tpu.dma_semaphore, #tpu.memory_space<semaphore_mem>>) src(%dma_wait3A_108 : memref<10000x128xf32, #tpu.memory_space<hbm>>) dst(%arg8 : memref<128x128xf32, #tpu.memory_space<vmem>>)
        "tpu.region"() ({
          %run_scoped3A = tpu.sem_alloc : memref<!tpu.dma_semaphore, #tpu.memory_space<semaphore_mem>>
          %dma_start3A_122 = arith.constant 0 : i32
          %dma_start3A_123 = tpu.memref_slice %arg7[%mul3A_95, %dma_start3A_122] : memref<40x128xi32, #tpu.memory_space<vmem>> -> memref<1x128xi32, #tpu.memory_space<vmem>>
          %dma_start3A_124 = tpu.memref_squeeze %dma_start3A_123 : memref<1x128xi32, #tpu.memory_space<vmem>> -> memref<128xi32, #tpu.memory_space<vmem>>
          %dma_start3A_125 = arith.constant 0 : i32
          %dma_start3A_126 = arith.constant 0 : i32
          %dma_start3A_127 = tpu.memref_slice %arg10[%dma_start3A_125, %dma_start3A_126] : memref<10240x128xf32, #tpu.memory_space<vmem_shared>> -> memref<10240x128xf32, #tpu.memory_space<vmem_shared>>
          tpu.enqueue_indirect_dma source(%arg8 : memref<128x128xf32, #tpu.memory_space<vmem>>) target(%dma_start3A_127 : memref<10240x128xf32, #tpu.memory_space<vmem_shared>>) offsets(%dma_start3A_124 : memref<128xi32, #tpu.memory_space<vmem>>) semaphore(%run_scoped3A : memref<!tpu.dma_semaphore, #tpu.memory_space<semaphore_mem>>) {add = true}
          %dma_wait3A_128 = arith.constant 0 : i32
          %dma_wait3A_129 = tpu.memref_slice %arg7[%mul3A_95, %dma_wait3A_128] : memref<40x128xi32, #tpu.memory_space<vmem>> -> memref<1x128xi32, #tpu.memory_space<vmem>>
          %dma_wait3A_130 = tpu.memref_squeeze %dma_wait3A_129 : memref<1x128xi32, #tpu.memory_space<vmem>> -> memref<128xi32, #tpu.memory_space<vmem>>
          %dma_wait3A_131 = arith.constant 0 : i32
          %dma_wait3A_132 = arith.constant 0 : i32
          %dma_wait3A_133 = tpu.memref_slice %arg10[%dma_wait3A_131, %dma_wait3A_132] : memref<10240x128xf32, #tpu.memory_space<vmem_shared>> -> memref<10240x128xf32, #tpu.memory_space<vmem_shared>>
          tpu.wait_indirect_dma semaphore(%run_scoped3A : memref<!tpu.dma_semaphore, #tpu.memory_space<semaphore_mem>>) src(%arg8 : memref<128x128xf32, #tpu.memory_space<vmem>>) dst(%dma_wait3A_133 : memref<10240x128xf32, #tpu.memory_space<vmem_shared>>)
          tpu.yield
        }) : () -> ()
        %lt3A = arith.constant 19 : i32
        %lt3A_109 = arith.cmpi slt, %scan3A_92, %lt3A : i32
        %convert_element_type3A = arith.extui %lt3A_109 : i1 to i32
        %cond3A = arith.constant 0 : i32
        %cond3A_110 = arith.cmpi ne, %convert_element_type3A, %cond3A : i32
        scf.if %cond3A_110 {
          %add3A_122 = arith.constant 2 : i32
          %add3A_123 = arith.addi %mul3A_95, %add3A_122 : i32
          %dma_start3A_124 = arith.constant 0 : i32
          %dma_start3A_125 = tpu.memref_slice %arg6[%add3A_123, %dma_start3A_124] : memref<40x128xi32, #tpu.memory_space<vmem>> -> memref<1x128xi32, #tpu.memory_space<vmem>>
          %dma_start3A_126 = tpu.memref_squeeze %dma_start3A_125 : memref<1x128xi32, #tpu.memory_space<vmem>> -> memref<128xi32, #tpu.memory_space<vmem>>
          %dma_start3A_127 = arith.constant 0 : i32
          %dma_start3A_128 = arith.constant 0 : i32
          %dma_start3A_129 = tpu.memref_slice %arg2[%dma_start3A_127, %dma_start3A_128] : memref<10000x128xf32, #tpu.memory_space<hbm>> -> memref<10000x128xf32, #tpu.memory_space<hbm>>
          tpu.enqueue_indirect_dma source(%dma_start3A_129 : memref<10000x128xf32, #tpu.memory_space<hbm>>) target(%arg8 : memref<128x128xf32, #tpu.memory_space<vmem>>) offsets(%dma_start3A_126 : memref<128xi32, #tpu.memory_space<vmem>>) semaphore(%arg11 : memref<!tpu.dma_semaphore, #tpu.memory_space<semaphore_mem>>)
        } else {
        }
        %add3A_111 = arith.constant 1 : i32
        %add3A_112 = arith.addi %mul3A_95, %add3A_111 : i32
        %dma_wait3A_113 = arith.constant 0 : i32
        %dma_wait3A_114 = tpu.memref_slice %arg6[%add3A_112, %dma_wait3A_113] : memref<40x128xi32, #tpu.memory_space<vmem>> -> memref<1x128xi32, #tpu.memory_space<vmem>>
        %dma_wait3A_115 = tpu.memref_squeeze %dma_wait3A_114 : memref<1x128xi32, #tpu.memory_space<vmem>> -> memref<128xi32, #tpu.memory_space<vmem>>
        %dma_wait3A_116 = arith.constant 0 : i32
        %dma_wait3A_117 = arith.constant 0 : i32
        %dma_wait3A_118 = tpu.memref_slice %arg2[%dma_wait3A_116, %dma_wait3A_117] : memref<10000x128xf32, #tpu.memory_space<hbm>> -> memref<10000x128xf32, #tpu.memory_space<hbm>>
        tpu.wait_indirect_dma semaphore(%arg12 : memref<!tpu.dma_semaphore, #tpu.memory_space<semaphore_mem>>) src(%dma_wait3A_118 : memref<10000x128xf32, #tpu.memory_space<hbm>>) dst(%arg9 : memref<128x128xf32, #tpu.memory_space<vmem>>)
        %add3A_119 = arith.constant 1 : i32
        %add3A_120 = arith.addi %mul3A_95, %add3A_119 : i32
        "tpu.region"() ({
          %run_scoped3A = tpu.sem_alloc : memref<!tpu.dma_semaphore, #tpu.memory_space<semaphore_mem>>
          %dma_start3A_122 = arith.constant 0 : i32
          %dma_start3A_123 = tpu.memref_slice %arg7[%add3A_120, %dma_start3A_122] : memref<40x128xi32, #tpu.memory_space<vmem>> -> memref<1x128xi32, #tpu.memory_space<vmem>>
          %dma_start3A_124 = tpu.memref_squeeze %dma_start3A_123 : memref<1x128xi32, #tpu.memory_space<vmem>> -> memref<128xi32, #tpu.memory_space<vmem>>
          %dma_start3A_125 = arith.constant 0 : i32
          %dma_start3A_126 = arith.constant 0 : i32
          %dma_start3A_127 = tpu.memref_slice %arg10[%dma_start3A_125, %dma_start3A_126] : memref<10240x128xf32, #tpu.memory_space<vmem_shared>> -> memref<10240x128xf32, #tpu.memory_space<vmem_shared>>
          tpu.enqueue_indirect_dma source(%arg9 : memref<128x128xf32, #tpu.memory_space<vmem>>) target(%dma_start3A_127 : memref<10240x128xf32, #tpu.memory_space<vmem_shared>>) offsets(%dma_start3A_124 : memref<128xi32, #tpu.memory_space<vmem>>) semaphore(%run_scoped3A : memref<!tpu.dma_semaphore, #tpu.memory_space<semaphore_mem>>) {add = true}
          %dma_wait3A_128 = arith.constant 0 : i32
          %dma_wait3A_129 = tpu.memref_slice %arg7[%add3A_120, %dma_wait3A_128] : memref<40x128xi32, #tpu.memory_space<vmem>> -> memref<1x128xi32, #tpu.memory_space<vmem>>
          %dma_wait3A_130 = tpu.memref_squeeze %dma_wait3A_129 : memref<1x128xi32, #tpu.memory_space<vmem>> -> memref<128xi32, #tpu.memory_space<vmem>>
          %dma_wait3A_131 = arith.constant 0 : i32
          %dma_wait3A_132 = arith.constant 0 : i32
          %dma_wait3A_133 = tpu.memref_slice %arg10[%dma_wait3A_131, %dma_wait3A_132] : memref<10240x128xf32, #tpu.memory_space<vmem_shared>> -> memref<10240x128xf32, #tpu.memory_space<vmem_shared>>
          tpu.wait_indirect_dma semaphore(%run_scoped3A : memref<!tpu.dma_semaphore, #tpu.memory_space<semaphore_mem>>) src(%arg9 : memref<128x128xf32, #tpu.memory_space<vmem>>) dst(%dma_wait3A_133 : memref<10240x128xf32, #tpu.memory_space<vmem_shared>>)
          tpu.yield
        }) : () -> ()
        %scan3A_121 = arith.constant 0 : i32
        scf.yield %scan3A_121 : i32
      }
      %scan3A_90 = arith.constant 20 : i32
      %while3A_91 = arith.constant 0 : i32
      scf.yield %while3A_91 : i32
    }
    %while3A_63 = arith.constant 1 : i32
    %while3A_64 = scf.for %while3A_70 = %while3A_60 to %while3A_56 step %while3A_63 iter_args(%while3A_71 = %while3A_62) -> (i32)  : i32 {
      %mul3A_72 = arith.constant 40 : i32
      %mul3A_73 = arith.muli %while3A_70, %mul3A_72 : i32
      %add3A_74 = arith.addi %select_n3A_35, %mul3A_73 : i32
      "tpu.region"() ({
        %run_scoped3A = tpu.sem_alloc : memref<!tpu.dma_semaphore, #tpu.memory_space<semaphore_mem>>
        %dma_start3A_92 = arith.constant 0 : i32
        %dma_start3A_93 = tpu.memref_slice %arg3[%add3A_74, %dma_start3A_92] : memref<2560x128xi32, #tpu.memory_space<hbm>> -> memref<40x128xi32, #tpu.memory_space<hbm>>
        %dma_start3A_94 = arith.constant 0 : i32
        %dma_start3A_95 = tpu.memref_slice %arg3[%add3A_74, %dma_start3A_94] : memref<2560x128xi32, #tpu.memory_space<hbm>> -> memref<40x128xi32, #tpu.memory_space<hbm>>
        tpu.enqueue_dma source(%dma_start3A_95 : memref<40x128xi32, #tpu.memory_space<hbm>>) target(%arg6 : memref<40x128xi32, #tpu.memory_space<vmem>>) target_semaphore(%run_scoped3A : memref<!tpu.dma_semaphore, #tpu.memory_space<semaphore_mem>>)
        %dma_wait3A = arith.constant 0 : i32
        %dma_wait3A_96 = tpu.memref_slice %arg3[%add3A_74, %dma_wait3A] : memref<2560x128xi32, #tpu.memory_space<hbm>> -> memref<40x128xi32, #tpu.memory_space<hbm>>
        %dma_wait3A_97 = arith.constant 0 : i32
        %dma_wait3A_98 = tpu.memref_slice %arg3[%add3A_74, %dma_wait3A_97] : memref<2560x128xi32, #tpu.memory_space<hbm>> -> memref<40x128xi32, #tpu.memory_space<hbm>>
        tpu.wait_dma2 semaphore(%run_scoped3A : memref<!tpu.dma_semaphore, #tpu.memory_space<semaphore_mem>>) src(%dma_wait3A_98 : memref<40x128xi32, #tpu.memory_space<hbm>>) dst(%arg6 : memref<40x128xi32, #tpu.memory_space<vmem>>)
        tpu.yield
      }) : () -> ()
      %mul3A_75 = arith.constant 40 : i32
      %mul3A_76 = arith.muli %while3A_70, %mul3A_75 : i32
      %add3A_77 = arith.addi %select_n3A_35, %mul3A_76 : i32
      "tpu.region"() ({
        %run_scoped3A = tpu.sem_alloc : memref<!tpu.dma_semaphore, #tpu.memory_space<semaphore_mem>>
        %dma_start3A_92 = arith.constant 0 : i32
        %dma_start3A_93 = tpu.memref_slice %arg4[%add3A_77, %dma_start3A_92] : memref<2560x128xi32, #tpu.memory_space<hbm>> -> memref<40x128xi32, #tpu.memory_space<hbm>>
        %dma_start3A_94 = arith.constant 0 : i32
        %dma_start3A_95 = tpu.memref_slice %arg4[%add3A_77, %dma_start3A_94] : memref<2560x128xi32, #tpu.memory_space<hbm>> -> memref<40x128xi32, #tpu.memory_space<hbm>>
        tpu.enqueue_dma source(%dma_start3A_95 : memref<40x128xi32, #tpu.memory_space<hbm>>) target(%arg7 : memref<40x128xi32, #tpu.memory_space<vmem>>) target_semaphore(%run_scoped3A : memref<!tpu.dma_semaphore, #tpu.memory_space<semaphore_mem>>)
        %dma_wait3A = arith.constant 0 : i32
        %dma_wait3A_96 = tpu.memref_slice %arg4[%add3A_77, %dma_wait3A] : memref<2560x128xi32, #tpu.memory_space<hbm>> -> memref<40x128xi32, #tpu.memory_space<hbm>>
        %dma_wait3A_97 = arith.constant 0 : i32
        %dma_wait3A_98 = tpu.memref_slice %arg4[%add3A_77, %dma_wait3A_97] : memref<2560x128xi32, #tpu.memory_space<hbm>> -> memref<40x128xi32, #tpu.memory_space<hbm>>
        tpu.wait_dma2 semaphore(%run_scoped3A : memref<!tpu.dma_semaphore, #tpu.memory_space<semaphore_mem>>) src(%dma_wait3A_98 : memref<40x128xi32, #tpu.memory_space<hbm>>) dst(%arg7 : memref<40x128xi32, #tpu.memory_space<vmem>>)
        tpu.yield
      }) : () -> ()
      %dma_start3A = arith.constant 0 : i32
      %dma_start3A_78 = arith.constant 0 : i32
      %dma_start3A_79 = tpu.memref_slice %arg6[%dma_start3A, %dma_start3A_78] : memref<40x128xi32, #tpu.memory_space<vmem>> -> memref<1x128xi32, #tpu.memory_space<vmem>>
      %dma_start3A_80 = tpu.memref_squeeze %dma_start3A_79 : memref<1x128xi32, #tpu.memory_space<vmem>> -> memref<128xi32, #tpu.memory_space<vmem>>
      %dma_start3A_81 = arith.constant 0 : i32
      %dma_start3A_82 = arith.constant 0 : i32
      %dma_start3A_83 = tpu.memref_slice %arg2[%dma_start3A_81, %dma_start3A_82] : memref<10000x128xf32, #tpu.memory_space<hbm>> -> memref<10000x128xf32, #tpu.memory_space<hbm>>
      tpu.enqueue_indirect_dma source(%dma_start3A_83 : memref<10000x128xf32, #tpu.memory_space<hbm>>) target(%arg8 : memref<128x128xf32, #tpu.memory_space<vmem>>) offsets(%dma_start3A_80 : memref<128xi32, #tpu.memory_space<vmem>>) semaphore(%arg11 : memref<!tpu.dma_semaphore, #tpu.memory_space<semaphore_mem>>)
      %scan3A_84 = arith.constant 0 : i32
      %scan3A_85 = arith.constant 0 : i32
      %scan3A_86 = arith.constant 20 : i32
      %scan3A_87 = arith.addi %scan3A_85, %scan3A_86 : i32
      %scan3A_88 = arith.constant 1 : i32
      %scan3A_89 = scf.for %scan3A_92 = %scan3A_85 to %scan3A_87 step %scan3A_88 iter_args(%scan3A_93 = %scan3A_84) -> (i32)  : i32 {
        %mul3A_94 = arith.constant 2 : i32
        %mul3A_95 = arith.muli %scan3A_92, %mul3A_94 : i32
        %add3A_96 = arith.constant 1 : i32
        %add3A_97 = arith.addi %mul3A_95, %add3A_96 : i32
        %dma_start3A_98 = arith.constant 0 : i32
        %dma_start3A_99 = tpu.memref_slice %arg6[%add3A_97, %dma_start3A_98] : memref<40x128xi32, #tpu.memory_space<vmem>> -> memref<1x128xi32, #tpu.memory_space<vmem>>
        %dma_start3A_100 = tpu.memref_squeeze %dma_start3A_99 : memref<1x128xi32, #tpu.memory_space<vmem>> -> memref<128xi32, #tpu.memory_space<vmem>>
        %dma_start3A_101 = arith.constant 0 : i32
        %dma_start3A_102 = arith.constant 0 : i32
        %dma_start3A_103 = tpu.memref_slice %arg2[%dma_start3A_101, %dma_start3A_102] : memref<10000x128xf32, #tpu.memory_space<hbm>> -> memref<10000x128xf32, #tpu.memory_space<hbm>>
        tpu.enqueue_indirect_dma source(%dma_start3A_103 : memref<10000x128xf32, #tpu.memory_space<hbm>>) target(%arg9 : memref<128x128xf32, #tpu.memory_space<vmem>>) offsets(%dma_start3A_100 : memref<128xi32, #tpu.memory_space<vmem>>) semaphore(%arg12 : memref<!tpu.dma_semaphore, #tpu.memory_space<semaphore_mem>>)
        %dma_wait3A = arith.constant 0 : i32
        %dma_wait3A_104 = tpu.memref_slice %arg6[%mul3A_95, %dma_wait3A] : memref<40x128xi32, #tpu.memory_space<vmem>> -> memref<1x128xi32, #tpu.memory_space<vmem>>
        %dma_wait3A_105 = tpu.memref_squeeze %dma_wait3A_104 : memref<1x128xi32, #tpu.memory_space<vmem>> -> memref<128xi32, #tpu.memory_space<vmem>>
        %dma_wait3A_106 = arith.constant 0 : i32
        %dma_wait3A_107 = arith.constant 0 : i32
        %dma_wait3A_108 = tpu.memref_slice %arg2[%dma_wait3A_106, %dma_wait3A_107] : memref<10000x128xf32, #tpu.memory_space<hbm>> -> memref<10000x128xf32, #tpu.memory_space<hbm>>
        tpu.wait_indirect_dma semaphore(%arg11 : memref<!tpu.dma_semaphore, #tpu.memory_space<semaphore_mem>>) src(%dma_wait3A_108 : memref<10000x128xf32, #tpu.memory_space<hbm>>) dst(%arg8 : memref<128x128xf32, #tpu.memory_space<vmem>>)
        "tpu.region"() ({
          %run_scoped3A = tpu.sem_alloc : memref<!tpu.dma_semaphore, #tpu.memory_space<semaphore_mem>>
          %dma_start3A_122 = arith.constant 0 : i32
          %dma_start3A_123 = tpu.memref_slice %arg7[%mul3A_95, %dma_start3A_122] : memref<40x128xi32, #tpu.memory_space<vmem>> -> memref<1x128xi32, #tpu.memory_space<vmem>>
          %dma_start3A_124 = tpu.memref_squeeze %dma_start3A_123 : memref<1x128xi32, #tpu.memory_space<vmem>> -> memref<128xi32, #tpu.memory_space<vmem>>
          %dma_start3A_125 = arith.constant 0 : i32
          %dma_start3A_126 = arith.constant 0 : i32
          %dma_start3A_127 = tpu.memref_slice %arg10[%dma_start3A_125, %dma_start3A_126] : memref<10240x128xf32, #tpu.memory_space<vmem_shared>> -> memref<10240x128xf32, #tpu.memory_space<vmem_shared>>
          tpu.enqueue_indirect_dma source(%arg8 : memref<128x128xf32, #tpu.memory_space<vmem>>) target(%dma_start3A_127 : memref<10240x128xf32, #tpu.memory_space<vmem_shared>>) offsets(%dma_start3A_124 : memref<128xi32, #tpu.memory_space<vmem>>) semaphore(%run_scoped3A : memref<!tpu.dma_semaphore, #tpu.memory_space<semaphore_mem>>) {add = true}
          %dma_wait3A_128 = arith.constant 0 : i32
          %dma_wait3A_129 = tpu.memref_slice %arg7[%mul3A_95, %dma_wait3A_128] : memref<40x128xi32, #tpu.memory_space<vmem>> -> memref<1x128xi32, #tpu.memory_space<vmem>>
          %dma_wait3A_130 = tpu.memref_squeeze %dma_wait3A_129 : memref<1x128xi32, #tpu.memory_space<vmem>> -> memref<128xi32, #tpu.memory_space<vmem>>
          %dma_wait3A_131 = arith.constant 0 : i32
          %dma_wait3A_132 = arith.constant 0 : i32
          %dma_wait3A_133 = tpu.memref_slice %arg10[%dma_wait3A_131, %dma_wait3A_132] : memref<10240x128xf32, #tpu.memory_space<vmem_shared>> -> memref<10240x128xf32, #tpu.memory_space<vmem_shared>>
          tpu.wait_indirect_dma semaphore(%run_scoped3A : memref<!tpu.dma_semaphore, #tpu.memory_space<semaphore_mem>>) src(%arg8 : memref<128x128xf32, #tpu.memory_space<vmem>>) dst(%dma_wait3A_133 : memref<10240x128xf32, #tpu.memory_space<vmem_shared>>)
          tpu.yield
        }) : () -> ()
        %lt3A = arith.constant 19 : i32
        %lt3A_109 = arith.cmpi slt, %scan3A_92, %lt3A : i32
        %convert_element_type3A = arith.extui %lt3A_109 : i1 to i32
        %cond3A = arith.constant 0 : i32
        %cond3A_110 = arith.cmpi ne, %convert_element_type3A, %cond3A : i32
        scf.if %cond3A_110 {
          %add3A_122 = arith.constant 2 : i32
          %add3A_123 = arith.addi %mul3A_95, %add3A_122 : i32
          %dma_start3A_124 = arith.constant 0 : i32
          %dma_start3A_125 = tpu.memref_slice %arg6[%add3A_123, %dma_start3A_124] : memref<40x128xi32, #tpu.memory_space<vmem>> -> memref<1x128xi32, #tpu.memory_space<vmem>>
          %dma_start3A_126 = tpu.memref_squeeze %dma_start3A_125 : memref<1x128xi32, #tpu.memory_space<vmem>> -> memref<128xi32, #tpu.memory_space<vmem>>
          %dma_start3A_127 = arith.constant 0 : i32
          %dma_start3A_128 = arith.constant 0 : i32
          %dma_start3A_129 = tpu.memref_slice %arg2[%dma_start3A_127, %dma_start3A_128] : memref<10000x128xf32, #tpu.memory_space<hbm>> -> memref<10000x128xf32, #tpu.memory_space<hbm>>
          tpu.enqueue_indirect_dma source(%dma_start3A_129 : memref<10000x128xf32, #tpu.memory_space<hbm>>) target(%arg8 : memref<128x128xf32, #tpu.memory_space<vmem>>) offsets(%dma_start3A_126 : memref<128xi32, #tpu.memory_space<vmem>>) semaphore(%arg11 : memref<!tpu.dma_semaphore, #tpu.memory_space<semaphore_mem>>)
        } else {
        }
        %add3A_111 = arith.constant 1 : i32
        %add3A_112 = arith.addi %mul3A_95, %add3A_111 : i32
        %dma_wait3A_113 = arith.constant 0 : i32
        %dma_wait3A_114 = tpu.memref_slice %arg6[%add3A_112, %dma_wait3A_113] : memref<40x128xi32, #tpu.memory_space<vmem>> -> memref<1x128xi32, #tpu.memory_space<vmem>>
        %dma_wait3A_115 = tpu.memref_squeeze %dma_wait3A_114 : memref<1x128xi32, #tpu.memory_space<vmem>> -> memref<128xi32, #tpu.memory_space<vmem>>
        %dma_wait3A_116 = arith.constant 0 : i32
        %dma_wait3A_117 = arith.constant 0 : i32
        %dma_wait3A_118 = tpu.memref_slice %arg2[%dma_wait3A_116, %dma_wait3A_117] : memref<10000x128xf32, #tpu.memory_space<hbm>> -> memref<10000x128xf32, #tpu.memory_space<hbm>>
        tpu.wait_indirect_dma semaphore(%arg12 : memref<!tpu.dma_semaphore, #tpu.memory_space<semaphore_mem>>) src(%dma_wait3A_118 : memref<10000x128xf32, #tpu.memory_space<hbm>>) dst(%arg9 : memref<128x128xf32, #tpu.memory_space<vmem>>)
        %add3A_119 = arith.constant 1 : i32
        %add3A_120 = arith.addi %mul3A_95, %add3A_119 : i32
        "tpu.region"() ({
          %run_scoped3A = tpu.sem_alloc : memref<!tpu.dma_semaphore, #tpu.memory_space<semaphore_mem>>
          %dma_start3A_122 = arith.constant 0 : i32
          %dma_start3A_123 = tpu.memref_slice %arg7[%add3A_120, %dma_start3A_122] : memref<40x128xi32, #tpu.memory_space<vmem>> -> memref<1x128xi32, #tpu.memory_space<vmem>>
          %dma_start3A_124 = tpu.memref_squeeze %dma_start3A_123 : memref<1x128xi32, #tpu.memory_space<vmem>> -> memref<128xi32, #tpu.memory_space<vmem>>
          %dma_start3A_125 = arith.constant 0 : i32
          %dma_start3A_126 = arith.constant 0 : i32
          %dma_start3A_127 = tpu.memref_slice %arg10[%dma_start3A_125, %dma_start3A_126] : memref<10240x128xf32, #tpu.memory_space<vmem_shared>> -> memref<10240x128xf32, #tpu.memory_space<vmem_shared>>
          tpu.enqueue_indirect_dma source(%arg9 : memref<128x128xf32, #tpu.memory_space<vmem>>) target(%dma_start3A_127 : memref<10240x128xf32, #tpu.memory_space<vmem_shared>>) offsets(%dma_start3A_124 : memref<128xi32, #tpu.memory_space<vmem>>) semaphore(%run_scoped3A : memref<!tpu.dma_semaphore, #tpu.memory_space<semaphore_mem>>) {add = true}
          %dma_wait3A_128 = arith.constant 0 : i32
          %dma_wait3A_129 = tpu.memref_slice %arg7[%add3A_120, %dma_wait3A_128] : memref<40x128xi32, #tpu.memory_space<vmem>> -> memref<1x128xi32, #tpu.memory_space<vmem>>
          %dma_wait3A_130 = tpu.memref_squeeze %dma_wait3A_129 : memref<1x128xi32, #tpu.memory_space<vmem>> -> memref<128xi32, #tpu.memory_space<vmem>>
          %dma_wait3A_131 = arith.constant 0 : i32
          %dma_wait3A_132 = arith.constant 0 : i32
          %dma_wait3A_133 = tpu.memref_slice %arg10[%dma_wait3A_131, %dma_wait3A_132] : memref<10240x128xf32, #tpu.memory_space<vmem_shared>> -> memref<10240x128xf32, #tpu.memory_space<vmem_shared>>
          tpu.wait_indirect_dma semaphore(%run_scoped3A : memref<!tpu.dma_semaphore, #tpu.memory_space<semaphore_mem>>) src(%arg9 : memref<128x128xf32, #tpu.memory_space<vmem>>) dst(%dma_wait3A_133 : memref<10240x128xf32, #tpu.memory_space<vmem_shared>>)
          tpu.yield
        }) : () -> ()
        %scan3A_121 = arith.constant 0 : i32
        scf.yield %scan3A_121 : i32
      }
      %scan3A_90 = arith.constant 20 : i32
      %while3A_91 = arith.constant 0 : i32
      scf.yield %while3A_91 : i32
    }
    %barrier3A_65 = arith.constant 0 : index
    tpu.barrier barrier_id(%barrier3A_65)
    %mul3A_66 = arith.constant 640 : i32
    %mul3A_67 = arith.muli %arg1, %mul3A_66 : i32
    %mul3A_68 = arith.constant 640 : i32
    %mul3A_69 = arith.muli %arg1, %mul3A_68 : i32
    "tpu.region"() ({
      %run_scoped3A = tpu.sem_alloc : memref<!tpu.dma_semaphore, #tpu.memory_space<semaphore_mem>>
      %dma_start3A = arith.constant 0 : i32
      %dma_start3A_70 = tpu.memref_slice %arg5[%arg0, %mul3A_69, %dma_start3A] : memref<2x10240x128xf32, #tpu.memory_space<hbm>> -> memref<1x640x128xf32, #tpu.memory_space<hbm>>
      %dma_start3A_71 = tpu.memref_squeeze %dma_start3A_70 : memref<1x640x128xf32, #tpu.memory_space<hbm>> -> memref<640x128xf32, #tpu.memory_space<hbm>>
      %dma_start3A_72 = arith.constant 0 : i32
      %dma_start3A_73 = tpu.memref_slice %arg10[%mul3A_67, %dma_start3A_72] : memref<10240x128xf32, #tpu.memory_space<vmem_shared>> -> memref<640x128xf32, #tpu.memory_space<vmem_shared>>
      tpu.enqueue_dma source(%dma_start3A_73 : memref<640x128xf32, #tpu.memory_space<vmem_shared>>) target(%dma_start3A_71 : memref<640x128xf32, #tpu.memory_space<hbm>>) target_semaphore(%run_scoped3A : memref<!tpu.dma_semaphore, #tpu.memory_space<semaphore_mem>>)
      %dma_wait3A = arith.constant 0 : i32
      %dma_wait3A_74 = tpu.memref_slice %arg5[%arg0, %mul3A_69, %dma_wait3A] : memref<2x10240x128xf32, #tpu.memory_space<hbm>> -> memref<1x640x128xf32, #tpu.memory_space<hbm>>
      %dma_wait3A_75 = tpu.memref_squeeze %dma_wait3A_74 : memref<1x640x128xf32, #tpu.memory_space<hbm>> -> memref<640x128xf32, #tpu.memory_space<hbm>>
      %dma_wait3A_76 = arith.constant 0 : i32
      %dma_wait3A_77 = tpu.memref_slice %arg10[%mul3A_67, %dma_wait3A_76] : memref<10240x128xf32, #tpu.memory_space<vmem_shared>> -> memref<640x128xf32, #tpu.memory_space<vmem_shared>>
      tpu.wait_dma2 semaphore(%run_scoped3A : memref<!tpu.dma_semaphore, #tpu.memory_space<semaphore_mem>>) src(%dma_wait3A_77 : memref<640x128xf32, #tpu.memory_space<vmem_shared>>) dst(%dma_wait3A_75 : memref<640x128xf32, #tpu.memory_space<hbm>>)
      tpu.yield
    }) : () -> ()
    return
  }
}

#map = affine_map<(d0, d1) -> (0, 0)>
#map1 = affine_map<(d0, d1) -> (0, 0, 0)>
module attributes {stable_mosaic.version = 14 : i64} {
  func.func @body(%arg0: i32, %arg1: i32, %arg2: memref<2560x128xi32, #tpu.memory_space<hbm>>, %arg3: memref<2x10240x128xf32, #tpu.memory_space<hbm>>, %arg4: memref<80x128xi32, #tpu.memory_space<vmem>>, %arg5: memref<128x128xf32, #tpu.memory_space<vmem>>, %arg6: memref<10240x128xf32, #tpu.memory_space<vmem_shared>>) attributes {dimension_semantics = [#tpu.dimension_semantics<core_parallel>, #tpu.dimension_semantics<subcore_parallel>], iteration_bounds = array<i64: 2, 16>, scalar_prefetch = 0 : i64, scratch_operands = 3 : i64, tpu.core_type = #tpu.core_type<sc_vector_subcore>, window_params = [{transform_indices = #map}, {transform_indices = #map1}]} {
    %mul3A = arith.constant 2 : i32
    %mul3A_0 = arith.muli %arg1, %mul3A : i32
    %add3A = arith.addi %mul3A_0, %arg0 : i32
    %broadcast_in_dim3A = arith.constant 0.000000e+00 : f32
    %broadcast_in_dim3A_1 = vector.broadcast %broadcast_in_dim3A : f32 to vector<16xf32>
    %scan3A = arith.constant 0 : i32
    %scan3A_2 = arith.constant 0 : i32
    %scan3A_3 = arith.constant 1024 : i32
    %scan3A_4 = arith.addi %scan3A_2, %scan3A_3 : i32
    %scan3A_5 = arith.constant 1 : i32
    %scan3A_6 = scf.for %scan3A_51 = %scan3A_2 to %scan3A_4 step %scan3A_5 iter_args(%scan3A_52 = %scan3A) -> (i32)  : i32 {
      %jit3A = arith.constant 8 : i32
      %div3A = arith.divsi %scan3A_51, %jit3A : i32
      %sign3A = arith.constant 0 : i32
      %sign3A_53 = arith.cmpi sgt, %scan3A_51, %sign3A : i32
      %sign3A_54 = arith.extui %sign3A_53 : i1 to i32
      %sign3A_55 = arith.constant 0 : i32
      %sign3A_56 = arith.cmpi slt, %scan3A_51, %sign3A_55 : i32
      %sign3A_57 = arith.extui %sign3A_56 : i1 to i32
      %sign3A_58 = arith.subi %sign3A_54, %sign3A_57 : i32
      %sign3A_59 = arith.constant 0 : i32
      %sign3A_60 = arith.cmpi sgt, %jit3A, %sign3A_59 : i32
      %sign3A_61 = arith.extui %sign3A_60 : i1 to i32
      %sign3A_62 = arith.constant 0 : i32
      %sign3A_63 = arith.cmpi slt, %jit3A, %sign3A_62 : i32
      %sign3A_64 = arith.extui %sign3A_63 : i1 to i32
      %sign3A_65 = arith.subi %sign3A_61, %sign3A_64 : i32
      %ne3A = arith.cmpi ne, %sign3A_58, %sign3A_65 : i32
      %rem3A = arith.remsi %scan3A_51, %jit3A : i32
      %ne3A_66 = arith.constant 0 : i32
      %ne3A_67 = arith.cmpi ne, %rem3A, %ne3A_66 : i32
      %and3A = arith.andi %ne3A, %ne3A_67 : i1
      %sub3A = arith.constant 1 : i32
      %sub3A_68 = arith.subi %div3A, %sub3A : i32
      %select_n3A = arith.select %and3A, %sub3A_68, %div3A : i32
      %jit3A_69 = arith.constant 8 : i32
      %eq3A = arith.constant 0 : i32
      %eq3A_70 = arith.cmpi eq, %jit3A_69, %eq3A : i32
      %jit3A_71 = arith.constant 1 : i32
      %select_n3A_72 = arith.select %eq3A_70, %jit3A_71, %jit3A_69 : i32
      %rem3A_73 = arith.remsi %scan3A_51, %select_n3A_72 : i32
      %ne3A_74 = arith.constant 0 : i32
      %ne3A_75 = arith.cmpi ne, %rem3A_73, %ne3A_74 : i32
      %lt3A = arith.constant 0 : i32
      %lt3A_76 = arith.cmpi slt, %rem3A_73, %lt3A : i32
      %lt3A_77 = arith.constant 0 : i32
      %lt3A_78 = arith.cmpi slt, %select_n3A_72, %lt3A_77 : i32
      %ne3A_79 = arith.xori %lt3A_76, %lt3A_78 : i1
      %and3A_80 = arith.andi %ne3A_79, %ne3A_75 : i1
      %add3A_81 = arith.addi %rem3A_73, %select_n3A_72 : i32
      %select_n3A_82 = arith.select %and3A_80, %add3A_81, %rem3A_73 : i32
      %mul3A_83 = arith.constant 16 : i32
      %mul3A_84 = arith.muli %select_n3A_82, %mul3A_83 : i32
      %swap3A = arith.index_cast %select_n3A : i32 to index
      %swap3A_85 = arith.index_cast %mul3A_84 : i32 to index
      %swap3A_86 = tpu.vector_load %arg5[%swap3A, %swap3A_85] {strides = array<i32>} : memref<128x128xf32, #tpu.memory_space<vmem>>, vector<1x16xf32>,
      %swap3A_87 = vector.shape_cast %swap3A_86 : vector<1x16xf32> to vector<16xf32>
      %swap3A_88 = vector.shape_cast %broadcast_in_dim3A_1 : vector<16xf32> to vector<1x16xf32>
      tpu.vector_store %arg5[%swap3A, %swap3A_85], %swap3A_88 {strides = array<i32>} : memref<128x128xf32, #tpu.memory_space<vmem>>, vector<1x16xf32>,
      %scan3A_89 = arith.constant 0 : i32
      scf.yield %scan3A_89 : i32
    }
    %scan3A_7 = arith.constant 1024 : i32
    %mul3A_8 = arith.constant 640 : i32
    %mul3A_9 = arith.muli %arg1, %mul3A_8 : i32
    %add3A_10 = arith.constant 0 : i32
    %add3A_11 = arith.addi %mul3A_9, %add3A_10 : i32
    "tpu.region"() ({
      %run_scoped3A = tpu.sem_alloc : memref<!tpu.dma_semaphore, #tpu.memory_space<semaphore_mem>>
      %dma_start3A = arith.constant 0 : i32
      %dma_start3A_51 = tpu.memref_slice %arg6[%add3A_11, %dma_start3A] : memref<10240x128xf32, #tpu.memory_space<vmem_shared>> -> memref<128x128xf32, #tpu.memory_space<vmem_shared>>
      %dma_start3A_52 = arith.constant 0 : i32
      %dma_start3A_53 = tpu.memref_slice %arg6[%add3A_11, %dma_start3A_52] : memref<10240x128xf32, #tpu.memory_space<vmem_shared>> -> memref<128x128xf32, #tpu.memory_space<vmem_shared>>
      tpu.enqueue_dma source(%arg5 : memref<128x128xf32, #tpu.memory_space<vmem>>) target(%dma_start3A_53 : memref<128x128xf32, #tpu.memory_space<vmem_shared>>) target_semaphore(%run_scoped3A : memref<!tpu.dma_semaphore, #tpu.memory_space<semaphore_mem>>)
      %dma_wait3A = arith.constant 0 : i32
      %dma_wait3A_54 = tpu.memref_slice %arg6[%add3A_11, %dma_wait3A] : memref<10240x128xf32, #tpu.memory_space<vmem_shared>> -> memref<128x128xf32, #tpu.memory_space<vmem_shared>>
      %dma_wait3A_55 = arith.constant 0 : i32
      %dma_wait3A_56 = tpu.memref_slice %arg6[%add3A_11, %dma_wait3A_55] : memref<10240x128xf32, #tpu.memory_space<vmem_shared>> -> memref<128x128xf32, #tpu.memory_space<vmem_shared>>
      tpu.wait_dma2 semaphore(%run_scoped3A : memref<!tpu.dma_semaphore, #tpu.memory_space<semaphore_mem>>) src(%arg5 : memref<128x128xf32, #tpu.memory_space<vmem>>) dst(%dma_wait3A_56 : memref<128x128xf32, #tpu.memory_space<vmem_shared>>)
      tpu.yield
    }) : () -> ()
    %mul3A_12 = arith.constant 640 : i32
    %mul3A_13 = arith.muli %arg1, %mul3A_12 : i32
    %add3A_14 = arith.constant 128 : i32
    %add3A_15 = arith.addi %mul3A_13, %add3A_14 : i32
    "tpu.region"() ({
      %run_scoped3A = tpu.sem_alloc : memref<!tpu.dma_semaphore, #tpu.memory_space<semaphore_mem>>
      %dma_start3A = arith.constant 0 : i32
      %dma_start3A_51 = tpu.memref_slice %arg6[%add3A_15, %dma_start3A] : memref<10240x128xf32, #tpu.memory_space<vmem_shared>> -> memref<128x128xf32, #tpu.memory_space<vmem_shared>>
      %dma_start3A_52 = arith.constant 0 : i32
      %dma_start3A_53 = tpu.memref_slice %arg6[%add3A_15, %dma_start3A_52] : memref<10240x128xf32, #tpu.memory_space<vmem_shared>> -> memref<128x128xf32, #tpu.memory_space<vmem_shared>>
      tpu.enqueue_dma source(%arg5 : memref<128x128xf32, #tpu.memory_space<vmem>>) target(%dma_start3A_53 : memref<128x128xf32, #tpu.memory_space<vmem_shared>>) target_semaphore(%run_scoped3A : memref<!tpu.dma_semaphore, #tpu.memory_space<semaphore_mem>>)
      %dma_wait3A = arith.constant 0 : i32
      %dma_wait3A_54 = tpu.memref_slice %arg6[%add3A_15, %dma_wait3A] : memref<10240x128xf32, #tpu.memory_space<vmem_shared>> -> memref<128x128xf32, #tpu.memory_space<vmem_shared>>
      %dma_wait3A_55 = arith.constant 0 : i32
      %dma_wait3A_56 = tpu.memref_slice %arg6[%add3A_15, %dma_wait3A_55] : memref<10240x128xf32, #tpu.memory_space<vmem_shared>> -> memref<128x128xf32, #tpu.memory_space<vmem_shared>>
      tpu.wait_dma2 semaphore(%run_scoped3A : memref<!tpu.dma_semaphore, #tpu.memory_space<semaphore_mem>>) src(%arg5 : memref<128x128xf32, #tpu.memory_space<vmem>>) dst(%dma_wait3A_56 : memref<128x128xf32, #tpu.memory_space<vmem_shared>>)
      tpu.yield
    }) : () -> ()
    %mul3A_16 = arith.constant 640 : i32
    %mul3A_17 = arith.muli %arg1, %mul3A_16 : i32
    %add3A_18 = arith.constant 256 : i32
    %add3A_19 = arith.addi %mul3A_17, %add3A_18 : i32
    "tpu.region"() ({
      %run_scoped3A = tpu.sem_alloc : memref<!tpu.dma_semaphore, #tpu.memory_space<semaphore_mem>>
      %dma_start3A = arith.constant 0 : i32
      %dma_start3A_51 = tpu.memref_slice %arg6[%add3A_19, %dma_start3A] : memref<10240x128xf32, #tpu.memory_space<vmem_shared>> -> memref<128x128xf32, #tpu.memory_space<vmem_shared>>
      %dma_start3A_52 = arith.constant 0 : i32
      %dma_start3A_53 = tpu.memref_slice %arg6[%add3A_19, %dma_start3A_52] : memref<10240x128xf32, #tpu.memory_space<vmem_shared>> -> memref<128x128xf32, #tpu.memory_space<vmem_shared>>
      tpu.enqueue_dma source(%arg5 : memref<128x128xf32, #tpu.memory_space<vmem>>) target(%dma_start3A_53 : memref<128x128xf32, #tpu.memory_space<vmem_shared>>) target_semaphore(%run_scoped3A : memref<!tpu.dma_semaphore, #tpu.memory_space<semaphore_mem>>)
      %dma_wait3A = arith.constant 0 : i32
      %dma_wait3A_54 = tpu.memref_slice %arg6[%add3A_19, %dma_wait3A] : memref<10240x128xf32, #tpu.memory_space<vmem_shared>> -> memref<128x128xf32, #tpu.memory_space<vmem_shared>>
      %dma_wait3A_55 = arith.constant 0 : i32
      %dma_wait3A_56 = tpu.memref_slice %arg6[%add3A_19, %dma_wait3A_55] : memref<10240x128xf32, #tpu.memory_space<vmem_shared>> -> memref<128x128xf32, #tpu.memory_space<vmem_shared>>
      tpu.wait_dma2 semaphore(%run_scoped3A : memref<!tpu.dma_semaphore, #tpu.memory_space<semaphore_mem>>) src(%arg5 : memref<128x128xf32, #tpu.memory_space<vmem>>) dst(%dma_wait3A_56 : memref<128x128xf32, #tpu.memory_space<vmem_shared>>)
      tpu.yield
    }) : () -> ()
    %mul3A_20 = arith.constant 640 : i32
    %mul3A_21 = arith.muli %arg1, %mul3A_20 : i32
    %add3A_22 = arith.constant 384 : i32
    %add3A_23 = arith.addi %mul3A_21, %add3A_22 : i32
    "tpu.region"() ({
      %run_scoped3A = tpu.sem_alloc : memref<!tpu.dma_semaphore, #tpu.memory_space<semaphore_mem>>
      %dma_start3A = arith.constant 0 : i32
      %dma_start3A_51 = tpu.memref_slice %arg6[%add3A_23, %dma_start3A] : memref<10240x128xf32, #tpu.memory_space<vmem_shared>> -> memref<128x128xf32, #tpu.memory_space<vmem_shared>>
      %dma_start3A_52 = arith.constant 0 : i32
      %dma_start3A_53 = tpu.memref_slice %arg6[%add3A_23, %dma_start3A_52] : memref<10240x128xf32, #tpu.memory_space<vmem_shared>> -> memref<128x128xf32, #tpu.memory_space<vmem_shared>>
      tpu.enqueue_dma source(%arg5 : memref<128x128xf32, #tpu.memory_space<vmem>>) target(%dma_start3A_53 : memref<128x128xf32, #tpu.memory_space<vmem_shared>>) target_semaphore(%run_scoped3A : memref<!tpu.dma_semaphore, #tpu.memory_space<semaphore_mem>>)
      %dma_wait3A = arith.constant 0 : i32
      %dma_wait3A_54 = tpu.memref_slice %arg6[%add3A_23, %dma_wait3A] : memref<10240x128xf32, #tpu.memory_space<vmem_shared>> -> memref<128x128xf32, #tpu.memory_space<vmem_shared>>
      %dma_wait3A_55 = arith.constant 0 : i32
      %dma_wait3A_56 = tpu.memref_slice %arg6[%add3A_23, %dma_wait3A_55] : memref<10240x128xf32, #tpu.memory_space<vmem_shared>> -> memref<128x128xf32, #tpu.memory_space<vmem_shared>>
      tpu.wait_dma2 semaphore(%run_scoped3A : memref<!tpu.dma_semaphore, #tpu.memory_space<semaphore_mem>>) src(%arg5 : memref<128x128xf32, #tpu.memory_space<vmem>>) dst(%dma_wait3A_56 : memref<128x128xf32, #tpu.memory_space<vmem_shared>>)
      tpu.yield
    }) : () -> ()
    %mul3A_24 = arith.constant 640 : i32
    %mul3A_25 = arith.muli %arg1, %mul3A_24 : i32
    %add3A_26 = arith.constant 512 : i32
    %add3A_27 = arith.addi %mul3A_25, %add3A_26 : i32
    "tpu.region"() ({
      %run_scoped3A = tpu.sem_alloc : memref<!tpu.dma_semaphore, #tpu.memory_space<semaphore_mem>>
      %dma_start3A = arith.constant 0 : i32
      %dma_start3A_51 = tpu.memref_slice %arg6[%add3A_27, %dma_start3A] : memref<10240x128xf32, #tpu.memory_space<vmem_shared>> -> memref<128x128xf32, #tpu.memory_space<vmem_shared>>
      %dma_start3A_52 = arith.constant 0 : i32
      %dma_start3A_53 = tpu.memref_slice %arg6[%add3A_27, %dma_start3A_52] : memref<10240x128xf32, #tpu.memory_space<vmem_shared>> -> memref<128x128xf32, #tpu.memory_space<vmem_shared>>
      tpu.enqueue_dma source(%arg5 : memref<128x128xf32, #tpu.memory_space<vmem>>) target(%dma_start3A_53 : memref<128x128xf32, #tpu.memory_space<vmem_shared>>) target_semaphore(%run_scoped3A : memref<!tpu.dma_semaphore, #tpu.memory_space<semaphore_mem>>)
      %dma_wait3A = arith.constant 0 : i32
      %dma_wait3A_54 = tpu.memref_slice %arg6[%add3A_27, %dma_wait3A] : memref<10240x128xf32, #tpu.memory_space<vmem_shared>> -> memref<128x128xf32, #tpu.memory_space<vmem_shared>>
      %dma_wait3A_55 = arith.constant 0 : i32
      %dma_wait3A_56 = tpu.memref_slice %arg6[%add3A_27, %dma_wait3A_55] : memref<10240x128xf32, #tpu.memory_space<vmem_shared>> -> memref<128x128xf32, #tpu.memory_space<vmem_shared>>
      tpu.wait_dma2 semaphore(%run_scoped3A : memref<!tpu.dma_semaphore, #tpu.memory_space<semaphore_mem>>) src(%arg5 : memref<128x128xf32, #tpu.memory_space<vmem>>) dst(%dma_wait3A_56 : memref<128x128xf32, #tpu.memory_space<vmem_shared>>)
      tpu.yield
    }) : () -> ()
    %broadcast_in_dim3A_28 = arith.constant 1.000000e+00 : f32
    %broadcast_in_dim3A_29 = vector.broadcast %broadcast_in_dim3A_28 : f32 to vector<16xf32>
    %scan3A_30 = arith.constant 0 : i32
    %scan3A_31 = arith.constant 0 : i32
    %scan3A_32 = arith.constant 1024 : i32
    %scan3A_33 = arith.addi %scan3A_31, %scan3A_32 : i32
    %scan3A_34 = arith.constant 1 : i32
    %scan3A_35 = scf.for %scan3A_51 = %scan3A_31 to %scan3A_33 step %scan3A_34 iter_args(%scan3A_52 = %scan3A_30) -> (i32)  : i32 {
      %jit3A = arith.constant 8 : i32
      %div3A = arith.divsi %scan3A_51, %jit3A : i32
      %sign3A = arith.constant 0 : i32
      %sign3A_53 = arith.cmpi sgt, %scan3A_51, %sign3A : i32
      %sign3A_54 = arith.extui %sign3A_53 : i1 to i32
      %sign3A_55 = arith.constant 0 : i32
      %sign3A_56 = arith.cmpi slt, %scan3A_51, %sign3A_55 : i32
      %sign3A_57 = arith.extui %sign3A_56 : i1 to i32
      %sign3A_58 = arith.subi %sign3A_54, %sign3A_57 : i32
      %sign3A_59 = arith.constant 0 : i32
      %sign3A_60 = arith.cmpi sgt, %jit3A, %sign3A_59 : i32
      %sign3A_61 = arith.extui %sign3A_60 : i1 to i32
      %sign3A_62 = arith.constant 0 : i32
      %sign3A_63 = arith.cmpi slt, %jit3A, %sign3A_62 : i32
      %sign3A_64 = arith.extui %sign3A_63 : i1 to i32
      %sign3A_65 = arith.subi %sign3A_61, %sign3A_64 : i32
      %ne3A = arith.cmpi ne, %sign3A_58, %sign3A_65 : i32
      %rem3A = arith.remsi %scan3A_51, %jit3A : i32
      %ne3A_66 = arith.constant 0 : i32
      %ne3A_67 = arith.cmpi ne, %rem3A, %ne3A_66 : i32
      %and3A = arith.andi %ne3A, %ne3A_67 : i1
      %sub3A = arith.constant 1 : i32
      %sub3A_68 = arith.subi %div3A, %sub3A : i32
      %select_n3A = arith.select %and3A, %sub3A_68, %div3A : i32
      %jit3A_69 = arith.constant 8 : i32
      %eq3A = arith.constant 0 : i32
      %eq3A_70 = arith.cmpi eq, %jit3A_69, %eq3A : i32
      %jit3A_71 = arith.constant 1 : i32
      %select_n3A_72 = arith.select %eq3A_70, %jit3A_71, %jit3A_69 : i32
      %rem3A_73 = arith.remsi %scan3A_51, %select_n3A_72 : i32
      %ne3A_74 = arith.constant 0 : i32
      %ne3A_75 = arith.cmpi ne, %rem3A_73, %ne3A_74 : i32
      %lt3A = arith.constant 0 : i32
      %lt3A_76 = arith.cmpi slt, %rem3A_73, %lt3A : i32
      %lt3A_77 = arith.constant 0 : i32
      %lt3A_78 = arith.cmpi slt, %select_n3A_72, %lt3A_77 : i32
      %ne3A_79 = arith.xori %lt3A_76, %lt3A_78 : i1
      %and3A_80 = arith.andi %ne3A_79, %ne3A_75 : i1
      %add3A_81 = arith.addi %rem3A_73, %select_n3A_72 : i32
      %select_n3A_82 = arith.select %and3A_80, %add3A_81, %rem3A_73 : i32
      %mul3A_83 = arith.constant 16 : i32
      %mul3A_84 = arith.muli %select_n3A_82, %mul3A_83 : i32
      %swap3A = arith.index_cast %select_n3A : i32 to index
      %swap3A_85 = arith.index_cast %mul3A_84 : i32 to index
      %swap3A_86 = tpu.vector_load %arg5[%swap3A, %swap3A_85] {strides = array<i32>} : memref<128x128xf32, #tpu.memory_space<vmem>>, vector<1x16xf32>,
      %swap3A_87 = vector.shape_cast %swap3A_86 : vector<1x16xf32> to vector<16xf32>
      %swap3A_88 = vector.shape_cast %broadcast_in_dim3A_29 : vector<16xf32> to vector<1x16xf32>
      tpu.vector_store %arg5[%swap3A, %swap3A_85], %swap3A_88 {strides = array<i32>} : memref<128x128xf32, #tpu.memory_space<vmem>>, vector<1x16xf32>,
      %scan3A_89 = arith.constant 0 : i32
      scf.yield %scan3A_89 : i32
    }
    %scan3A_36 = arith.constant 1024 : i32
    %barrier3A = arith.constant 0 : index
    tpu.barrier barrier_id(%barrier3A)
    %mul3A_37 = arith.constant 80 : i32
    %mul3A_38 = arith.muli %add3A, %mul3A_37 : i32
    "tpu.region"() ({
      %run_scoped3A = tpu.sem_alloc : memref<!tpu.dma_semaphore, #tpu.memory_space<semaphore_mem>>
      %dma_start3A = arith.constant 0 : i32
      %dma_start3A_51 = tpu.memref_slice %arg2[%mul3A_38, %dma_start3A] : memref<2560x128xi32, #tpu.memory_space<hbm>> -> memref<80x128xi32, #tpu.memory_space<hbm>>
      %dma_start3A_52 = arith.constant 0 : i32
      %dma_start3A_53 = tpu.memref_slice %arg2[%mul3A_38, %dma_start3A_52] : memref<2560x128xi32, #tpu.memory_space<hbm>> -> memref<80x128xi32, #tpu.memory_space<hbm>>
      tpu.enqueue_dma source(%dma_start3A_53 : memref<80x128xi32, #tpu.memory_space<hbm>>) target(%arg4 : memref<80x128xi32, #tpu.memory_space<vmem>>) target_semaphore(%run_scoped3A : memref<!tpu.dma_semaphore, #tpu.memory_space<semaphore_mem>>)
      %dma_wait3A = arith.constant 0 : i32
      %dma_wait3A_54 = tpu.memref_slice %arg2[%mul3A_38, %dma_wait3A] : memref<2560x128xi32, #tpu.memory_space<hbm>> -> memref<80x128xi32, #tpu.memory_space<hbm>>
      %dma_wait3A_55 = arith.constant 0 : i32
      %dma_wait3A_56 = tpu.memref_slice %arg2[%mul3A_38, %dma_wait3A_55] : memref<2560x128xi32, #tpu.memory_space<hbm>> -> memref<80x128xi32, #tpu.memory_space<hbm>>
      tpu.wait_dma2 semaphore(%run_scoped3A : memref<!tpu.dma_semaphore, #tpu.memory_space<semaphore_mem>>) src(%dma_wait3A_56 : memref<80x128xi32, #tpu.memory_space<hbm>>) dst(%arg4 : memref<80x128xi32, #tpu.memory_space<vmem>>)
      tpu.yield
    }) : () -> ()
    %scan3A_39 = arith.constant 0 : i32
    %scan3A_40 = arith.constant 0 : i32
    %scan3A_41 = arith.constant 80 : i32
    %scan3A_42 = arith.addi %scan3A_40, %scan3A_41 : i32
    %scan3A_43 = arith.constant 1 : i32
    %scan3A_44 = scf.for %scan3A_51 = %scan3A_40 to %scan3A_42 step %scan3A_43 iter_args(%scan3A_52 = %scan3A_39) -> (i32)  : i32 {
      "tpu.region"() ({
        %run_scoped3A = tpu.sem_alloc : memref<!tpu.dma_semaphore, #tpu.memory_space<semaphore_mem>>
        %dma_start3A = arith.constant 0 : i32
        %dma_start3A_54 = tpu.memref_slice %arg4[%scan3A_51, %dma_start3A] : memref<80x128xi32, #tpu.memory_space<vmem>> -> memref<1x128xi32, #tpu.memory_space<vmem>>
        %dma_start3A_55 = tpu.memref_squeeze %dma_start3A_54 : memref<1x128xi32, #tpu.memory_space<vmem>> -> memref<128xi32, #tpu.memory_space<vmem>>
        %dma_start3A_56 = arith.constant 0 : i32
        %dma_start3A_57 = arith.constant 0 : i32
        %dma_start3A_58 = tpu.memref_slice %arg6[%dma_start3A_56, %dma_start3A_57] : memref<10240x128xf32, #tpu.memory_space<vmem_shared>> -> memref<10240x128xf32, #tpu.memory_space<vmem_shared>>
        tpu.enqueue_indirect_dma source(%arg5 : memref<128x128xf32, #tpu.memory_space<vmem>>) target(%dma_start3A_58 : memref<10240x128xf32, #tpu.memory_space<vmem_shared>>) offsets(%dma_start3A_55 : memref<128xi32, #tpu.memory_space<vmem>>) semaphore(%run_scoped3A : memref<!tpu.dma_semaphore, #tpu.memory_space<semaphore_mem>>) {add = true}
        %dma_wait3A = arith.constant 0 : i32
        %dma_wait3A_59 = tpu.memref_slice %arg4[%scan3A_51, %dma_wait3A] : memref<80x128xi32, #tpu.memory_space<vmem>> -> memref<1x128xi32, #tpu.memory_space<vmem>>
        %dma_wait3A_60 = tpu.memref_squeeze %dma_wait3A_59 : memref<1x128xi32, #tpu.memory_space<vmem>> -> memref<128xi32, #tpu.memory_space<vmem>>
        %dma_wait3A_61 = arith.constant 0 : i32
        %dma_wait3A_62 = arith.constant 0 : i32
        %dma_wait3A_63 = tpu.memref_slice %arg6[%dma_wait3A_61, %dma_wait3A_62] : memref<10240x128xf32, #tpu.memory_space<vmem_shared>> -> memref<10240x128xf32, #tpu.memory_space<vmem_shared>>
        tpu.wait_indirect_dma semaphore(%run_scoped3A : memref<!tpu.dma_semaphore, #tpu.memory_space<semaphore_mem>>) src(%arg5 : memref<128x128xf32, #tpu.memory_space<vmem>>) dst(%dma_wait3A_63 : memref<10240x128xf32, #tpu.memory_space<vmem_shared>>)
        tpu.yield
      }) : () -> ()
      %scan3A_53 = arith.constant 0 : i32
      scf.yield %scan3A_53 : i32
    }
    %scan3A_45 = arith.constant 80 : i32
    %barrier3A_46 = arith.constant 0 : index
    tpu.barrier barrier_id(%barrier3A_46)
    %mul3A_47 = arith.constant 640 : i32
    %mul3A_48 = arith.muli %arg1, %mul3A_47 : i32
    %mul3A_49 = arith.constant 640 : i32
    %mul3A_50 = arith.muli %arg1, %mul3A_49 : i32
    "tpu.region"() ({
      %run_scoped3A = tpu.sem_alloc : memref<!tpu.dma_semaphore, #tpu.memory_space<semaphore_mem>>
      %dma_start3A = arith.constant 0 : i32
      %dma_start3A_51 = tpu.memref_slice %arg3[%arg0, %mul3A_50, %dma_start3A] : memref<2x10240x128xf32, #tpu.memory_space<hbm>> -> memref<1x640x128xf32, #tpu.memory_space<hbm>>
      %dma_start3A_52 = tpu.memref_squeeze %dma_start3A_51 : memref<1x640x128xf32, #tpu.memory_space<hbm>> -> memref<640x128xf32, #tpu.memory_space<hbm>>
      %dma_start3A_53 = arith.constant 0 : i32
      %dma_start3A_54 = tpu.memref_slice %arg6[%mul3A_48, %dma_start3A_53] : memref<10240x128xf32, #tpu.memory_space<vmem_shared>> -> memref<640x128xf32, #tpu.memory_space<vmem_shared>>
      tpu.enqueue_dma source(%dma_start3A_54 : memref<640x128xf32, #tpu.memory_space<vmem_shared>>) target(%dma_start3A_52 : memref<640x128xf32, #tpu.memory_space<hbm>>) target_semaphore(%run_scoped3A : memref<!tpu.dma_semaphore, #tpu.memory_space<semaphore_mem>>)
      %dma_wait3A = arith.constant 0 : i32
      %dma_wait3A_55 = tpu.memref_slice %arg3[%arg0, %mul3A_50, %dma_wait3A] : memref<2x10240x128xf32, #tpu.memory_space<hbm>> -> memref<1x640x128xf32, #tpu.memory_space<hbm>>
      %dma_wait3A_56 = tpu.memref_squeeze %dma_wait3A_55 : memref<1x640x128xf32, #tpu.memory_space<hbm>> -> memref<640x128xf32, #tpu.memory_space<hbm>>
      %dma_wait3A_57 = arith.constant 0 : i32
      %dma_wait3A_58 = tpu.memref_slice %arg6[%mul3A_48, %dma_wait3A_57] : memref<10240x128xf32, #tpu.memory_space<vmem_shared>> -> memref<640x128xf32, #tpu.memory_space<vmem_shared>>
      tpu.wait_dma2 semaphore(%run_scoped3A : memref<!tpu.dma_semaphore, #tpu.memory_space<semaphore_mem>>) src(%dma_wait3A_58 : memref<640x128xf32, #tpu.memory_space<vmem_shared>>) dst(%dma_wait3A_56 : memref<640x128xf32, #tpu.memory_space<hbm>>)
      tpu.yield
    }) : () -> ()
    return
  }
}

module attributes {stable_mosaic.version = 14 : i64} {
  func.func @_tc_body(%arg0: i32, %arg1: memref<1000x128xf32, #tpu.memory_space<vmem>>, %arg2: memref<1000x128xf32, #tpu.memory_space<vmem>>, %arg3: memref<1000x128xf32, #tpu.memory_space<vmem>>, %arg4: memref<1000x8xf32, #tpu.memory_space<vmem>>, %arg5: memref<1000x8xf32, #tpu.memory_space<vmem>>, %arg6: memref<128x128xf32, #tpu.memory_space<vmem>>, %arg7: memref<128x128xf32, #tpu.memory_space<vmem>>, %arg8: memref<1x128xf32, #tpu.memory_space<vmem>>, %arg9: memref<1000x128xf32, #tpu.memory_space<vmem>>) attributes {dimension_semantics = [#tpu.dimension_semantics<arbitrary>], iteration_bounds = array<i64: 10>, scalar_prefetch = 0 : i64, scratch_operands = 0 : i64, tpu.core_type = #tpu.core_type<tc>, window_params = [{transform_indices = @transform_0, window_bounds = array<i64: 1000, 128>}, {transform_indices = @transform_1, window_bounds = array<i64: 1000, 128>}, {transform_indices = @transform_2, window_bounds = array<i64: 1000, 128>}, {transform_indices = @transform_3, window_bounds = array<i64: 1000, 8>}, {transform_indices = @transform_4, window_bounds = array<i64: 1000, 8>}, {pipeline_mode = #tpu.pipeline_mode<synchronous>, transform_indices = @transform_5, window_bounds = array<i64: 128, 128>}, {pipeline_mode = #tpu.pipeline_mode<synchronous>, transform_indices = @transform_6, window_bounds = array<i64: 128, 128>}, {pipeline_mode = #tpu.pipeline_mode<synchronous>, transform_indices = @transform_7, window_bounds = array<i64: 1, 128>}, {transform_indices = @transform_8, window_bounds = array<i64: 1000, 128>}]} {
    %get3A = arith.constant 0 : index
    %get3A_0 = arith.constant 0 : index
    %get3A_1 = vector.load %arg4[%get3A, %get3A_0] : memref<1000x8xf32, #tpu.memory_space<vmem>>, vector<1000x1xf32>
    %get3A_2 = arith.constant 0 : index
    %get3A_3 = arith.constant 0 : index
    %get3A_4 = vector.load %arg5[%get3A_2, %get3A_3] : memref<1000x8xf32, #tpu.memory_space<vmem>>, vector<1000x1xf32>
    %add3A = arith.addf %get3A_1, %get3A_4 : vector<1000x1xf32>
    %get3A_5 = arith.constant 0 : index
    %get3A_6 = arith.constant 0 : index
    %get3A_7 = vector.load %arg1[%get3A_5, %get3A_6] : memref<1000x128xf32, #tpu.memory_space<vmem>>, vector<1000x128xf32>
    %get3A_8 = arith.constant 0 : index
    %get3A_9 = arith.constant 0 : index
    %get3A_10 = vector.load %arg6[%get3A_8, %get3A_9] : memref<128x128xf32, #tpu.memory_space<vmem>>, vector<128x128xf32>
    %dot_general3A = arith.constant dense<0.000000e+00> : vector<1000x128xf32>
    %dot_general3A_11 = tpu.matmul %get3A_7, %get3A_10, %dot_general3A {dimension_numbers = #tpu.dot_dimension_numbers<[1], [0], [0], [1], [0, 0, 1, 1], [], []>, transpose_lhs_hint = false} : vector<1000x128xf32>, vector<128x128xf32>, vector<1000x128xf32> -> vector<1000x128xf32>
    %get3A_12 = arith.constant 0 : index
    %get3A_13 = arith.constant 0 : index
    %get3A_14 = vector.load %arg8[%get3A_12, %get3A_13] : memref<1x128xf32, #tpu.memory_space<vmem>>, vector<1x128xf32>
    %add3A_15 = vector.broadcast %get3A_14 : vector<1x128xf32> to vector<1000x128xf32>
    %add3A_16 = arith.addf %dot_general3A_11, %add3A_15 : vector<1000x128xf32>
    %mul3A = vector.broadcast %add3A : vector<1000x1xf32> to vector<1000x128xf32>
    %mul3A_17 = arith.mulf %mul3A, %add3A_16 : vector<1000x128xf32>
    %get3A_18 = arith.constant 0 : index
    %get3A_19 = arith.constant 0 : index
    %get3A_20 = vector.load %arg2[%get3A_18, %get3A_19] : memref<1000x128xf32, #tpu.memory_space<vmem>>, vector<1000x128xf32>
    %get3A_21 = arith.constant 0 : index
    %get3A_22 = arith.constant 0 : index
    %get3A_23 = vector.load %arg3[%get3A_21, %get3A_22] : memref<1000x128xf32, #tpu.memory_space<vmem>>, vector<1000x128xf32>
    %add3A_24 = arith.addf %get3A_20, %get3A_23 : vector<1000x128xf32>
    %get3A_25 = arith.constant 0 : index
    %get3A_26 = arith.constant 0 : index
    %get3A_27 = vector.load %arg7[%get3A_25, %get3A_26] : memref<128x128xf32, #tpu.memory_space<vmem>>, vector<128x128xf32>
    %dot_general3A_28 = arith.constant dense<0.000000e+00> : vector<1000x128xf32>
    %dot_general3A_29 = tpu.matmul %add3A_24, %get3A_27, %dot_general3A_28 {dimension_numbers = #tpu.dot_dimension_numbers<[1], [0], [0], [1], [0, 0, 1, 1], [], []>, transpose_lhs_hint = false} : vector<1000x128xf32>, vector<128x128xf32>, vector<1000x128xf32> -> vector<1000x128xf32>
    %add3A_30 = arith.addf %mul3A_17, %dot_general3A_29 : vector<1000x128xf32>
    %max3A = arith.constant 0.000000e+00 : f32
    %max3A_31 = vector.broadcast %max3A : f32 to vector<1000x128xf32>
    %max3A_32 = arith.maximumf %add3A_30, %max3A_31 : vector<1000x128xf32>
    %swap3A = arith.constant 0 : index
    %swap3A_33 = arith.constant 0 : index
    %swap3A_34 = vector.load %arg9[%swap3A, %swap3A_33] : memref<1000x128xf32, #tpu.memory_space<vmem>>, vector<1000x128xf32>
    tpu.vector_store %arg9[%swap3A, %swap3A_33], %max3A_32 {strides = array<i32>} : memref<1000x128xf32, #tpu.memory_space<vmem>>, vector<1000x128xf32>,
    return
  }
  func.func @transform_0(%arg0: i32) -> (i32, i32) {
    %c0_i32 = arith.constant 0 : i32
    %c0_i32_0 = arith.constant 0 : i32
    return %arg0, %c0_i32 : i32, i32
  }
  func.func @transform_1(%arg0: i32) -> (i32, i32) {
    %c0_i32 = arith.constant 0 : i32
    %c0_i32_0 = arith.constant 0 : i32
    return %arg0, %c0_i32 : i32, i32
  }
  func.func @transform_2(%arg0: i32) -> (i32, i32) {
    %c0_i32 = arith.constant 0 : i32
    %c0_i32_0 = arith.constant 0 : i32
    return %arg0, %c0_i32 : i32, i32
  }
  func.func @transform_3(%arg0: i32) -> (i32, i32) {
    %c0_i32 = arith.constant 0 : i32
    %c0_i32_0 = arith.constant 0 : i32
    return %arg0, %c0_i32 : i32, i32
  }
  func.func @transform_4(%arg0: i32) -> (i32, i32) {
    %c0_i32 = arith.constant 0 : i32
    %c0_i32_0 = arith.constant 0 : i32
    return %arg0, %c0_i32 : i32, i32
  }
  func.func @transform_5(%arg0: i32) -> (i32, i32) {
    %c0_i32 = arith.constant 0 : i32
    %c0_i32_0 = arith.constant 0 : i32
    %c0_i32_1 = arith.constant 0 : i32
    return %c0_i32, %c0_i32_0 : i32, i32
  }
  func.func @transform_6(%arg0: i32) -> (i32, i32) {
    %c0_i32 = arith.constant 0 : i32
    %c0_i32_0 = arith.constant 0 : i32
    %c0_i32_1 = arith.constant 0 : i32
    return %c0_i32, %c0_i32_0 : i32, i32
  }
  func.func @transform_7(%arg0: i32) -> (i32, i32) {
    %c0_i32 = arith.constant 0 : i32
    %c0_i32_0 = arith.constant 0 : i32
    %c0_i32_1 = arith.constant 0 : i32
    return %c0_i32, %c0_i32_0 : i32, i32
  }
  func.func @transform_8(%arg0: i32) -> (i32, i32) {
    %c0_i32 = arith.constant 0 : i32
    %c0_i32_0 = arith.constant 0 : i32
    return %arg0, %c0_i32 : i32, i32
  }
}

module attributes {stable_mosaic.version = 14 : i64} {
  func.func @_tc_body(%arg0: i32, %arg1: memref<1000x128xf32, #tpu.memory_space<vmem>>, %arg2: memref<1000x128xf32, #tpu.memory_space<vmem>>, %arg3: memref<1000x128xf32, #tpu.memory_space<vmem>>, %arg4: memref<1000x8xf32, #tpu.memory_space<vmem>>, %arg5: memref<1000x8xf32, #tpu.memory_space<vmem>>, %arg6: memref<128x128xf32, #tpu.memory_space<vmem>>, %arg7: memref<128x128xf32, #tpu.memory_space<vmem>>, %arg8: memref<1x128xf32, #tpu.memory_space<vmem>>, %arg9: memref<1000x128xf32, #tpu.memory_space<vmem>>) attributes {dimension_semantics = [#tpu.dimension_semantics<arbitrary>], iteration_bounds = array<i64: 10>, scalar_prefetch = 0 : i64, scratch_operands = 0 : i64, tpu.core_type = #tpu.core_type<tc>, window_params = [{transform_indices = @transform_0, window_bounds = array<i64: 1000, 128>}, {transform_indices = @transform_1, window_bounds = array<i64: 1000, 128>}, {transform_indices = @transform_2, window_bounds = array<i64: 1000, 128>}, {transform_indices = @transform_3, window_bounds = array<i64: 1000, 8>}, {transform_indices = @transform_4, window_bounds = array<i64: 1000, 8>}, {pipeline_mode = #tpu.pipeline_mode<synchronous>, transform_indices = @transform_5, window_bounds = array<i64: 128, 128>}, {pipeline_mode = #tpu.pipeline_mode<synchronous>, transform_indices = @transform_6, window_bounds = array<i64: 128, 128>}, {pipeline_mode = #tpu.pipeline_mode<synchronous>, transform_indices = @transform_7, window_bounds = array<i64: 1, 128>}, {transform_indices = @transform_8, window_bounds = array<i64: 1000, 128>}]} {
    %get3A = arith.constant 0 : index
    %get3A_0 = arith.constant 0 : index
    %get3A_1 = vector.load %arg4[%get3A, %get3A_0] : memref<1000x8xf32, #tpu.memory_space<vmem>>, vector<1000x1xf32>
    %get3A_2 = arith.constant 0 : index
    %get3A_3 = arith.constant 0 : index
    %get3A_4 = vector.load %arg5[%get3A_2, %get3A_3] : memref<1000x8xf32, #tpu.memory_space<vmem>>, vector<1000x1xf32>
    %add3A = arith.addf %get3A_1, %get3A_4 : vector<1000x1xf32>
    %get3A_5 = arith.constant 0 : index
    %get3A_6 = arith.constant 0 : index
    %get3A_7 = vector.load %arg1[%get3A_5, %get3A_6] : memref<1000x128xf32, #tpu.memory_space<vmem>>, vector<1000x128xf32>
    %get3A_8 = arith.constant 0 : index
    %get3A_9 = arith.constant 0 : index
    %get3A_10 = vector.load %arg6[%get3A_8, %get3A_9] : memref<128x128xf32, #tpu.memory_space<vmem>>, vector<128x128xf32>
    %dot_general3A = arith.constant dense<0.000000e+00> : vector<1000x128xf32>
    %dot_general3A_11 = tpu.matmul %get3A_7, %get3A_10, %dot_general3A {dimension_numbers = #tpu.dot_dimension_numbers<[1], [0], [0], [1], [0, 0, 1, 1], [], []>, transpose_lhs_hint = false} : vector<1000x128xf32>, vector<128x128xf32>, vector<1000x128xf32> -> vector<1000x128xf32>
    %get3A_12 = arith.constant 0 : index
    %get3A_13 = arith.constant 0 : index
    %get3A_14 = vector.load %arg8[%get3A_12, %get3A_13] : memref<1x128xf32, #tpu.memory_space<vmem>>, vector<1x128xf32>
    %add3A_15 = vector.broadcast %get3A_14 : vector<1x128xf32> to vector<1000x128xf32>
    %add3A_16 = arith.addf %dot_general3A_11, %add3A_15 : vector<1000x128xf32>
    %mul3A = vector.broadcast %add3A : vector<1000x1xf32> to vector<1000x128xf32>
    %mul3A_17 = arith.mulf %mul3A, %add3A_16 : vector<1000x128xf32>
    %get3A_18 = arith.constant 0 : index
    %get3A_19 = arith.constant 0 : index
    %get3A_20 = vector.load %arg2[%get3A_18, %get3A_19] : memref<1000x128xf32, #tpu.memory_space<vmem>>, vector<1000x128xf32>
    %get3A_21 = arith.constant 0 : index
    %get3A_22 = arith.constant 0 : index
    %get3A_23 = vector.load %arg3[%get3A_21, %get3A_22] : memref<1000x128xf32, #tpu.memory_space<vmem>>, vector<1000x128xf32>
    %add3A_24 = arith.addf %get3A_20, %get3A_23 : vector<1000x128xf32>
    %get3A_25 = arith.constant 0 : index
    %get3A_26 = arith.constant 0 : index
    %get3A_27 = vector.load %arg7[%get3A_25, %get3A_26] : memref<128x128xf32, #tpu.memory_space<vmem>>, vector<128x128xf32>
    %dot_general3A_28 = arith.constant dense<0.000000e+00> : vector<1000x128xf32>
    %dot_general3A_29 = tpu.matmul %add3A_24, %get3A_27, %dot_general3A_28 {dimension_numbers = #tpu.dot_dimension_numbers<[1], [0], [0], [1], [0, 0, 1, 1], [], []>, transpose_lhs_hint = false} : vector<1000x128xf32>, vector<128x128xf32>, vector<1000x128xf32> -> vector<1000x128xf32>
    %add3A_30 = arith.addf %mul3A_17, %dot_general3A_29 : vector<1000x128xf32>
    %swap3A = arith.constant 0 : index
    %swap3A_31 = arith.constant 0 : index
    %swap3A_32 = vector.load %arg9[%swap3A, %swap3A_31] : memref<1000x128xf32, #tpu.memory_space<vmem>>, vector<1000x128xf32>
    tpu.vector_store %arg9[%swap3A, %swap3A_31], %add3A_30 {strides = array<i32>} : memref<1000x128xf32, #tpu.memory_space<vmem>>, vector<1000x128xf32>,
    return
  }
  func.func @transform_0(%arg0: i32) -> (i32, i32) {
    %c0_i32 = arith.constant 0 : i32
    %c0_i32_0 = arith.constant 0 : i32
    return %arg0, %c0_i32 : i32, i32
  }
  func.func @transform_1(%arg0: i32) -> (i32, i32) {
    %c0_i32 = arith.constant 0 : i32
    %c0_i32_0 = arith.constant 0 : i32
    return %arg0, %c0_i32 : i32, i32
  }
  func.func @transform_2(%arg0: i32) -> (i32, i32) {
    %c0_i32 = arith.constant 0 : i32
    %c0_i32_0 = arith.constant 0 : i32
    return %arg0, %c0_i32 : i32, i32
  }
  func.func @transform_3(%arg0: i32) -> (i32, i32) {
    %c0_i32 = arith.constant 0 : i32
    %c0_i32_0 = arith.constant 0 : i32
    return %arg0, %c0_i32 : i32, i32
  }
  func.func @transform_4(%arg0: i32) -> (i32, i32) {
    %c0_i32 = arith.constant 0 : i32
    %c0_i32_0 = arith.constant 0 : i32
    return %arg0, %c0_i32 : i32, i32
  }
  func.func @transform_5(%arg0: i32) -> (i32, i32) {
    %c0_i32 = arith.constant 0 : i32
    %c0_i32_0 = arith.constant 0 : i32
    %c0_i32_1 = arith.constant 0 : i32
    return %c0_i32, %c0_i32_0 : i32, i32
  }
  func.func @transform_6(%arg0: i32) -> (i32, i32) {
    %c0_i32 = arith.constant 0 : i32
    %c0_i32_0 = arith.constant 0 : i32
    %c0_i32_1 = arith.constant 0 : i32
    return %c0_i32, %c0_i32_0 : i32, i32
  }
  func.func @transform_7(%arg0: i32) -> (i32, i32) {
    %c0_i32 = arith.constant 0 : i32
    %c0_i32_0 = arith.constant 0 : i32
    %c0_i32_1 = arith.constant 0 : i32
    return %c0_i32, %c0_i32_0 : i32, i32
  }
  func.func @transform_8(%arg0: i32) -> (i32, i32) {
    %c0_i32 = arith.constant 0 : i32
    %c0_i32_0 = arith.constant 0 : i32
    return %arg0, %c0_i32 : i32, i32
  }
}

</mosaic_0001>

<sc_bundles>
// kernel: kernel.12.cloned.1.call-start
scs
__scs_entry_jumppad:
0x0: {  	(pc) =	sbr.rel $0x88, $3  }
0x1: {  	(tag) =	ssettag $0x0;
	lr =	simm.s32 $0x1  }
0x2: {  	[smem:$0x3F99] =	sst lr;
	_ =	strace $0xD0000000  }
0x3: {  	_ = 	snop  }
0x4: {  	_ = 	snop  }
0x5: {  	_ = 	snop  }
0x6: {  	_ = 	snop  }
0x7: {  	_ = 	snop  }
__scs_overlays_trampoline_lowered:
0x8: {  	[smem:$0x3FA8] =	sst s0  }
0x9: {  	[smem:$0x3FA9] =	sst s1  }
0xa: {  	[smem:$0x3FAA] =	sst s2  }
0xb: {  	[smem:$0x3FAB] =	sst s3  }
0xc: {  	[smem:$0x3FAC] =	sst s4  }
0xd: {  	[smem:$0x3FAD] =	sst s5  }
0xe: {  	[smem:$0x3FAE] =	sst s6  }
0xf: {  	[smem:$0x3FAF] =	sst s7  }
0x10: {  	[smem:$0x3FB0] =	sst s8  }
0x11: {  	[smem:$0x3FB1] =	sst s9;
	s0 =	simm.s32 @!p0 $0x0  }
0x12: {  	s1 =	sld [smem:$0x3F97];
	s0 =	simm.s32 @p0 $0x1  }
0x13: {  	[smem:$0x3FB2] =	sst s0;
	s0 =	simm.s32 @!p1 $0x0  }
0x14: {  	s2 =	sld [smem:$0x3F96];
	s0 =	simm.s32 @p1 $0x1  }
0x15: {  	[smem:$0x3FB3] =	sst s0;
	s0 =	simm.s32 @!p2 $0x0  }
0x16: {  	s3 =	sld [smem:$0x3FDB];
	s0 =	simm.s32 @p2 $0x1  }
0x17: {  	s4 =	simm.s32 $0x1BF5;
	[smem:$0x3FB5] =	sst s0  }
0x18: {  	s0 =	sld [smem:$0x3F98];
	_ =	swait.ge [sflag:s4], $0x0  }
0x19: {  	s7 =	sld [smem:$0x3F99]  }
0x1a: {  	s8 =	sadd.s32 $0xFFFFE003, lr  }
0x1b: {  	s9 =	sadd.s32 $0xFFFFFEF7, lr;
	s5 =	simm.s32 $0xFFFFFFFF;
	p2 =	slt.u32 s8, $0xFFFFF086  }
0x1c: {  	p1 =	slt.u32 s9, $0xF7A;
	s5 =	simm.s32 @!p2 $0x0  }
0x1d: {  	s5 =	simm.s32 @p1 $0x1;
	p0 =	seq.s32 s7, s2  }
0x1e: {  	s7 =	smul.u32 @!p0 $0xF7A, s2;
	p2 =	seq.s32 @!p0 s5, $0x0  }
0x1f: {  	s9 =	smul.u32 $0xF7A, s1;
	s8 =	simm.s32 @!p0 $0x1BF5;
	p2 =	por !p2, p0  }
0x20: {  	[sflag:s8] =	ssyncset.s32 @!p0 $0xFFFFF086;
	s6 =	sadd.s32 @!p0 s3, s7;
	s7 =	simm.s32 @!p0 $0x108  }
0x21: {  	s3 =	sadd.s32 s3, s9;
	s6 =	sadd.s32 @!p0 $0x88, s6;
	s7 =	simm.s32 @p2 $0x1082  }
0x22: {  	[simem:s7], [sflag:s8] =	dma.local @!p0 [hbm:s6], $0xF7A  }
0x23: {  	s9 =	sor.u32 $0xD0000000, s2;
	s6 =	simm.s32 $0x108;
	_ =	swait.ge @!p0 [sflag:s8], $0x0  }
0x24: {  	s3 =	sadd.s32 $0x88, s3;
	s6 =	simm.s32 @!p1 $0x1082;
	[sflag:s4] =	ssyncset.s32 $0xFFFFF086  }
0x25: {  	[simem:s6], [sflag:s4] =	dma.local [hbm:s3], $0xF7A  }
0x26: {  	[smem:$0x3F99] =	sst s1;
	(tag) =	ssettag s2;
	_ =	strace s9  }
0x27: {  	s1 =	sld [smem:$0x3FA9]  }
0x28: {  	s2 =	sld [smem:$0x3FAA]  }
0x29: {  	s4 =	sld [smem:$0x3FAC]  }
0x2a: {  	p0 =	seq.s32 s5, $0x0;
	s5 =	sld [smem:$0x3FAD]  }
0x2b: {  	s6 =	sld [smem:$0x3FAE]  }
0x2c: {  	s7 =	sld [smem:$0x3FAF]  }
0x2d: {  	s3 =	simm.s32 $0x108;
	s8 =	sld [smem:$0x3FB0]  }
0x2e: {  	s3 =	simm.s32 @!p0 $0x1082;
	s9 =	sld [smem:$0x3FB1]  }
0x2f: {  	lr =	sadd.s32 s0, s3;
	s0 =	sld [smem:$0x3FA8]  }
0x30: {  	s3 =	sld [smem:$0x3FAB]  }
0x31: {  	[smem:$0x3FB4] =	sst s10  }
0x32: {  	s10 =	sld [smem:$0x3FB2];
	_ =	sdelay $0x3  }
0x33: {  	p0 =	seq.s32 s10, $0x1;
	s10 =	sld [smem:$0x3FB4];
	_ =	sdelay $0x3  }
0x34: {  	[smem:$0x3FB4] =	sst s10  }
0x35: {  	s10 =	sld [smem:$0x3FB3];
	_ =	sdelay $0x3  }
0x36: {  	p1 =	seq.s32 s10, $0x1;
	s10 =	sld [smem:$0x3FB4];
	_ =	sdelay $0x3  }
0x37: {  	[smem:$0x3FB4] =	sst s10  }
0x38: {  	s10 =	sld [smem:$0x3FB5]  }
0x39: {  	_ = 	snop;
	(pc) =	sbr.ind lr, $3  }
0x3a: {  	_ = 	snop  }
0x3b: {  	_ = 	snop  }
0x3c: {  	p2 =	seq.s32 s10, $0x1;
	s10 =	sld [smem:$0x3FB4]  }
0x3d: {  	_ =	shalt  }
0x3e: {  	_ =	shalt  }
0x3f: {  	_ =	shalt  }
0x40: {  	_ =	shalt  }
0x41: {  	_ =	shalt  }
0x42: {  	_ =	shalt  }
0x43: {  	_ =	shalt  }
0x44: {  	_ =	shalt  }
0x45: {  	_ =	shalt  }
0x46: {  	_ =	shalt  }
0x47: {  	_ =	shalt  }
0x48: {  	_ =	shalt  }
0x49: {  	_ =	shalt  }
0x4a: {  	_ =	shalt  }
0x4b: {  	_ =	shalt  }
0x4c: {  	_ =	shalt  }
0x4d: {  	_ =	shalt  }
0x4e: {  	_ =	shalt  }
0x4f: {  	_ =	shalt  }
0x50: {  	_ =	shalt  }
0x51: {  	_ =	shalt  }
0x52: {  	_ =	shalt  }
0x53: {  	_ =	shalt  }
0x54: {  	_ =	shalt  }
0x55: {  	_ =	shalt  }
0x56: {  	_ =	shalt  }
0x57: {  	_ =	shalt  }
0x58: {  	_ =	shalt  }
0x59: {  	_ =	shalt  }
0x5a: {  	_ =	shalt  }
0x5b: {  	_ =	shalt  }
0x5c: {  	_ =	shalt  }
0x5d: {  	_ =	shalt  }
0x5e: {  	_ =	shalt  }
0x5f: {  	_ =	shalt  }
0x60: {  	_ =	shalt  }
0x61: {  	_ =	shalt  }
0x62: {  	_ =	shalt  }
0x63: {  	_ =	shalt  }
0x64: {  	_ =	shalt  }
0x65: {  	_ =	shalt  }
0x66: {  	_ =	shalt  }
0x67: {  	_ =	shalt  }
0x68: {  	_ =	shalt  }
0x69: {  	_ =	shalt  }
0x6a: {  	_ =	shalt  }
0x6b: {  	_ =	shalt  }
0x6c: {  	_ =	shalt  }
0x6d: {  	_ =	shalt  }
0x6e: {  	_ =	shalt  }
0x6f: {  	_ =	shalt  }
0x70: {  	_ =	shalt  }
0x71: {  	_ =	shalt  }
0x72: {  	_ =	shalt  }
0x73: {  	_ =	shalt  }
0x74: {  	_ =	shalt  }
0x75: {  	_ =	shalt  }
0x76: {  	_ =	shalt  }
0x77: {  	_ =	shalt  }
0x78: {  	_ =	shalt  }
0x79: {  	_ =	shalt  }
0x7a: {  	_ =	shalt  }
0x7b: {  	_ =	shalt  }
0x7c: {  	_ =	shalt  }
0x7d: {  	_ =	shalt  }
0x7e: {  	_ =	shalt  }
0x7f: {  	_ =	shalt  }
0x80: {  	_ =	shalt  }
0x81: {  	_ =	shalt  }
0x82: {  	_ =	shalt  }
0x83: {  	_ =	shalt  }
0x84: {  	_ =	shalt  }
0x85: {  	_ =	shalt  }
0x86: {  	_ =	shalt  }
0x87: {  	_ =	shalt  }
.Lfunc_end0:
.L_simem_size_0:
called_computation.1_lowered:
.L_overlay_start_0:
0x88: {  	s2 =	sld [smem:$0x3FD9]  }
0x89: {  	s3 =	sld [smem:$0x3FFE];
	_ =	sdelay $0x1  }
0x8a: {  	s1 =	srdreg.scid  }
0x8b: {  	s0 =	sand.u32 $0x1, s1  }
0x8c: {  	s17 =	sshll.u32 s0, $0xA;
	s2 =	sadd.s32 s3, s2  }
0x8d: {  	s2 =	sadd.s32 s2, s17  }
0x8e: {  	[smem:$0x3FC0] =	sst s2  }
0x8f: {  	_ = 	snop  }
0x90: {  	s2 =	sld [smem:$0x3FC9];
	(tm) =	ssettm $0x1  }
0x91: {  	s18 =	sld [smem:$0x3FFB];
	_ =	sdelay $0x3  }
0x92: {  	_ =	strace s18  }
0x93: {  	s3 =	sld [smem:$0x3FFC];
	_ =	sdelay $0x3  }
0x94: {  	_ =	strace s3  }
0x95: {  	s3 =	sld [smem:$0x3FFD];
	_ =	sdelay $0x3  }
0x96: {  	_ =	strace s3  }
0x97: {  	_ =	strace $0x8FFFFFFF  }
0x98: {  	s19 =	sld [smem:$0x3FDB];
	_ =	sdelay $0x1  }
0x99: {  	s4 =	simm.s32 $_scs_section_size  }
0x9a: {  	s5 =	simm.s32 $_size__tile_overlayer_lowered;
	s6 =	simm.s32 $_tile_overlayer_lowered  }
0x9b: {  	s22 =	simm.s32 $0x1BFF;
	s21 =	sshll.u32 s6, $0x1;
	s3 =	sadd.s32 s4, s19  }
0x9c: {  	s7 =	simm.s32 $0x0;
	s20 =	sshll.u32 s5, $0x1;
	s5 =	sadd.s32 s21, s3  }
0x9d: {  	[timem:s7], [sflag:s22] =	dma.local [hbm:s5], s20  }
0x9e: {  	_ =	swait.ge [sflag:s22], s20  }
0x9f: {  	s4 =	ssub.s32 $0x0, s20;
	[sflag:s22] =	ssyncset.done $0x0  }
0xa0: {  	[sflag:s22] =	ssyncadd.s32 s4;
	_ =	sdelay $0x1  }
0xa1: {  	s23 =	simm.s32 $0x1B8B  }
0xa2: {  	_ =	swait.ge [sflag:s23], $0x1  }
0xa3: {  	[sflag:s23] =	ssyncset.done $0x0  }
0xa4: {  	s25 =	simm.s32 $0x1B8E;
	s24 =	sld [smem:$0x3FFE];
	[sflag:s23] =	ssyncadd.s32 $0xFFFFFFFF  }
0xa5: {  	s26 =	simm.s32 $execute0_lowered;
	[smem:$0x3FD2] =	sst s25  }
0xa6: {  	s5 =	sshll.u32 s26, $0x1;
	_ =	strace $0x80000046;
	[dreg:$0x1] =	wrdreg $0xFFFFFFFF  }
0xa7: {  	s28 =	simm.s32 $_size_execute0_lowered;
	s3 =	sadd.s32 s3, s5;
	[dreg:$0x0] =	wrdreg $0x0  }
0xa8: {  	s5 =	sshll.u32 s28, $0x1;
	[dreg:$0x2] =	wrdreg s3  }
0xa9: {  	[dreg:$0x3] =	wrdreg s5  }
0xaa: {  	[dreg:$0x4] =	wrdreg $0xC0  }
0xab: {  	_ =	task [dreg:s7], $0x5FFFF  }
0xac: {  	[dreg:$0x1] =	wrdreg $0xFFFFFFFF  }
0xad: {  	[dreg:$0x0] =	wrdreg $0x60  }
0xae: {  	[dreg:$0x2] =	wrdreg s2  }
0xaf: {  	[dreg:$0x3] =	wrdreg s24  }
0xb0: {  	[dreg:$0x4] =	wrdreg $0xA8000  }
0xb1: {  	[dreg:$0x5] =	wrdreg $0xA  }
0xb2: {  	_ =	task.clear_ibuf [dreg:s7], $0x6FFFF;
	_ =	strace $0x90000046  }
0xb3: {  	s29 =	simm.s32 $0xA;
	_ =	strace $0x80000048  }
0xb4: {  	_ =	swait.ge [sflag:s29], $0x1  }
0xb5: {  	[sflag:s29] =	ssyncadd.s32 $0xFFFFFFFF  }
0xb6: {  	_ =	strace $0x90000048  }
0xb7: {  	_ =	sfence  }
0xb8: {  	s30 =	sld [smem:$0x0];
	_ =	sdelay $0x2  }
0xb9: {  	s31 =	sshll.u32 s1, $0xD;
	s1 =	sshrl.u32 s1, $0x2  }
0xba: {  	s3 =	sand.u32 $0x4000, s31;
	s1 =	sadd.s32 s1, s30  }
0xbb: {  	s0 =	sor.u32 s3, s0;
	s1 =	sshll.u32 s1, $0x11  }
0xbc: {  	s0 =	sor.u32 s1, s0  }
0xbd: {  	s0 =	sadd.s32 $0x8F2B, s0  }
0xbe: {  	[sflag:s0] =	ssyncadd.remote.s32 $0x1  }
0xbf: {  	_ =	sfence.sel $0xFFFF  }
0xc0: {  	[dreg:$0x0] =	wrdreg $0xFFFFFFFF;
	(pc) =	sbr.abs _section_cstart, $3  }
0xc1: {  	[dreg:$0x1] =	wrdreg $0xFFFFFFFF  }
0xc2: {  	_ =	task.clear_ibuf [dreg:s7], $0x2FFFF;
	_ =	strace $0x9FFFFFFF  }
0xc3: {  	(tm) =	ssettm $0x7FFFFFFF  }
tec
execute0_lowered:
.L_overlay_start_1:
0x0: {  	(tag) =	ssettag $0x1  }
0x1: {  	s1 =	rddreg [dreg:$0x0]  }
0x2: {  	s6 =	rddreg [dreg:$0x1]  }
0x3: {  	s2 =	rddreg [dreg:$0x2]  }
0x4: {  	s3 =	srdreg.scid;
	s4 =	simm.s32 $0x0;
	s18 =	simm.s32 $0x1400  }
0x5: {  	s19 =	simm.s32 $0x80;
	s20 =	simm.s32 $0x6800;
	s21 =	simm.s32 $0x1  }
0x6: {  	s22 =	simm.s32 $0x2;
	s23 =	simm.s32 $0x1380;
	s24 =	simm.s32 $0x2700  }
0x7: {  	s25 =	simm.s32 $0x2780;
	s8 =	sand.u32 $0x1, s3;
	s3 =	stileid.u32  }
0x8: {  	s26 =	simm.s32 $0x0;
	[smem:$0x7FF] =	sst s4;
	s5 =	smul.u32 $0x140000, s8  }
0x9: {  	s14 =	sadd.s32 $0x4800, s6;
	s15 =	sadd.s32 $0xE800, s6;
	s7 =	smul.u32 $0x14000, s3  }
0xa: {  	_ =	strace $0x80000047;
	s9 =	smul.u32 $0x50000, s3;
	s10 =	ssub.s32 $0x2, s8  }
0xb: {  	s11 =	smul.u32 $0x500, s3;
	p0 =	seq.s32 s8, $0x0;
	s31 =	sshrl.u32 s10, $0x1  }
0xc: {  	s5 =	sadd.s32 s7, s5;
	s30 =	sshrl.u32 s9, $0x2;
	s13 =	ssub.s32 s10, s31  }
0xd: {  	s16 =	sadd.s32 $0x5000, s11;
	s7 =	sshrl.u32 s5, $0x3;
	s5 =	sadd.s32 s30, s2  }
0xe: {  	s16 =	smov.u32 @p0 s11;
	s11 =	smax.u32 s13, $0x1;
	s12 =	sadd.s32 s7, s6  }
0xf: {  	s6 =	sadd.s32 $0x4000, s5;
	s7 =	sadd.s32 $0x8000, s5;
	s8 =	sadd.s32 $0xC000, s5  }
0x10: {  	s9 =	sadd.s32 $0x10000, s5;
	s17 =	sadd.s32 $0x280, s16;
	s13 =	sadd.s32 s15, s16  }
0x11: {  	s10 =	sadd.s32 $0x18800, s12;
	s12 =	sadd.s32 s14, s16;
	s14 =	sadd.s32 s14, s17  }
0x12: {  	v0 =	vimm.f32 $0.0e+00;
	s15 =	sadd.s32 s15, s17;
	s16 =	simm.s32 $0x2800;
	s17 =	simm.s32 $0x3  }
.LBB2_1:
0x13: {  	s28 =	sand.u32 $0xFE00, s4  }
0x14: {  	s29 =	sand.u32 $0x70, s4;
	s30 =	sshrl.u32 s28, $0x2  }
0x15: {  	s28 =	simm.s32 $0x40;
	s30 =	sor.u32 s29, s30;
	s29 =	simm.s32 $0x0  }
.LBB2_2:
0x16: {  	p0 =	sne.s32 s28, $0xFFC0  }
0x17: {  	[tilespmem:s30+$0x2800] =	vst v0;
	s29 =	sadd.s32 $0x10, s29;
	s30 =	smov.u32 s28;
	s28 =	sadd.s32 $0x40, s28  }
.Ltmp0:
0x18: {  	(pc) =	sbr.rel @p0 .LBB2_2-.Ltmp0, $4  }
0x19: {  	_ = 	snop  }
0x1a: {  	s30 =	sand.u32 $0xFE00, s30  }
0x1b: {  	s31 =	sand.u32 $0x70, s29;
	s30 =	sshrl.u32 s30, $0x2  }
0x1c: {  	s30 =	sor.u32 s31, s30  }
0x1d: {  	[tilespmem:s30+$0x2800] =	vst v0  }
0x1e: {  	[spmem:s5] =	stream.linear.scatter [tilespmem:s16], [sflag:$0x3], $0x4000, $0x38;
	[tilespmem:$0x1E800] =	vst v63  }
0x1f: {  	_ =	swait.ge [sflag:s17], $0x4000  }
0x20: {  	[sflag:s17] =	ssyncset.done $0x0  }
0x21: {  	[sflag:s17] =	ssyncadd.s32 $0xFFFFC000  }
0x22: {  	[spmem:s6] =	stream.linear.scatter [tilespmem:s16], [sflag:$0x3], $0x4000, $0x38;
	[tilespmem:$0x1E800] =	vst v63  }
0x23: {  	_ =	swait.ge [sflag:s17], $0x4000  }
0x24: {  	[sflag:s17] =	ssyncset.done $0x0  }
0x25: {  	[sflag:s17] =	ssyncadd.s32 $0xFFFFC000  }
0x26: {  	[spmem:s7] =	stream.linear.scatter [tilespmem:s16], [sflag:$0x3], $0x4000, $0x38;
	[tilespmem:$0x1E800] =	vst v63  }
0x27: {  	_ =	swait.ge [sflag:s17], $0x4000  }
0x28: {  	[sflag:s17] =	ssyncset.done $0x0  }
0x29: {  	[sflag:s17] =	ssyncadd.s32 $0xFFFFC000  }
0x2a: {  	[spmem:s8] =	stream.linear.scatter [tilespmem:s16], [sflag:$0x3], $0x4000, $0x38;
	[tilespmem:$0x1E800] =	vst v63  }
0x2b: {  	_ =	swait.ge [sflag:s17], $0x4000  }
0x2c: {  	[sflag:s17] =	ssyncset.done $0x0  }
0x2d: {  	[sflag:s17] =	ssyncadd.s32 $0xFFFFC000  }
0x2e: {  	[spmem:s9] =	stream.linear.scatter [tilespmem:s16], [sflag:$0x3], $0x4000, $0x38;
	[tilespmem:$0x1E800] =	vst v63  }
0x2f: {  	_ =	swait.ge [sflag:s17], $0x4000  }
0x30: {  	[sflag:s17] =	ssyncset.done $0x0  }
0x31: {  	[sflag:s17] =	ssyncadd.s32 $0xFFFFC000  }
0x32: {  	s28 =	simm.s32 $0x0;
	[bflag:$0x0] =	sbarrier.arrive $0xFFFF  }
0x33: {  	[tilespmem:s28], [sflag:$0x3] =	stream.linear.gather [hbm4b:s12+s28], $0x1400, $0x38;
	[tilespmem:$0x1E800] =	vst v63  }
0x34: {  	_ =	swait.ge [sflag:s17], $0x1400  }
0x35: {  	[sflag:s17] =	ssyncset.done $0x0  }
0x36: {  	[sflag:s17] =	ssyncadd.s32 $0xFFFFEC00  }
0x37: {  	[tilespmem:s18], [sflag:$0x3] =	stream.linear.gather [hbm4b:s13+s28], $0x1400, $0x38;
	[tilespmem:$0x1E800] =	vst v63  }
0x38: {  	_ =	swait.ge [sflag:s17], $0x1400  }
0x39: {  	[sflag:s17] =	ssyncset.done $0x0  }
0x3a: {  	[sflag:s17] =	ssyncadd.s32 $0xFFFFEC00  }
0x3b: {  	[tilespmem:s16], [sflag:$0x1] =	stream.indirect.gather [hbm4b:s1+s19], $0x80, s28, s19, $0xb8;
	[tilespmem:$0x1E800] =	vst v63  }
0x3c: {  	s28 =	simm.s32 $0x80  }
0x3d: {  	[tilespmem:s20], [sflag:$0x2] =	stream.indirect.gather [hbm4b:s1+s19], $0x80, s28, s19, $0xb8;
	[tilespmem:$0x1E800] =	vst v63  }
0x3e: {  	_ =	swait.ge [sflag:s21], $0x4000  }
0x3f: {  	[sflag:s21] =	ssyncset.done $0x0  }
0x40: {  	s28 =	simm.s32 $0x1400;
	[sflag:s21] =	ssyncadd.s32 $0xFFFFC000  }
0x41: {  	[spmem:s2] =	stream.indirect.scatter.add.f32 [tilespmem:s16], [sflag:$0x3], $0x80, s28, s19, $0xb8;
	[tilespmem:$0x1E800] =	vst v63  }
0x42: {  	_ =	swait.ge [sflag:s17], $0x4000  }
0x43: {  	[sflag:s17] =	ssyncset.done $0x0  }
0x44: {  	s28 =	simm.s32 $0x100;
	[sflag:s17] =	ssyncadd.s32 $0xFFFFC000  }
0x45: {  	[tilespmem:s16], [sflag:$0x1] =	stream.indirect.gather [hbm4b:s1+s19], $0x80, s28, s19, $0xb8;
	[tilespmem:$0x1E800] =	vst v63  }
0x46: {  	_ =	swait.ge [sflag:s22], $0x4000  }
0x47: {  	[sflag:s22] =	ssyncset.done $0x0  }
0x48: {  	s28 =	simm.s32 $0x1480;
	[sflag:s22] =	ssyncadd.s32 $0xFFFFC000  }
0x49: {  	[spmem:s2] =	stream.indirect.scatter.add.f32 [tilespmem:s20], [sflag:$0x3], $0x80, s28, s19, $0xb8;
	[tilespmem:$0x1E800] =	vst v63  }
0x4a: {  	_ =	swait.ge [sflag:s17], $0x4000  }
0x4b: {  	s29 =	simm.s32 $0x800;
	s28 =	simm.s32 $0x100;
	[sflag:s17] =	ssyncset.done $0x0  }
.LBB2_4:
0x4c: {  	s30 =	sadd.s32 $0x80, s28  }
0x4d: {  	[sflag:s17] =	ssyncadd.s32 $0xFFFFC000;
	s31 =	smov.u32 s29;
	s0 =	sadd.s32 $0x400, s29  }
0x4e: {  	[tilespmem:s20], [sflag:$0x2] =	stream.indirect.gather [hbm4b:s1+s19], $0x80, s30, s19, $0xb8;
	[tilespmem:$0x1E800] =	vst v63  }
0x4f: {  	p0 =	sne.s32 s29, $0x4800;
	_ =	swait.ge [sflag:s21], $0x4000  }
0x50: {  	[sflag:s21] =	ssyncset.done $0x0  }
0x51: {  	s29 =	sadd.s32 $0x1400, s28;
	[sflag:s21] =	ssyncadd.s32 $0xFFFFC000  }
0x52: {  	[spmem:s2] =	stream.indirect.scatter.add.f32 [tilespmem:s16], [sflag:$0x3], $0x80, s29, s19, $0xb8;
	[tilespmem:$0x1E800] =	vst v63  }
0x53: {  	_ =	swait.ge [sflag:s17], $0x4000  }
0x54: {  	[sflag:s17] =	ssyncset.done $0x0  }
0x55: {  	s29 =	sadd.s32 $0x100, s28;
	[sflag:s17] =	ssyncadd.s32 $0xFFFFC000  }
0x56: {  	[tilespmem:s16], [sflag:$0x1] =	stream.indirect.gather [hbm4b:s1+s19], $0x80, s29, s19, $0xb8;
	[tilespmem:$0x1E800] =	vst v63  }
0x57: {  	_ =	swait.ge [sflag:s22], $0x4000  }
.Ltmp1:
0x58: {  	[sflag:s22] =	ssyncset.done $0x0;
	(pc) =	sbr.rel @p0 .LBB2_4-.Ltmp1, $4  }
0x59: {  	s28 =	sadd.s32 $0x1480, s28;
	[sflag:s22] =	ssyncadd.s32 $0xFFFFC000  }
0x5a: {  	[spmem:s2] =	stream.indirect.scatter.add.f32 [tilespmem:s20], [sflag:$0x3], $0x80, s28, s19, $0xb8;
	[tilespmem:$0x1E800] =	vst v63  }
0x5b: {  	_ =	swait.ge [sflag:s17], $0x4000  }
0x5c: {  	s29 =	smov.u32 s0;
	s28 =	sshra.s32 s31, $0x2;
	[sflag:s17] =	ssyncset.done $0x0  }
0x5d: {  	s0 =	sadd.s32 $0x80, s28;
	[sflag:s17] =	ssyncadd.s32 $0xFFFFC000  }
0x5e: {  	[tilespmem:s20], [sflag:$0x2] =	stream.indirect.gather [hbm4b:s1+s19], $0x80, s0, s19, $0xb8;
	[tilespmem:$0x1E800] =	vst v63  }
0x5f: {  	_ =	swait.ge [sflag:s21], $0x4000  }
0x60: {  	[sflag:s21] =	ssyncset.done $0x0  }
0x61: {  	s30 =	sadd.s32 $0x1400, s28;
	[sflag:s21] =	ssyncadd.s32 $0xFFFFC000  }
0x62: {  	[spmem:s2] =	stream.indirect.scatter.add.f32 [tilespmem:s16], [sflag:$0x3], $0x80, s30, s19, $0xb8;
	[tilespmem:$0x1E800] =	vst v63  }
0x63: {  	_ =	swait.ge [sflag:s17], $0x4000  }
0x64: {  	[sflag:s17] =	ssyncset.done $0x0  }
0x65: {  	s31 =	sadd.s32 $0x100, s28;
	[sflag:s17] =	ssyncadd.s32 $0xFFFFC000  }
0x66: {  	[tilespmem:s16], [sflag:$0x1] =	stream.indirect.gather [hbm4b:s1+s19], $0x80, s31, s19, $0xb8;
	[tilespmem:$0x1E800] =	vst v63  }
0x67: {  	_ =	swait.ge [sflag:s22], $0x4000  }
0x68: {  	[sflag:s22] =	ssyncset.done $0x0  }
0x69: {  	s30 =	sadd.s32 $0x1480, s28;
	[sflag:s22] =	ssyncadd.s32 $0xFFFFC000  }
0x6a: {  	[spmem:s2] =	stream.indirect.scatter.add.f32 [tilespmem:s20], [sflag:$0x3], $0x80, s30, s19, $0xb8;
	[tilespmem:$0x1E800] =	vst v63  }
0x6b: {  	_ =	swait.ge [sflag:s17], $0x4000  }
0x6c: {  	[sflag:s17] =	ssyncset.done $0x0  }
0x6d: {  	[sflag:s17] =	ssyncadd.s32 $0xFFFFC000  }
0x6e: {  	[tilespmem:s20], [sflag:$0x2] =	stream.indirect.gather [hbm4b:s1+s19], $0x80, s23, s19, $0xb8;
	[tilespmem:$0x1E800] =	vst v63  }
0x6f: {  	_ =	swait.ge [sflag:s21], $0x4000  }
0x70: {  	[sflag:s21] =	ssyncset.done $0x0  }
0x71: {  	[sflag:s21] =	ssyncadd.s32 $0xFFFFC000  }
0x72: {  	[spmem:s2] =	stream.indirect.scatter.add.f32 [tilespmem:s16], [sflag:$0x3], $0x80, s24, s19, $0xb8;
	[tilespmem:$0x1E800] =	vst v63  }
0x73: {  	_ =	swait.ge [sflag:s17], $0x4000  }
0x74: {  	[sflag:s17] =	ssyncset.done $0x0  }
0x75: {  	[sflag:s17] =	ssyncadd.s32 $0xFFFFC000  }
0x76: {  	_ =	swait.ge [sflag:s22], $0x4000  }
0x77: {  	[sflag:s22] =	ssyncset.done $0x0  }
0x78: {  	[sflag:s22] =	ssyncadd.s32 $0xFFFFC000  }
0x79: {  	[spmem:s2] =	stream.indirect.scatter.add.f32 [tilespmem:s20], [sflag:$0x3], $0x80, s25, s19, $0xb8;
	[tilespmem:$0x1E800] =	vst v63  }
0x7a: {  	_ =	swait.ge [sflag:s17], $0x4000  }
0x7b: {  	[sflag:s17] =	ssyncset.done $0x0  }
0x7c: {  	s31 =	simm.s32 $0x0;
	[sflag:s17] =	ssyncadd.s32 $0xFFFFC000  }
0x7d: {  	[tilespmem:s31], [sflag:$0x3] =	stream.linear.gather [hbm4b:s14+s31], $0x1400, $0x38;
	[tilespmem:$0x1E800] =	vst v63  }
0x7e: {  	_ =	swait.ge [sflag:s17], $0x1400  }
0x7f: {  	[sflag:s17] =	ssyncset.done $0x0  }
0x80: {  	[sflag:s17] =	ssyncadd.s32 $0xFFFFEC00  }
0x81: {  	[tilespmem:s18], [sflag:$0x3] =	stream.linear.gather [hbm4b:s15+s31], $0x1400, $0x38;
	[tilespmem:$0x1E800] =	vst v63  }
0x82: {  	_ =	swait.ge [sflag:s17], $0x1400  }
0x83: {  	[sflag:s17] =	ssyncset.done $0x0  }
0x84: {  	[sflag:s17] =	ssyncadd.s32 $0xFFFFEC00  }
0x85: {  	[tilespmem:s16], [sflag:$0x1] =	stream.indirect.gather [hbm4b:s1+s19], $0x80, s31, s19, $0xb8;
	[tilespmem:$0x1E800] =	vst v63  }
0x86: {  	s30 =	simm.s32 $0x80  }
0x87: {  	[tilespmem:s20], [sflag:$0x2] =	stream.indirect.gather [hbm4b:s1+s19], $0x80, s30, s19, $0xb8;
	[tilespmem:$0x1E800] =	vst v63  }
0x88: {  	_ =	swait.ge [sflag:s21], $0x4000  }
0x89: {  	[sflag:s21] =	ssyncset.done $0x0  }
0x8a: {  	s31 =	simm.s32 $0x1400;
	[sflag:s21] =	ssyncadd.s32 $0xFFFFC000  }
0x8b: {  	[spmem:s2] =	stream.indirect.scatter.add.f32 [tilespmem:s16], [sflag:$0x3], $0x80, s31, s19, $0xb8;
	[tilespmem:$0x1E800] =	vst v63  }
0x8c: {  	_ =	swait.ge [sflag:s17], $0x4000  }
0x8d: {  	[sflag:s17] =	ssyncset.done $0x0  }
0x8e: {  	s30 =	simm.s32 $0x100;
	[sflag:s17] =	ssyncadd.s32 $0xFFFFC000  }
0x8f: {  	[tilespmem:s16], [sflag:$0x1] =	stream.indirect.gather [hbm4b:s1+s19], $0x80, s30, s19, $0xb8;
	[tilespmem:$0x1E800] =	vst v63  }
0x90: {  	_ =	swait.ge [sflag:s22], $0x4000  }
0x91: {  	[sflag:s22] =	ssyncset.done $0x0  }
0x92: {  	s31 =	simm.s32 $0x1480;
	[sflag:s22] =	ssyncadd.s32 $0xFFFFC000  }
0x93: {  	[spmem:s2] =	stream.indirect.scatter.add.f32 [tilespmem:s20], [sflag:$0x3], $0x80, s31, s19, $0xb8;
	[tilespmem:$0x1E800] =	vst v63  }
0x94: {  	_ =	swait.ge [sflag:s17], $0x4000  }
0x95: {  	s29 =	simm.s32 $0x800;
	s28 =	simm.s32 $0x100;
	[sflag:s17] =	ssyncset.done $0x0  }
.LBB2_6:
0x96: {  	s0 =	sadd.s32 $0x80, s28  }
0x97: {  	[sflag:s17] =	ssyncadd.s32 $0xFFFFC000;
	s30 =	smov.u32 s29;
	s31 =	sadd.s32 $0x400, s29  }
0x98: {  	[tilespmem:s20], [sflag:$0x2] =	stream.indirect.gather [hbm4b:s1+s19], $0x80, s0, s19, $0xb8;
	[tilespmem:$0x1E800] =	vst v63  }
0x99: {  	p0 =	sne.s32 s29, $0x4800;
	_ =	swait.ge [sflag:s21], $0x4000  }
0x9a: {  	[sflag:s21] =	ssyncset.done $0x0  }
0x9b: {  	s0 =	sadd.s32 $0x1400, s28;
	[sflag:s21] =	ssyncadd.s32 $0xFFFFC000  }
0x9c: {  	[spmem:s2] =	stream.indirect.scatter.add.f32 [tilespmem:s16], [sflag:$0x3], $0x80, s0, s19, $0xb8;
	[tilespmem:$0x1E800] =	vst v63  }
0x9d: {  	_ =	swait.ge [sflag:s17], $0x4000  }
0x9e: {  	[sflag:s17] =	ssyncset.done $0x0  }
0x9f: {  	s0 =	sadd.s32 $0x100, s28;
	[sflag:s17] =	ssyncadd.s32 $0xFFFFC000  }
0xa0: {  	[tilespmem:s16], [sflag:$0x1] =	stream.indirect.gather [hbm4b:s1+s19], $0x80, s0, s19, $0xb8;
	[tilespmem:$0x1E800] =	vst v63  }
0xa1: {  	_ =	swait.ge [sflag:s22], $0x4000  }
.Ltmp2:
0xa2: {  	[sflag:s22] =	ssyncset.done $0x0;
	(pc) =	sbr.rel @p0 .LBB2_6-.Ltmp2, $4  }
0xa3: {  	s0 =	sadd.s32 $0x1480, s28;
	[sflag:s22] =	ssyncadd.s32 $0xFFFFC000  }
0xa4: {  	[spmem:s2] =	stream.indirect.scatter.add.f32 [tilespmem:s20], [sflag:$0x3], $0x80, s0, s19, $0xb8;
	[tilespmem:$0x1E800] =	vst v63  }
0xa5: {  	_ =	swait.ge [sflag:s17], $0x4000  }
0xa6: {  	s29 =	smov.u32 s31;
	s28 =	sshra.s32 s30, $0x2;
	[sflag:s17] =	ssyncset.done $0x0  }
0xa7: {  	s0 =	sadd.s32 $0x80, s28;
	[sflag:s17] =	ssyncadd.s32 $0xFFFFC000  }
0xa8: {  	[tilespmem:s20], [sflag:$0x2] =	stream.indirect.gather [hbm4b:s1+s19], $0x80, s0, s19, $0xb8;
	[tilespmem:$0x1E800] =	vst v63  }
0xa9: {  	_ =	swait.ge [sflag:s21], $0x4000  }
0xaa: {  	[sflag:s21] =	ssyncset.done $0x0  }
0xab: {  	s30 =	sadd.s32 $0x1400, s28;
	[sflag:s21] =	ssyncadd.s32 $0xFFFFC000  }
0xac: {  	[spmem:s2] =	stream.indirect.scatter.add.f32 [tilespmem:s16], [sflag:$0x3], $0x80, s30, s19, $0xb8;
	[tilespmem:$0x1E800] =	vst v63  }
0xad: {  	_ =	swait.ge [sflag:s17], $0x4000  }
0xae: {  	[sflag:s17] =	ssyncset.done $0x0  }
0xaf: {  	s31 =	sadd.s32 $0x100, s28;
	[sflag:s17] =	ssyncadd.s32 $0xFFFFC000  }
0xb0: {  	[tilespmem:s16], [sflag:$0x1] =	stream.indirect.gather [hbm4b:s1+s19], $0x80, s31, s19, $0xb8;
	[tilespmem:$0x1E800] =	vst v63  }
0xb1: {  	_ =	swait.ge [sflag:s22], $0x4000  }
0xb2: {  	[sflag:s22] =	ssyncset.done $0x0  }
0xb3: {  	s29 =	sadd.s32 $0x1480, s28;
	[sflag:s22] =	ssyncadd.s32 $0xFFFFC000  }
0xb4: {  	[spmem:s2] =	stream.indirect.scatter.add.f32 [tilespmem:s20], [sflag:$0x3], $0x80, s29, s19, $0xb8;
	[tilespmem:$0x1E800] =	vst v63  }
0xb5: {  	_ =	swait.ge [sflag:s17], $0x4000  }
0xb6: {  	[sflag:s17] =	ssyncset.done $0x0  }
0xb7: {  	[sflag:s17] =	ssyncadd.s32 $0xFFFFC000  }
0xb8: {  	[tilespmem:s20], [sflag:$0x2] =	stream.indirect.gather [hbm4b:s1+s19], $0x80, s23, s19, $0xb8;
	[tilespmem:$0x1E800] =	vst v63  }
0xb9: {  	_ =	swait.ge [sflag:s21], $0x4000  }
0xba: {  	[sflag:s21] =	ssyncset.done $0x0  }
0xbb: {  	[sflag:s21] =	ssyncadd.s32 $0xFFFFC000  }
0xbc: {  	[spmem:s2] =	stream.indirect.scatter.add.f32 [tilespmem:s16], [sflag:$0x3], $0x80, s24, s19, $0xb8;
	[tilespmem:$0x1E800] =	vst v63  }
0xbd: {  	_ =	swait.ge [sflag:s17], $0x4000  }
0xbe: {  	[sflag:s17] =	ssyncset.done $0x0  }
0xbf: {  	[sflag:s17] =	ssyncadd.s32 $0xFFFFC000  }
0xc0: {  	_ =	swait.ge [sflag:s22], $0x4000  }
0xc1: {  	[sflag:s22] =	ssyncset.done $0x0  }
0xc2: {  	[sflag:s22] =	ssyncadd.s32 $0xFFFFC000  }
0xc3: {  	[spmem:s2] =	stream.indirect.scatter.add.f32 [tilespmem:s20], [sflag:$0x3], $0x80, s25, s19, $0xb8;
	[tilespmem:$0x1E800] =	vst v63  }
0xc4: {  	_ =	swait.ge [sflag:s17], $0x4000  }
0xc5: {  	s26 =	sadd.s32 $0x1, s26;
	s30 =	sshll.u32 s3, $0x6;
	[sflag:s17] =	ssyncset.done $0x0  }
0xc6: {  	p0 =	sne.s32 s26, s11;
	s0 =	sor.u32 $0x1C03, s30;
	[sflag:s17] =	ssyncadd.s32 $0xFFFFC000  }
.Ltmp3:
0xc7: {  	s31 =	sshrl.u32 s5, $0x3;
	[bflag:$0x0] =	sbarrier.arrive $0xFFFF;
	(pc) =	sbr.rel @p0 .LBB2_1-.Ltmp3, $4  }
0xc8: {  	[hbm:s10], [sflag:s0] =	dma.local [spmem:s31], $0x2800  }
0xc9: {  	_ =	swait.ge [sflag:s17], $0x2800  }
0xca: {  	[sflag:s17] =	ssyncset.done $0x0  }
0xcb: {  	[sflag:s17] =	ssyncadd.s32 $0xFFFFD800  }
0xcc: {  	_ =	sfence.sel $0x180000  }
0xcd: {  	[bflag:$0x0] =	sbarrier.arrive $0xFFFF  }
0xce: {  	_ =	strace $0x90000047  }
0xcf: {  	[bflag:$0x2] =	sbarrier.arrive $0xFFFF  }
0xd0: {  	p0 =	sne.s32 s3, $0x0;
	s0 =	rddreg [dreg:$0x3]  }
0xd1: {  	s0 =	sadd.s32 @!p0 $0x100000, s0  }
0xd2: {  	[sflag:s0] =	ssyncadd.tile.s32 @!p0 $0x1;
	_ =	shalt  }
.Lfunc_end2:
_tile_overlayer_lowered:
.L_overlay_start_2:
0xd3: {  	(tag) =	ssettag $0x2  }
0xd4: {  	s0 =	rddreg [dreg:$0x0];
	s2 =	stileid.u32  }
0xd5: {  	s1 =	rddreg [dreg:$0x1];
	p0 =	sne.s32 s2, $0x0  }
0xd6: {  	s3 =	rddreg [dreg:$0x2];
	[bflag:$0x3] =	sbarrier.arrive $0xFFFF;
	s2 =	simm.s32 @!p0 $0x1C03  }
0xd7: {  	[timem:s3], [sflag:s2] =	dma.local @!p0 [hbm:s0], s1  }
0xd8: {  	s0 =	simm.s32 @!p0 $0x3  }
0xd9: {  	_ =	swait.ge @!p0 [sflag:s0], s1  }
0xda: {  	s1 =	ssub.s32 @!p0 $0x0, s1;
	[sflag:s0] =	ssyncset.done @!p0 $0x0  }
0xdb: {  	[sflag:s0] =	ssyncadd.s32 @!p0 s1  }
0xdc: {  	[bflag:$0x3] =	sbarrier.arrive $0xFFFF  }
0xdd: {  	_ =	shalt  }

// kernel: kernel.15.cloned.1.call-start
scs
__scs_entry_jumppad:
0x0: {  	(pc) =	sbr.rel $0x88, $3  }
0x1: {  	(tag) =	ssettag $0x0;
	lr =	simm.s32 $0x1  }
0x2: {  	[smem:$0x3F99] =	sst lr;
	_ =	strace $0xD0000000  }
0x3: {  	_ = 	snop  }
0x4: {  	_ = 	snop  }
0x5: {  	_ = 	snop  }
0x6: {  	_ = 	snop  }
0x7: {  	_ = 	snop  }
__scs_overlays_trampoline_lowered:
0x8: {  	[smem:$0x3FA8] =	sst s0  }
0x9: {  	[smem:$0x3FA9] =	sst s1  }
0xa: {  	[smem:$0x3FAA] =	sst s2  }
0xb: {  	[smem:$0x3FAB] =	sst s3  }
0xc: {  	[smem:$0x3FAC] =	sst s4  }
0xd: {  	[smem:$0x3FAD] =	sst s5  }
0xe: {  	[smem:$0x3FAE] =	sst s6  }
0xf: {  	[smem:$0x3FAF] =	sst s7  }
0x10: {  	[smem:$0x3FB0] =	sst s8  }
0x11: {  	[smem:$0x3FB1] =	sst s9;
	s0 =	simm.s32 @!p0 $0x0  }
0x12: {  	s1 =	sld [smem:$0x3F97];
	s0 =	simm.s32 @p0 $0x1  }
0x13: {  	[smem:$0x3FB2] =	sst s0;
	s0 =	simm.s32 @!p1 $0x0  }
0x14: {  	s2 =	sld [smem:$0x3F96];
	s0 =	simm.s32 @p1 $0x1  }
0x15: {  	[smem:$0x3FB3] =	sst s0;
	s0 =	simm.s32 @!p2 $0x0  }
0x16: {  	s3 =	sld [smem:$0x3FDB];
	s0 =	simm.s32 @p2 $0x1  }
0x17: {  	s4 =	simm.s32 $0x1BF5;
	[smem:$0x3FB5] =	sst s0  }
0x18: {  	s0 =	sld [smem:$0x3F98];
	_ =	swait.ge [sflag:s4], $0x0  }
0x19: {  	s7 =	sld [smem:$0x3F99]  }
0x1a: {  	s8 =	sadd.s32 $0xFFFFE003, lr  }
0x1b: {  	s9 =	sadd.s32 $0xFFFFFEF7, lr;
	s5 =	simm.s32 $0xFFFFFFFF;
	p2 =	slt.u32 s8, $0xFFFFF086  }
0x1c: {  	p1 =	slt.u32 s9, $0xF7A;
	s5 =	simm.s32 @!p2 $0x0  }
0x1d: {  	s5 =	simm.s32 @p1 $0x1;
	p0 =	seq.s32 s7, s2  }
0x1e: {  	s7 =	smul.u32 @!p0 $0xF7A, s2;
	p2 =	seq.s32 @!p0 s5, $0x0  }
0x1f: {  	s9 =	smul.u32 $0xF7A, s1;
	s8 =	simm.s32 @!p0 $0x1BF5;
	p2 =	por !p2, p0  }
0x20: {  	[sflag:s8] =	ssyncset.s32 @!p0 $0xFFFFF086;
	s6 =	sadd.s32 @!p0 s3, s7;
	s7 =	simm.s32 @!p0 $0x108  }
0x21: {  	s3 =	sadd.s32 s3, s9;
	s6 =	sadd.s32 @!p0 $0x88, s6;
	s7 =	simm.s32 @p2 $0x1082  }
0x22: {  	[simem:s7], [sflag:s8] =	dma.local @!p0 [hbm:s6], $0xF7A  }
0x23: {  	s9 =	sor.u32 $0xD0000000, s2;
	s6 =	simm.s32 $0x108;
	_ =	swait.ge @!p0 [sflag:s8], $0x0  }
0x24: {  	s3 =	sadd.s32 $0x88, s3;
	s6 =	simm.s32 @!p1 $0x1082;
	[sflag:s4] =	ssyncset.s32 $0xFFFFF086  }
0x25: {  	[simem:s6], [sflag:s4] =	dma.local [hbm:s3], $0xF7A  }
0x26: {  	[smem:$0x3F99] =	sst s1;
	(tag) =	ssettag s2;
	_ =	strace s9  }
0x27: {  	s1 =	sld [smem:$0x3FA9]  }
0x28: {  	s2 =	sld [smem:$0x3FAA]  }
0x29: {  	s4 =	sld [smem:$0x3FAC]  }
0x2a: {  	p0 =	seq.s32 s5, $0x0;
	s5 =	sld [smem:$0x3FAD]  }
0x2b: {  	s6 =	sld [smem:$0x3FAE]  }
0x2c: {  	s7 =	sld [smem:$0x3FAF]  }
0x2d: {  	s3 =	simm.s32 $0x108;
	s8 =	sld [smem:$0x3FB0]  }
0x2e: {  	s3 =	simm.s32 @!p0 $0x1082;
	s9 =	sld [smem:$0x3FB1]  }
0x2f: {  	lr =	sadd.s32 s0, s3;
	s0 =	sld [smem:$0x3FA8]  }
0x30: {  	s3 =	sld [smem:$0x3FAB]  }
0x31: {  	[smem:$0x3FB4] =	sst s10  }
0x32: {  	s10 =	sld [smem:$0x3FB2];
	_ =	sdelay $0x3  }
0x33: {  	p0 =	seq.s32 s10, $0x1;
	s10 =	sld [smem:$0x3FB4];
	_ =	sdelay $0x3  }
0x34: {  	[smem:$0x3FB4] =	sst s10  }
0x35: {  	s10 =	sld [smem:$0x3FB3];
	_ =	sdelay $0x3  }
0x36: {  	p1 =	seq.s32 s10, $0x1;
	s10 =	sld [smem:$0x3FB4];
	_ =	sdelay $0x3  }
0x37: {  	[smem:$0x3FB4] =	sst s10  }
0x38: {  	s10 =	sld [smem:$0x3FB5]  }
0x39: {  	_ = 	snop;
	(pc) =	sbr.ind lr, $3  }
0x3a: {  	_ = 	snop  }
0x3b: {  	_ = 	snop  }
0x3c: {  	p2 =	seq.s32 s10, $0x1;
	s10 =	sld [smem:$0x3FB4]  }
0x3d: {  	_ =	shalt  }
0x3e: {  	_ =	shalt  }
0x3f: {  	_ =	shalt  }
0x40: {  	_ =	shalt  }
0x41: {  	_ =	shalt  }
0x42: {  	_ =	shalt  }
0x43: {  	_ =	shalt  }
0x44: {  	_ =	shalt  }
0x45: {  	_ =	shalt  }
0x46: {  	_ =	shalt  }
0x47: {  	_ =	shalt  }
0x48: {  	_ =	shalt  }
0x49: {  	_ =	shalt  }
0x4a: {  	_ =	shalt  }
0x4b: {  	_ =	shalt  }
0x4c: {  	_ =	shalt  }
0x4d: {  	_ =	shalt  }
0x4e: {  	_ =	shalt  }
0x4f: {  	_ =	shalt  }
0x50: {  	_ =	shalt  }
0x51: {  	_ =	shalt  }
0x52: {  	_ =	shalt  }
0x53: {  	_ =	shalt  }
0x54: {  	_ =	shalt  }
0x55: {  	_ =	shalt  }
0x56: {  	_ =	shalt  }
0x57: {  	_ =	shalt  }
0x58: {  	_ =	shalt  }
0x59: {  	_ =	shalt  }
0x5a: {  	_ =	shalt  }
0x5b: {  	_ =	shalt  }
0x5c: {  	_ =	shalt  }
0x5d: {  	_ =	shalt  }
0x5e: {  	_ =	shalt  }
0x5f: {  	_ =	shalt  }
0x60: {  	_ =	shalt  }
0x61: {  	_ =	shalt  }
0x62: {  	_ =	shalt  }
0x63: {  	_ =	shalt  }
0x64: {  	_ =	shalt  }
0x65: {  	_ =	shalt  }
0x66: {  	_ =	shalt  }
0x67: {  	_ =	shalt  }
0x68: {  	_ =	shalt  }
0x69: {  	_ =	shalt  }
0x6a: {  	_ =	shalt  }
0x6b: {  	_ =	shalt  }
0x6c: {  	_ =	shalt  }
0x6d: {  	_ =	shalt  }
0x6e: {  	_ =	shalt  }
0x6f: {  	_ =	shalt  }
0x70: {  	_ =	shalt  }
0x71: {  	_ =	shalt  }
0x72: {  	_ =	shalt  }
0x73: {  	_ =	shalt  }
0x74: {  	_ =	shalt  }
0x75: {  	_ =	shalt  }
0x76: {  	_ =	shalt  }
0x77: {  	_ =	shalt  }
0x78: {  	_ =	shalt  }
0x79: {  	_ =	shalt  }
0x7a: {  	_ =	shalt  }
0x7b: {  	_ =	shalt  }
0x7c: {  	_ =	shalt  }
0x7d: {  	_ =	shalt  }
0x7e: {  	_ =	shalt  }
0x7f: {  	_ =	shalt  }
0x80: {  	_ =	shalt  }
0x81: {  	_ =	shalt  }
0x82: {  	_ =	shalt  }
0x83: {  	_ =	shalt  }
0x84: {  	_ =	shalt  }
0x85: {  	_ =	shalt  }
0x86: {  	_ =	shalt  }
0x87: {  	_ =	shalt  }
.Lfunc_end0:
.L_simem_size_0:
called_computation.2_lowered:
.L_overlay_start_0:
0x88: {  	s2 =	sld [smem:$0x3FD9]  }
0x89: {  	s3 =	sld [smem:$0x3FFE];
	_ =	sdelay $0x1  }
0x8a: {  	s1 =	srdreg.scid  }
0x8b: {  	s0 =	sand.u32 $0x1, s1  }
0x8c: {  	s16 =	sshll.u32 s0, $0xA;
	s2 =	sadd.s32 s3, s2  }
0x8d: {  	s2 =	sadd.s32 s2, s16  }
0x8e: {  	[smem:$0x3FC0] =	sst s2  }
0x8f: {  	_ = 	snop  }
0x90: {  	(tm) =	ssettm $0x1  }
0x91: {  	s17 =	sld [smem:$0x3FFB];
	_ =	sdelay $0x3  }
0x92: {  	_ =	strace s17  }
0x93: {  	s2 =	sld [smem:$0x3FFC];
	_ =	sdelay $0x3  }
0x94: {  	_ =	strace s2  }
0x95: {  	s2 =	sld [smem:$0x3FFD];
	_ =	sdelay $0x3  }
0x96: {  	_ =	strace s2  }
0x97: {  	_ =	strace $0x8FFFFFFF  }
0x98: {  	s18 =	sld [smem:$0x3FDB];
	_ =	sdelay $0x1  }
0x99: {  	s19 =	simm.s32 $_scs_section_size  }
0x9a: {  	s4 =	simm.s32 $_size__tile_overlayer_lowered;
	s5 =	simm.s32 $_tile_overlayer_lowered  }
0x9b: {  	s22 =	simm.s32 $0x1BFF;
	s21 =	sshll.u32 s5, $0x1;
	s2 =	sadd.s32 s19, s18  }
0x9c: {  	s6 =	simm.s32 $0x0;
	s20 =	sshll.u32 s4, $0x1;
	s4 =	sadd.s32 s21, s2  }
0x9d: {  	[timem:s6], [sflag:s22] =	dma.local [hbm:s4], s20  }
0x9e: {  	_ =	swait.ge [sflag:s22], s20  }
0x9f: {  	s3 =	ssub.s32 $0x0, s20;
	[sflag:s22] =	ssyncset.done $0x0  }
0xa0: {  	[sflag:s22] =	ssyncadd.s32 s3;
	_ =	sdelay $0x1  }
0xa1: {  	s23 =	simm.s32 $0x1B8B  }
0xa2: {  	_ =	swait.ge [sflag:s23], $0x1  }
0xa3: {  	[sflag:s23] =	ssyncset.done $0x0  }
0xa4: {  	s25 =	simm.s32 $0x1B8E;
	s24 =	sld [smem:$0x3FFE];
	[sflag:s23] =	ssyncadd.s32 $0xFFFFFFFF  }
0xa5: {  	s26 =	simm.s32 $execute0_lowered;
	[smem:$0x3FD2] =	sst s25  }
0xa6: {  	s4 =	sshll.u32 s26, $0x1;
	_ =	strace $0x8000004C;
	[dreg:$0x1] =	wrdreg $0xFFFFFFFF  }
0xa7: {  	s28 =	simm.s32 $_size_execute0_lowered;
	s2 =	sadd.s32 s2, s4;
	[dreg:$0x0] =	wrdreg $0x0  }
0xa8: {  	s4 =	sshll.u32 s28, $0x1;
	[dreg:$0x2] =	wrdreg s2  }
0xa9: {  	[dreg:$0x3] =	wrdreg s4  }
0xaa: {  	[dreg:$0x4] =	wrdreg $0xC0  }
0xab: {  	_ =	task [dreg:s6], $0x5FFFF  }
0xac: {  	[dreg:$0x1] =	wrdreg $0xFFFFFFFF  }
0xad: {  	[dreg:$0x0] =	wrdreg $0x60  }
0xae: {  	[dreg:$0x2] =	wrdreg s24  }
0xaf: {  	[dreg:$0x3] =	wrdreg $0xA8000  }
0xb0: {  	[dreg:$0x4] =	wrdreg $0x9  }
0xb1: {  	_ =	task.clear_ibuf [dreg:s6], $0x5FFFF;
	_ =	strace $0x9000004C  }
0xb2: {  	s29 =	simm.s32 $0x9;
	_ =	strace $0x8000004E  }
0xb3: {  	_ =	swait.ge [sflag:s29], $0x1  }
0xb4: {  	[sflag:s29] =	ssyncadd.s32 $0xFFFFFFFF  }
0xb5: {  	_ =	strace $0x9000004E  }
0xb6: {  	_ =	sfence  }
0xb7: {  	s30 =	sld [smem:$0x0];
	_ =	sdelay $0x2  }
0xb8: {  	s31 =	sshll.u32 s1, $0xD;
	s1 =	sshrl.u32 s1, $0x2  }
0xb9: {  	s3 =	sand.u32 $0x4000, s31;
	s1 =	sadd.s32 s1, s30  }
0xba: {  	s0 =	sor.u32 s3, s0;
	s1 =	sshll.u32 s1, $0x11  }
0xbb: {  	s0 =	sor.u32 s1, s0  }
0xbc: {  	s0 =	sadd.s32 $0x8F2B, s0  }
0xbd: {  	[sflag:s0] =	ssyncadd.remote.s32 $0x1  }
0xbe: {  	_ =	sfence.sel $0xFFFF  }
0xbf: {  	[dreg:$0x0] =	wrdreg $0xFFFFFFFF;
	(pc) =	sbr.abs _section_cstart, $3  }
0xc0: {  	[dreg:$0x1] =	wrdreg $0xFFFFFFFF  }
0xc1: {  	_ =	task.clear_ibuf [dreg:s6], $0x2FFFF;
	_ =	strace $0x9FFFFFFF  }
0xc2: {  	(tm) =	ssettm $0x7FFFFFFF  }
0xc3: {  	_ =	shalt  }
tec
execute0_lowered:
.L_overlay_start_1:
0x0: {  	(tag) =	ssettag $0x1  }
0x1: {  	s6 =	rddreg [dreg:$0x0]  }
0x2: {  	s1 =	rddreg [dreg:$0x1];
	s2 =	srdreg.scid  }
0x3: {  	s3 =	simm.s32 $0x0;
	s18 =	simm.s32 $0x1400;
	s19 =	simm.s32 $0x80  }
0x4: {  	s20 =	simm.s32 $0x6800;
	s21 =	simm.s32 $0x1;
	s22 =	simm.s32 $0x2  }
0x5: {  	s23 =	simm.s32 $0x1380;
	s24 =	simm.s32 $0x2700;
	s25 =	simm.s32 $0x2780  }
0x6: {  	s26 =	simm.s32 $0x0;
	s8 =	sand.u32 $0x1, s2;
	s2 =	stileid.u32  }
0x7: {  	[smem:$0x7FF] =	sst s3;
	s4 =	sadd.s32 $0x3FA00, s6;
	s5 =	smul.u32 $0x140000, s8  }
0x8: {  	s14 =	sadd.s32 $0x4800, s6;
	s15 =	sadd.s32 $0xE800, s6;
	s7 =	smul.u32 $0x14000, s2  }
0x9: {  	_ =	strace $0x8000004D;
	s9 =	smul.u32 $0x50000, s2;
	s10 =	ssub.s32 $0x2, s8  }
0xa: {  	s11 =	smul.u32 $0x500, s2;
	p0 =	seq.s32 s8, $0x0;
	s31 =	sshrl.u32 s10, $0x1  }
0xb: {  	s5 =	sadd.s32 s7, s5;
	s30 =	sshrl.u32 s9, $0x2;
	s13 =	ssub.s32 s10, s31  }
0xc: {  	s16 =	sadd.s32 $0x5000, s11;
	s7 =	sshrl.u32 s5, $0x3;
	s5 =	sadd.s32 s30, s1  }
0xd: {  	s16 =	smov.u32 @p0 s11;
	s11 =	smax.u32 s13, $0x1;
	s12 =	sadd.s32 s7, s6  }
0xe: {  	s6 =	sadd.s32 $0x4000, s5;
	s7 =	sadd.s32 $0x8000, s5;
	s8 =	sadd.s32 $0xC000, s5  }
0xf: {  	s9 =	sadd.s32 $0x10000, s5;
	s17 =	sadd.s32 $0x280, s16;
	s13 =	sadd.s32 s15, s16  }
0x10: {  	s10 =	sadd.s32 $0x66C00, s12;
	s12 =	sadd.s32 s14, s16;
	s14 =	sadd.s32 s14, s17  }
0x11: {  	v0 =	vimm.f32 $0.0e+00;
	s15 =	sadd.s32 s15, s17;
	s16 =	simm.s32 $0x2800;
	s17 =	simm.s32 $0x3  }
.LBB2_1:
0x12: {  	s28 =	sand.u32 $0xFE00, s3  }
0x13: {  	s29 =	sand.u32 $0x70, s3;
	s30 =	sshrl.u32 s28, $0x2  }
0x14: {  	s28 =	simm.s32 $0x40;
	s30 =	sor.u32 s29, s30;
	s29 =	simm.s32 $0x0  }
.LBB2_2:
0x15: {  	p0 =	sne.s32 s28, $0xFFC0  }
0x16: {  	[tilespmem:s30+$0x2800] =	vst v0;
	s29 =	sadd.s32 $0x10, s29;
	s30 =	smov.u32 s28;
	s28 =	sadd.s32 $0x40, s28  }
.Ltmp0:
0x17: {  	(pc) =	sbr.rel @p0 .LBB2_2-.Ltmp0, $4  }
0x18: {  	_ = 	snop  }
0x19: {  	s30 =	sand.u32 $0xFE00, s30  }
0x1a: {  	s31 =	sand.u32 $0x70, s29;
	s30 =	sshrl.u32 s30, $0x2  }
0x1b: {  	s30 =	sor.u32 s31, s30  }
0x1c: {  	[tilespmem:s30+$0x2800] =	vst v0  }
0x1d: {  	[spmem:s5] =	stream.linear.scatter [tilespmem:s16], [sflag:$0x3], $0x4000, $0x38;
	[tilespmem:$0x1E800] =	vst v63  }
0x1e: {  	_ =	swait.ge [sflag:s17], $0x4000  }
0x1f: {  	[sflag:s17] =	ssyncset.done $0x0  }
0x20: {  	[sflag:s17] =	ssyncadd.s32 $0xFFFFC000  }
0x21: {  	[spmem:s6] =	stream.linear.scatter [tilespmem:s16], [sflag:$0x3], $0x4000, $0x38;
	[tilespmem:$0x1E800] =	vst v63  }
0x22: {  	_ =	swait.ge [sflag:s17], $0x4000  }
0x23: {  	[sflag:s17] =	ssyncset.done $0x0  }
0x24: {  	[sflag:s17] =	ssyncadd.s32 $0xFFFFC000  }
0x25: {  	[spmem:s7] =	stream.linear.scatter [tilespmem:s16], [sflag:$0x3], $0x4000, $0x38;
	[tilespmem:$0x1E800] =	vst v63  }
0x26: {  	_ =	swait.ge [sflag:s17], $0x4000  }
0x27: {  	[sflag:s17] =	ssyncset.done $0x0  }
0x28: {  	[sflag:s17] =	ssyncadd.s32 $0xFFFFC000  }
0x29: {  	[spmem:s8] =	stream.linear.scatter [tilespmem:s16], [sflag:$0x3], $0x4000, $0x38;
	[tilespmem:$0x1E800] =	vst v63  }
0x2a: {  	_ =	swait.ge [sflag:s17], $0x4000  }
0x2b: {  	[sflag:s17] =	ssyncset.done $0x0  }
0x2c: {  	[sflag:s17] =	ssyncadd.s32 $0xFFFFC000  }
0x2d: {  	[spmem:s9] =	stream.linear.scatter [tilespmem:s16], [sflag:$0x3], $0x4000, $0x38;
	[tilespmem:$0x1E800] =	vst v63  }
0x2e: {  	_ =	swait.ge [sflag:s17], $0x4000  }
0x2f: {  	[sflag:s17] =	ssyncset.done $0x0  }
0x30: {  	[sflag:s17] =	ssyncadd.s32 $0xFFFFC000  }
0x31: {  	s28 =	simm.s32 $0x0;
	[bflag:$0x0] =	sbarrier.arrive $0xFFFF  }
0x32: {  	[tilespmem:s28], [sflag:$0x3] =	stream.linear.gather [hbm4b:s12+s28], $0x1400, $0x38;
	[tilespmem:$0x1E800] =	vst v63  }
0x33: {  	_ =	swait.ge [sflag:s17], $0x1400  }
0x34: {  	[sflag:s17] =	ssyncset.done $0x0  }
0x35: {  	[sflag:s17] =	ssyncadd.s32 $0xFFFFEC00  }
0x36: {  	[tilespmem:s18], [sflag:$0x3] =	stream.linear.gather [hbm4b:s13+s28], $0x1400, $0x38;
	[tilespmem:$0x1E800] =	vst v63  }
0x37: {  	_ =	swait.ge [sflag:s17], $0x1400  }
0x38: {  	[sflag:s17] =	ssyncset.done $0x0  }
0x39: {  	[sflag:s17] =	ssyncadd.s32 $0xFFFFEC00  }
0x3a: {  	[tilespmem:s16], [sflag:$0x1] =	stream.indirect.gather [hbm4b:s4+s19], $0x80, s28, s19, $0xb8;
	[tilespmem:$0x1E800] =	vst v63  }
0x3b: {  	s28 =	simm.s32 $0x80  }
0x3c: {  	[tilespmem:s20], [sflag:$0x2] =	stream.indirect.gather [hbm4b:s4+s19], $0x80, s28, s19, $0xb8;
	[tilespmem:$0x1E800] =	vst v63  }
0x3d: {  	_ =	swait.ge [sflag:s21], $0x4000  }
0x3e: {  	[sflag:s21] =	ssyncset.done $0x0  }
0x3f: {  	s28 =	simm.s32 $0x1400;
	[sflag:s21] =	ssyncadd.s32 $0xFFFFC000  }
0x40: {  	[spmem:s1] =	stream.indirect.scatter.add.f32 [tilespmem:s16], [sflag:$0x3], $0x80, s28, s19, $0xb8;
	[tilespmem:$0x1E800] =	vst v63  }
0x41: {  	_ =	swait.ge [sflag:s17], $0x4000  }
0x42: {  	[sflag:s17] =	ssyncset.done $0x0  }
0x43: {  	s28 =	simm.s32 $0x100;
	[sflag:s17] =	ssyncadd.s32 $0xFFFFC000  }
0x44: {  	[tilespmem:s16], [sflag:$0x1] =	stream.indirect.gather [hbm4b:s4+s19], $0x80, s28, s19, $0xb8;
	[tilespmem:$0x1E800] =	vst v63  }
0x45: {  	_ =	swait.ge [sflag:s22], $0x4000  }
0x46: {  	[sflag:s22] =	ssyncset.done $0x0  }
0x47: {  	s28 =	simm.s32 $0x1480;
	[sflag:s22] =	ssyncadd.s32 $0xFFFFC000  }
0x48: {  	[spmem:s1] =	stream.indirect.scatter.add.f32 [tilespmem:s20], [sflag:$0x3], $0x80, s28, s19, $0xb8;
	[tilespmem:$0x1E800] =	vst v63  }
0x49: {  	_ =	swait.ge [sflag:s17], $0x4000  }
0x4a: {  	s29 =	simm.s32 $0x800;
	s28 =	simm.s32 $0x100;
	[sflag:s17] =	ssyncset.done $0x0  }
.LBB2_4:
0x4b: {  	s30 =	sadd.s32 $0x80, s28  }
0x4c: {  	[sflag:s17] =	ssyncadd.s32 $0xFFFFC000;
	s31 =	smov.u32 s29;
	s0 =	sadd.s32 $0x400, s29  }
0x4d: {  	[tilespmem:s20], [sflag:$0x2] =	stream.indirect.gather [hbm4b:s4+s19], $0x80, s30, s19, $0xb8;
	[tilespmem:$0x1E800] =	vst v63  }
0x4e: {  	p0 =	sne.s32 s29, $0x4800;
	_ =	swait.ge [sflag:s21], $0x4000  }
0x4f: {  	[sflag:s21] =	ssyncset.done $0x0  }
0x50: {  	s29 =	sadd.s32 $0x1400, s28;
	[sflag:s21] =	ssyncadd.s32 $0xFFFFC000  }
0x51: {  	[spmem:s1] =	stream.indirect.scatter.add.f32 [tilespmem:s16], [sflag:$0x3], $0x80, s29, s19, $0xb8;
	[tilespmem:$0x1E800] =	vst v63  }
0x52: {  	_ =	swait.ge [sflag:s17], $0x4000  }
0x53: {  	[sflag:s17] =	ssyncset.done $0x0  }
0x54: {  	s29 =	sadd.s32 $0x100, s28;
	[sflag:s17] =	ssyncadd.s32 $0xFFFFC000  }
0x55: {  	[tilespmem:s16], [sflag:$0x1] =	stream.indirect.gather [hbm4b:s4+s19], $0x80, s29, s19, $0xb8;
	[tilespmem:$0x1E800] =	vst v63  }
0x56: {  	_ =	swait.ge [sflag:s22], $0x4000  }
.Ltmp1:
0x57: {  	[sflag:s22] =	ssyncset.done $0x0;
	(pc) =	sbr.rel @p0 .LBB2_4-.Ltmp1, $4  }
0x58: {  	s28 =	sadd.s32 $0x1480, s28;
	[sflag:s22] =	ssyncadd.s32 $0xFFFFC000  }
0x59: {  	[spmem:s1] =	stream.indirect.scatter.add.f32 [tilespmem:s20], [sflag:$0x3], $0x80, s28, s19, $0xb8;
	[tilespmem:$0x1E800] =	vst v63  }
0x5a: {  	_ =	swait.ge [sflag:s17], $0x4000  }
0x5b: {  	s29 =	smov.u32 s0;
	s28 =	sshra.s32 s31, $0x2;
	[sflag:s17] =	ssyncset.done $0x0  }
0x5c: {  	s0 =	sadd.s32 $0x80, s28;
	[sflag:s17] =	ssyncadd.s32 $0xFFFFC000  }
0x5d: {  	[tilespmem:s20], [sflag:$0x2] =	stream.indirect.gather [hbm4b:s4+s19], $0x80, s0, s19, $0xb8;
	[tilespmem:$0x1E800] =	vst v63  }
0x5e: {  	_ =	swait.ge [sflag:s21], $0x4000  }
0x5f: {  	[sflag:s21] =	ssyncset.done $0x0  }
0x60: {  	s30 =	sadd.s32 $0x1400, s28;
	[sflag:s21] =	ssyncadd.s32 $0xFFFFC000  }
0x61: {  	[spmem:s1] =	stream.indirect.scatter.add.f32 [tilespmem:s16], [sflag:$0x3], $0x80, s30, s19, $0xb8;
	[tilespmem:$0x1E800] =	vst v63  }
0x62: {  	_ =	swait.ge [sflag:s17], $0x4000  }
0x63: {  	[sflag:s17] =	ssyncset.done $0x0  }
0x64: {  	s31 =	sadd.s32 $0x100, s28;
	[sflag:s17] =	ssyncadd.s32 $0xFFFFC000  }
0x65: {  	[tilespmem:s16], [sflag:$0x1] =	stream.indirect.gather [hbm4b:s4+s19], $0x80, s31, s19, $0xb8;
	[tilespmem:$0x1E800] =	vst v63  }
0x66: {  	_ =	swait.ge [sflag:s22], $0x4000  }
0x67: {  	[sflag:s22] =	ssyncset.done $0x0  }
0x68: {  	s30 =	sadd.s32 $0x1480, s28;
	[sflag:s22] =	ssyncadd.s32 $0xFFFFC000  }
0x69: {  	[spmem:s1] =	stream.indirect.scatter.add.f32 [tilespmem:s20], [sflag:$0x3], $0x80, s30, s19, $0xb8;
	[tilespmem:$0x1E800] =	vst v63  }
0x6a: {  	_ =	swait.ge [sflag:s17], $0x4000  }
0x6b: {  	[sflag:s17] =	ssyncset.done $0x0  }
0x6c: {  	[sflag:s17] =	ssyncadd.s32 $0xFFFFC000  }
0x6d: {  	[tilespmem:s20], [sflag:$0x2] =	stream.indirect.gather [hbm4b:s4+s19], $0x80, s23, s19, $0xb8;
	[tilespmem:$0x1E800] =	vst v63  }
0x6e: {  	_ =	swait.ge [sflag:s21], $0x4000  }
0x6f: {  	[sflag:s21] =	ssyncset.done $0x0  }
0x70: {  	[sflag:s21] =	ssyncadd.s32 $0xFFFFC000  }
0x71: {  	[spmem:s1] =	stream.indirect.scatter.add.f32 [tilespmem:s16], [sflag:$0x3], $0x80, s24, s19, $0xb8;
	[tilespmem:$0x1E800] =	vst v63  }
0x72: {  	_ =	swait.ge [sflag:s17], $0x4000  }
0x73: {  	[sflag:s17] =	ssyncset.done $0x0  }
0x74: {  	[sflag:s17] =	ssyncadd.s32 $0xFFFFC000  }
0x75: {  	_ =	swait.ge [sflag:s22], $0x4000  }
0x76: {  	[sflag:s22] =	ssyncset.done $0x0  }
0x77: {  	[sflag:s22] =	ssyncadd.s32 $0xFFFFC000  }
0x78: {  	[spmem:s1] =	stream.indirect.scatter.add.f32 [tilespmem:s20], [sflag:$0x3], $0x80, s25, s19, $0xb8;
	[tilespmem:$0x1E800] =	vst v63  }
0x79: {  	_ =	swait.ge [sflag:s17], $0x4000  }
0x7a: {  	[sflag:s17] =	ssyncset.done $0x0  }
0x7b: {  	s31 =	simm.s32 $0x0;
	[sflag:s17] =	ssyncadd.s32 $0xFFFFC000  }
0x7c: {  	[tilespmem:s31], [sflag:$0x3] =	stream.linear.gather [hbm4b:s14+s31], $0x1400, $0x38;
	[tilespmem:$0x1E800] =	vst v63  }
0x7d: {  	_ =	swait.ge [sflag:s17], $0x1400  }
0x7e: {  	[sflag:s17] =	ssyncset.done $0x0  }
0x7f: {  	[sflag:s17] =	ssyncadd.s32 $0xFFFFEC00  }
0x80: {  	[tilespmem:s18], [sflag:$0x3] =	stream.linear.gather [hbm4b:s15+s31], $0x1400, $0x38;
	[tilespmem:$0x1E800] =	vst v63  }
0x81: {  	_ =	swait.ge [sflag:s17], $0x1400  }
0x82: {  	[sflag:s17] =	ssyncset.done $0x0  }
0x83: {  	[sflag:s17] =	ssyncadd.s32 $0xFFFFEC00  }
0x84: {  	[tilespmem:s16], [sflag:$0x1] =	stream.indirect.gather [hbm4b:s4+s19], $0x80, s31, s19, $0xb8;
	[tilespmem:$0x1E800] =	vst v63  }
0x85: {  	s30 =	simm.s32 $0x80  }
0x86: {  	[tilespmem:s20], [sflag:$0x2] =	stream.indirect.gather [hbm4b:s4+s19], $0x80, s30, s19, $0xb8;
	[tilespmem:$0x1E800] =	vst v63  }
0x87: {  	_ =	swait.ge [sflag:s21], $0x4000  }
0x88: {  	[sflag:s21] =	ssyncset.done $0x0  }
0x89: {  	s31 =	simm.s32 $0x1400;
	[sflag:s21] =	ssyncadd.s32 $0xFFFFC000  }
0x8a: {  	[spmem:s1] =	stream.indirect.scatter.add.f32 [tilespmem:s16], [sflag:$0x3], $0x80, s31, s19, $0xb8;
	[tilespmem:$0x1E800] =	vst v63  }
0x8b: {  	_ =	swait.ge [sflag:s17], $0x4000  }
0x8c: {  	[sflag:s17] =	ssyncset.done $0x0  }
0x8d: {  	s30 =	simm.s32 $0x100;
	[sflag:s17] =	ssyncadd.s32 $0xFFFFC000  }
0x8e: {  	[tilespmem:s16], [sflag:$0x1] =	stream.indirect.gather [hbm4b:s4+s19], $0x80, s30, s19, $0xb8;
	[tilespmem:$0x1E800] =	vst v63  }
0x8f: {  	_ =	swait.ge [sflag:s22], $0x4000  }
0x90: {  	[sflag:s22] =	ssyncset.done $0x0  }
0x91: {  	s31 =	simm.s32 $0x1480;
	[sflag:s22] =	ssyncadd.s32 $0xFFFFC000  }
0x92: {  	[spmem:s1] =	stream.indirect.scatter.add.f32 [tilespmem:s20], [sflag:$0x3], $0x80, s31, s19, $0xb8;
	[tilespmem:$0x1E800] =	vst v63  }
0x93: {  	_ =	swait.ge [sflag:s17], $0x4000  }
0x94: {  	s29 =	simm.s32 $0x800;
	s28 =	simm.s32 $0x100;
	[sflag:s17] =	ssyncset.done $0x0  }
.LBB2_6:
0x95: {  	s0 =	sadd.s32 $0x80, s28  }
0x96: {  	[sflag:s17] =	ssyncadd.s32 $0xFFFFC000;
	s30 =	smov.u32 s29;
	s31 =	sadd.s32 $0x400, s29  }
0x97: {  	[tilespmem:s20], [sflag:$0x2] =	stream.indirect.gather [hbm4b:s4+s19], $0x80, s0, s19, $0xb8;
	[tilespmem:$0x1E800] =	vst v63  }
0x98: {  	p0 =	sne.s32 s29, $0x4800;
	_ =	swait.ge [sflag:s21], $0x4000  }
0x99: {  	[sflag:s21] =	ssyncset.done $0x0  }
0x9a: {  	s0 =	sadd.s32 $0x1400, s28;
	[sflag:s21] =	ssyncadd.s32 $0xFFFFC000  }
0x9b: {  	[spmem:s1] =	stream.indirect.scatter.add.f32 [tilespmem:s16], [sflag:$0x3], $0x80, s0, s19, $0xb8;
	[tilespmem:$0x1E800] =	vst v63  }
0x9c: {  	_ =	swait.ge [sflag:s17], $0x4000  }
0x9d: {  	[sflag:s17] =	ssyncset.done $0x0  }
0x9e: {  	s0 =	sadd.s32 $0x100, s28;
	[sflag:s17] =	ssyncadd.s32 $0xFFFFC000  }
0x9f: {  	[tilespmem:s16], [sflag:$0x1] =	stream.indirect.gather [hbm4b:s4+s19], $0x80, s0, s19, $0xb8;
	[tilespmem:$0x1E800] =	vst v63  }
0xa0: {  	_ =	swait.ge [sflag:s22], $0x4000  }
.Ltmp2:
0xa1: {  	[sflag:s22] =	ssyncset.done $0x0;
	(pc) =	sbr.rel @p0 .LBB2_6-.Ltmp2, $4  }
0xa2: {  	s0 =	sadd.s32 $0x1480, s28;
	[sflag:s22] =	ssyncadd.s32 $0xFFFFC000  }
0xa3: {  	[spmem:s1] =	stream.indirect.scatter.add.f32 [tilespmem:s20], [sflag:$0x3], $0x80, s0, s19, $0xb8;
	[tilespmem:$0x1E800] =	vst v63  }
0xa4: {  	_ =	swait.ge [sflag:s17], $0x4000  }
0xa5: {  	s29 =	smov.u32 s31;
	s28 =	sshra.s32 s30, $0x2;
	[sflag:s17] =	ssyncset.done $0x0  }
0xa6: {  	s0 =	sadd.s32 $0x80, s28;
	[sflag:s17] =	ssyncadd.s32 $0xFFFFC000  }
0xa7: {  	[tilespmem:s20], [sflag:$0x2] =	stream.indirect.gather [hbm4b:s4+s19], $0x80, s0, s19, $0xb8;
	[tilespmem:$0x1E800] =	vst v63  }
0xa8: {  	_ =	swait.ge [sflag:s21], $0x4000  }
0xa9: {  	[sflag:s21] =	ssyncset.done $0x0  }
0xaa: {  	s30 =	sadd.s32 $0x1400, s28;
	[sflag:s21] =	ssyncadd.s32 $0xFFFFC000  }
0xab: {  	[spmem:s1] =	stream.indirect.scatter.add.f32 [tilespmem:s16], [sflag:$0x3], $0x80, s30, s19, $0xb8;
	[tilespmem:$0x1E800] =	vst v63  }
0xac: {  	_ =	swait.ge [sflag:s17], $0x4000  }
0xad: {  	[sflag:s17] =	ssyncset.done $0x0  }
0xae: {  	s31 =	sadd.s32 $0x100, s28;
	[sflag:s17] =	ssyncadd.s32 $0xFFFFC000  }
0xaf: {  	[tilespmem:s16], [sflag:$0x1] =	stream.indirect.gather [hbm4b:s4+s19], $0x80, s31, s19, $0xb8;
	[tilespmem:$0x1E800] =	vst v63  }
0xb0: {  	_ =	swait.ge [sflag:s22], $0x4000  }
0xb1: {  	[sflag:s22] =	ssyncset.done $0x0  }
0xb2: {  	s29 =	sadd.s32 $0x1480, s28;
	[sflag:s22] =	ssyncadd.s32 $0xFFFFC000  }
0xb3: {  	[spmem:s1] =	stream.indirect.scatter.add.f32 [tilespmem:s20], [sflag:$0x3], $0x80, s29, s19, $0xb8;
	[tilespmem:$0x1E800] =	vst v63  }
0xb4: {  	_ =	swait.ge [sflag:s17], $0x4000  }
0xb5: {  	[sflag:s17] =	ssyncset.done $0x0  }
0xb6: {  	[sflag:s17] =	ssyncadd.s32 $0xFFFFC000  }
0xb7: {  	[tilespmem:s20], [sflag:$0x2] =	stream.indirect.gather [hbm4b:s4+s19], $0x80, s23, s19, $0xb8;
	[tilespmem:$0x1E800] =	vst v63  }
0xb8: {  	_ =	swait.ge [sflag:s21], $0x4000  }
0xb9: {  	[sflag:s21] =	ssyncset.done $0x0  }
0xba: {  	[sflag:s21] =	ssyncadd.s32 $0xFFFFC000  }
0xbb: {  	[spmem:s1] =	stream.indirect.scatter.add.f32 [tilespmem:s16], [sflag:$0x3], $0x80, s24, s19, $0xb8;
	[tilespmem:$0x1E800] =	vst v63  }
0xbc: {  	_ =	swait.ge [sflag:s17], $0x4000  }
0xbd: {  	[sflag:s17] =	ssyncset.done $0x0  }
0xbe: {  	[sflag:s17] =	ssyncadd.s32 $0xFFFFC000  }
0xbf: {  	_ =	swait.ge [sflag:s22], $0x4000  }
0xc0: {  	[sflag:s22] =	ssyncset.done $0x0  }
0xc1: {  	[sflag:s22] =	ssyncadd.s32 $0xFFFFC000  }
0xc2: {  	[spmem:s1] =	stream.indirect.scatter.add.f32 [tilespmem:s20], [sflag:$0x3], $0x80, s25, s19, $0xb8;
	[tilespmem:$0x1E800] =	vst v63  }
0xc3: {  	_ =	swait.ge [sflag:s17], $0x4000  }
0xc4: {  	s26 =	sadd.s32 $0x1, s26;
	s30 =	sshll.u32 s2, $0x6;
	[sflag:s17] =	ssyncset.done $0x0  }
0xc5: {  	p0 =	sne.s32 s26, s11;
	s0 =	sor.u32 $0x1C03, s30;
	[sflag:s17] =	ssyncadd.s32 $0xFFFFC000  }
.Ltmp3:
0xc6: {  	s31 =	sshrl.u32 s5, $0x3;
	[bflag:$0x0] =	sbarrier.arrive $0xFFFF;
	(pc) =	sbr.rel @p0 .LBB2_1-.Ltmp3, $4  }
0xc7: {  	[hbm:s10], [sflag:s0] =	dma.local [spmem:s31], $0x2800  }
0xc8: {  	_ =	swait.ge [sflag:s17], $0x2800  }
0xc9: {  	[sflag:s17] =	ssyncset.done $0x0  }
0xca: {  	[sflag:s17] =	ssyncadd.s32 $0xFFFFD800  }
0xcb: {  	_ =	sfence.sel $0x180000  }
0xcc: {  	[bflag:$0x0] =	sbarrier.arrive $0xFFFF  }
0xcd: {  	_ =	strace $0x9000004D  }
0xce: {  	[bflag:$0x2] =	sbarrier.arrive $0xFFFF  }
0xcf: {  	p0 =	sne.s32 s2, $0x0;
	s0 =	rddreg [dreg:$0x2]  }
0xd0: {  	s0 =	sadd.s32 @!p0 $0x100000, s0  }
0xd1: {  	[sflag:s0] =	ssyncadd.tile.s32 @!p0 $0x1;
	_ =	shalt  }
.Lfunc_end2:
_tile_overlayer_lowered:
.L_overlay_start_2:
0xd2: {  	(tag) =	ssettag $0x2  }
0xd3: {  	s0 =	rddreg [dreg:$0x0];
	s2 =	stileid.u32  }
0xd4: {  	s1 =	rddreg [dreg:$0x1];
	p0 =	sne.s32 s2, $0x0  }
0xd5: {  	s3 =	rddreg [dreg:$0x2];
	[bflag:$0x3] =	sbarrier.arrive $0xFFFF;
	s2 =	simm.s32 @!p0 $0x1C03  }
0xd6: {  	[timem:s3], [sflag:s2] =	dma.local @!p0 [hbm:s0], s1  }
0xd7: {  	s0 =	simm.s32 @!p0 $0x3  }
0xd8: {  	_ =	swait.ge @!p0 [sflag:s0], s1  }
0xd9: {  	s1 =	ssub.s32 @!p0 $0x0, s1;
	[sflag:s0] =	ssyncset.done @!p0 $0x0  }
0xda: {  	[sflag:s0] =	ssyncadd.s32 @!p0 s1  }
0xdb: {  	[bflag:$0x3] =	sbarrier.arrive $0xFFFF  }
0xdc: {  	_ =	shalt  }

// kernel: kernel.18.cloned.1.call-start
scs
__scs_entry_jumppad:
0x0: {  	(pc) =	sbr.rel $0x88, $3  }
0x1: {  	(tag) =	ssettag $0x0;
	lr =	simm.s32 $0x1  }
0x2: {  	[smem:$0x3F99] =	sst lr;
	_ =	strace $0xD0000000  }
0x3: {  	_ = 	snop  }
0x4: {  	_ = 	snop  }
0x5: {  	_ = 	snop  }
0x6: {  	_ = 	snop  }
0x7: {  	_ = 	snop  }
__scs_overlays_trampoline_lowered:
0x8: {  	[smem:$0x3FA8] =	sst s0  }
0x9: {  	[smem:$0x3FA9] =	sst s1  }
0xa: {  	[smem:$0x3FAA] =	sst s2  }
0xb: {  	[smem:$0x3FAB] =	sst s3  }
0xc: {  	[smem:$0x3FAC] =	sst s4  }
0xd: {  	[smem:$0x3FAD] =	sst s5  }
0xe: {  	[smem:$0x3FAE] =	sst s6  }
0xf: {  	[smem:$0x3FAF] =	sst s7  }
0x10: {  	[smem:$0x3FB0] =	sst s8  }
0x11: {  	[smem:$0x3FB1] =	sst s9;
	s0 =	simm.s32 @!p0 $0x0  }
0x12: {  	s1 =	sld [smem:$0x3F97];
	s0 =	simm.s32 @p0 $0x1  }
0x13: {  	[smem:$0x3FB2] =	sst s0;
	s0 =	simm.s32 @!p1 $0x0  }
0x14: {  	s2 =	sld [smem:$0x3F96];
	s0 =	simm.s32 @p1 $0x1  }
0x15: {  	[smem:$0x3FB3] =	sst s0;
	s0 =	simm.s32 @!p2 $0x0  }
0x16: {  	s3 =	sld [smem:$0x3FDB];
	s0 =	simm.s32 @p2 $0x1  }
0x17: {  	s4 =	simm.s32 $0x1BF5;
	[smem:$0x3FB5] =	sst s0  }
0x18: {  	s0 =	sld [smem:$0x3F98];
	_ =	swait.ge [sflag:s4], $0x0  }
0x19: {  	s7 =	sld [smem:$0x3F99]  }
0x1a: {  	s8 =	sadd.s32 $0xFFFFE003, lr  }
0x1b: {  	s9 =	sadd.s32 $0xFFFFFEF7, lr;
	s5 =	simm.s32 $0xFFFFFFFF;
	p2 =	slt.u32 s8, $0xFFFFF086  }
0x1c: {  	p1 =	slt.u32 s9, $0xF7A;
	s5 =	simm.s32 @!p2 $0x0  }
0x1d: {  	s5 =	simm.s32 @p1 $0x1;
	p0 =	seq.s32 s7, s2  }
0x1e: {  	s7 =	smul.u32 @!p0 $0xF7A, s2;
	p2 =	seq.s32 @!p0 s5, $0x0  }
0x1f: {  	s9 =	smul.u32 $0xF7A, s1;
	s8 =	simm.s32 @!p0 $0x1BF5;
	p2 =	por !p2, p0  }
0x20: {  	[sflag:s8] =	ssyncset.s32 @!p0 $0xFFFFF086;
	s6 =	sadd.s32 @!p0 s3, s7;
	s7 =	simm.s32 @!p0 $0x108  }
0x21: {  	s3 =	sadd.s32 s3, s9;
	s6 =	sadd.s32 @!p0 $0x88, s6;
	s7 =	simm.s32 @p2 $0x1082  }
0x22: {  	[simem:s7], [sflag:s8] =	dma.local @!p0 [hbm:s6], $0xF7A  }
0x23: {  	s9 =	sor.u32 $0xD0000000, s2;
	s6 =	simm.s32 $0x108;
	_ =	swait.ge @!p0 [sflag:s8], $0x0  }
0x24: {  	s3 =	sadd.s32 $0x88, s3;
	s6 =	simm.s32 @!p1 $0x1082;
	[sflag:s4] =	ssyncset.s32 $0xFFFFF086  }
0x25: {  	[simem:s6], [sflag:s4] =	dma.local [hbm:s3], $0xF7A  }
0x26: {  	[smem:$0x3F99] =	sst s1;
	(tag) =	ssettag s2;
	_ =	strace s9  }
0x27: {  	s1 =	sld [smem:$0x3FA9]  }
0x28: {  	s2 =	sld [smem:$0x3FAA]  }
0x29: {  	s4 =	sld [smem:$0x3FAC]  }
0x2a: {  	p0 =	seq.s32 s5, $0x0;
	s5 =	sld [smem:$0x3FAD]  }
0x2b: {  	s6 =	sld [smem:$0x3FAE]  }
0x2c: {  	s7 =	sld [smem:$0x3FAF]  }
0x2d: {  	s3 =	simm.s32 $0x108;
	s8 =	sld [smem:$0x3FB0]  }
0x2e: {  	s3 =	simm.s32 @!p0 $0x1082;
	s9 =	sld [smem:$0x3FB1]  }
0x2f: {  	lr =	sadd.s32 s0, s3;
	s0 =	sld [smem:$0x3FA8]  }
0x30: {  	s3 =	sld [smem:$0x3FAB]  }
0x31: {  	[smem:$0x3FB4] =	sst s10  }
0x32: {  	s10 =	sld [smem:$0x3FB2];
	_ =	sdelay $0x3  }
0x33: {  	p0 =	seq.s32 s10, $0x1;
	s10 =	sld [smem:$0x3FB4];
	_ =	sdelay $0x3  }
0x34: {  	[smem:$0x3FB4] =	sst s10  }
0x35: {  	s10 =	sld [smem:$0x3FB3];
	_ =	sdelay $0x3  }
0x36: {  	p1 =	seq.s32 s10, $0x1;
	s10 =	sld [smem:$0x3FB4];
	_ =	sdelay $0x3  }
0x37: {  	[smem:$0x3FB4] =	sst s10  }
0x38: {  	s10 =	sld [smem:$0x3FB5]  }
0x39: {  	_ = 	snop;
	(pc) =	sbr.ind lr, $3  }
0x3a: {  	_ = 	snop  }
0x3b: {  	_ = 	snop  }
0x3c: {  	p2 =	seq.s32 s10, $0x1;
	s10 =	sld [smem:$0x3FB4]  }
0x3d: {  	_ =	shalt  }
0x3e: {  	_ =	shalt  }
0x3f: {  	_ =	shalt  }
0x40: {  	_ =	shalt  }
0x41: {  	_ =	shalt  }
0x42: {  	_ =	shalt  }
0x43: {  	_ =	shalt  }
0x44: {  	_ =	shalt  }
0x45: {  	_ =	shalt  }
0x46: {  	_ =	shalt  }
0x47: {  	_ =	shalt  }
0x48: {  	_ =	shalt  }
0x49: {  	_ =	shalt  }
0x4a: {  	_ =	shalt  }
0x4b: {  	_ =	shalt  }
0x4c: {  	_ =	shalt  }
0x4d: {  	_ =	shalt  }
0x4e: {  	_ =	shalt  }
0x4f: {  	_ =	shalt  }
0x50: {  	_ =	shalt  }
0x51: {  	_ =	shalt  }
0x52: {  	_ =	shalt  }
0x53: {  	_ =	shalt  }
0x54: {  	_ =	shalt  }
0x55: {  	_ =	shalt  }
0x56: {  	_ =	shalt  }
0x57: {  	_ =	shalt  }
0x58: {  	_ =	shalt  }
0x59: {  	_ =	shalt  }
0x5a: {  	_ =	shalt  }
0x5b: {  	_ =	shalt  }
0x5c: {  	_ =	shalt  }
0x5d: {  	_ =	shalt  }
0x5e: {  	_ =	shalt  }
0x5f: {  	_ =	shalt  }
0x60: {  	_ =	shalt  }
0x61: {  	_ =	shalt  }
0x62: {  	_ =	shalt  }
0x63: {  	_ =	shalt  }
0x64: {  	_ =	shalt  }
0x65: {  	_ =	shalt  }
0x66: {  	_ =	shalt  }
0x67: {  	_ =	shalt  }
0x68: {  	_ =	shalt  }
0x69: {  	_ =	shalt  }
0x6a: {  	_ =	shalt  }
0x6b: {  	_ =	shalt  }
0x6c: {  	_ =	shalt  }
0x6d: {  	_ =	shalt  }
0x6e: {  	_ =	shalt  }
0x6f: {  	_ =	shalt  }
0x70: {  	_ =	shalt  }
0x71: {  	_ =	shalt  }
0x72: {  	_ =	shalt  }
0x73: {  	_ =	shalt  }
0x74: {  	_ =	shalt  }
0x75: {  	_ =	shalt  }
0x76: {  	_ =	shalt  }
0x77: {  	_ =	shalt  }
0x78: {  	_ =	shalt  }
0x79: {  	_ =	shalt  }
0x7a: {  	_ =	shalt  }
0x7b: {  	_ =	shalt  }
0x7c: {  	_ =	shalt  }
0x7d: {  	_ =	shalt  }
0x7e: {  	_ =	shalt  }
0x7f: {  	_ =	shalt  }
0x80: {  	_ =	shalt  }
0x81: {  	_ =	shalt  }
0x82: {  	_ =	shalt  }
0x83: {  	_ =	shalt  }
0x84: {  	_ =	shalt  }
0x85: {  	_ =	shalt  }
0x86: {  	_ =	shalt  }
0x87: {  	_ =	shalt  }
.Lfunc_end0:
.L_simem_size_0:
called_computation.3_lowered:
.L_overlay_start_0:
0x88: {  	s2 =	sld [smem:$0x3FD9]  }
0x89: {  	s3 =	sld [smem:$0x3FFE];
	_ =	sdelay $0x1  }
0x8a: {  	s1 =	srdreg.scid  }
0x8b: {  	s0 =	sand.u32 $0x1, s1  }
0x8c: {  	s16 =	sshll.u32 s0, $0xA;
	s2 =	sadd.s32 s3, s2  }
0x8d: {  	s2 =	sadd.s32 s2, s16  }
0x8e: {  	[smem:$0x3FC0] =	sst s2  }
0x8f: {  	_ = 	snop  }
0x90: {  	(tm) =	ssettm $0x1  }
0x91: {  	s17 =	sld [smem:$0x3FFB];
	_ =	sdelay $0x3  }
0x92: {  	_ =	strace s17  }
0x93: {  	s2 =	sld [smem:$0x3FFC];
	_ =	sdelay $0x3  }
0x94: {  	_ =	strace s2  }
0x95: {  	s2 =	sld [smem:$0x3FFD];
	_ =	sdelay $0x3  }
0x96: {  	_ =	strace s2  }
0x97: {  	_ =	strace $0x8FFFFFFF  }
0x98: {  	s18 =	sld [smem:$0x3FDB];
	_ =	sdelay $0x1  }
0x99: {  	s19 =	simm.s32 $_scs_section_size  }
0x9a: {  	s4 =	simm.s32 $_size__tile_overlayer_lowered;
	s5 =	simm.s32 $_tile_overlayer_lowered  }
0x9b: {  	s22 =	simm.s32 $0x1BFF;
	s21 =	sshll.u32 s5, $0x1;
	s2 =	sadd.s32 s19, s18  }
0x9c: {  	s6 =	simm.s32 $0x0;
	s20 =	sshll.u32 s4, $0x1;
	s4 =	sadd.s32 s21, s2  }
0x9d: {  	[timem:s6], [sflag:s22] =	dma.local [hbm:s4], s20  }
0x9e: {  	_ =	swait.ge [sflag:s22], s20  }
0x9f: {  	s3 =	ssub.s32 $0x0, s20;
	[sflag:s22] =	ssyncset.done $0x0  }
0xa0: {  	[sflag:s22] =	ssyncadd.s32 s3;
	_ =	sdelay $0x1  }
0xa1: {  	s23 =	simm.s32 $0x1B8B  }
0xa2: {  	_ =	swait.ge [sflag:s23], $0x1  }
0xa3: {  	[sflag:s23] =	ssyncset.done $0x0  }
0xa4: {  	s25 =	simm.s32 $0x1B8E;
	s24 =	sld [smem:$0x3FFE];
	[sflag:s23] =	ssyncadd.s32 $0xFFFFFFFF  }
0xa5: {  	s26 =	simm.s32 $execute0_lowered;
	[smem:$0x3FD2] =	sst s25  }
0xa6: {  	s4 =	sshll.u32 s26, $0x1;
	_ =	strace $0x8000004F;
	[dreg:$0x1] =	wrdreg $0xFFFFFFFF  }
0xa7: {  	s28 =	simm.s32 $_size_execute0_lowered;
	s2 =	sadd.s32 s2, s4;
	[dreg:$0x0] =	wrdreg $0x0  }
0xa8: {  	s4 =	sshll.u32 s28, $0x1;
	[dreg:$0x2] =	wrdreg s2  }
0xa9: {  	[dreg:$0x3] =	wrdreg s4  }
0xaa: {  	[dreg:$0x4] =	wrdreg $0xC0  }
0xab: {  	_ =	task [dreg:s6], $0x5FFFF  }
0xac: {  	[dreg:$0x1] =	wrdreg $0xFFFFFFFF  }
0xad: {  	[dreg:$0x0] =	wrdreg $0x60  }
0xae: {  	[dreg:$0x2] =	wrdreg s24  }
0xaf: {  	[dreg:$0x3] =	wrdreg $0xA8000  }
0xb0: {  	[dreg:$0x4] =	wrdreg $0x9  }
0xb1: {  	_ =	task.clear_ibuf [dreg:s6], $0x5FFFF;
	_ =	strace $0x9000004F  }
0xb2: {  	s29 =	simm.s32 $0x9;
	_ =	strace $0x80000051  }
0xb3: {  	_ =	swait.ge [sflag:s29], $0x1  }
0xb4: {  	[sflag:s29] =	ssyncadd.s32 $0xFFFFFFFF  }
0xb5: {  	_ =	strace $0x90000051  }
0xb6: {  	_ =	sfence  }
0xb7: {  	s30 =	sld [smem:$0x0];
	_ =	sdelay $0x2  }
0xb8: {  	s31 =	sshll.u32 s1, $0xD;
	s1 =	sshrl.u32 s1, $0x2  }
0xb9: {  	s3 =	sand.u32 $0x4000, s31;
	s1 =	sadd.s32 s1, s30  }
0xba: {  	s0 =	sor.u32 s3, s0;
	s1 =	sshll.u32 s1, $0x11  }
0xbb: {  	s0 =	sor.u32 s1, s0  }
0xbc: {  	s0 =	sadd.s32 $0x8F2B, s0  }
0xbd: {  	[sflag:s0] =	ssyncadd.remote.s32 $0x1  }
0xbe: {  	_ =	sfence.sel $0xFFFF  }
0xbf: {  	[dreg:$0x0] =	wrdreg $0xFFFFFFFF;
	(pc) =	sbr.abs _section_cstart, $3  }
0xc0: {  	[dreg:$0x1] =	wrdreg $0xFFFFFFFF  }
0xc1: {  	_ =	task.clear_ibuf [dreg:s6], $0x2FFFF;
	_ =	strace $0x9FFFFFFF  }
0xc2: {  	(tm) =	ssettm $0x7FFFFFFF  }
0xc3: {  	_ =	shalt  }
tec
execute0_lowered:
.L_overlay_start_1:
0x0: {  	(tag) =	ssettag $0x1  }
0x1: {  	s6 =	rddreg [dreg:$0x0]  }
0x2: {  	s1 =	rddreg [dreg:$0x1];
	s2 =	srdreg.scid  }
0x3: {  	s3 =	simm.s32 $0x0;
	s18 =	simm.s32 $0x1400;
	s19 =	simm.s32 $0x80  }
0x4: {  	s20 =	simm.s32 $0x6800;
	s21 =	simm.s32 $0x1;
	s22 =	simm.s32 $0x2  }
0x5: {  	s23 =	simm.s32 $0x1380;
	s24 =	simm.s32 $0x2700;
	s25 =	simm.s32 $0x2780  }
0x6: {  	s26 =	simm.s32 $0x0;
	s8 =	sand.u32 $0x1, s2;
	s2 =	stileid.u32  }
0x7: {  	[smem:$0x7FF] =	sst s3;
	s4 =	sadd.s32 $0x3FA00, s6;
	s5 =	smul.u32 $0x140000, s8  }
0x8: {  	s14 =	sadd.s32 $0x4800, s6;
	s15 =	sadd.s32 $0xE800, s6;
	s7 =	smul.u32 $0x14000, s2  }
0x9: {  	_ =	strace $0x80000050;
	s9 =	smul.u32 $0x50000, s2;
	s10 =	ssub.s32 $0x2, s8  }
0xa: {  	s11 =	smul.u32 $0x500, s2;
	p0 =	seq.s32 s8, $0x0;
	s31 =	sshrl.u32 s10, $0x1  }
0xb: {  	s5 =	sadd.s32 s7, s5;
	s30 =	sshrl.u32 s9, $0x2;
	s13 =	ssub.s32 s10, s31  }
0xc: {  	s16 =	sadd.s32 $0x5000, s11;
	s7 =	sshrl.u32 s5, $0x3;
	s5 =	sadd.s32 s30, s1  }
0xd: {  	s16 =	smov.u32 @p0 s11;
	s11 =	smax.u32 s13, $0x1;
	s12 =	sadd.s32 s7, s6  }
0xe: {  	s6 =	sadd.s32 $0x4000, s5;
	s7 =	sadd.s32 $0x8000, s5;
	s8 =	sadd.s32 $0xC000, s5  }
0xf: {  	s9 =	sadd.s32 $0x10000, s5;
	s17 =	sadd.s32 $0x280, s16;
	s13 =	sadd.s32 s15, s16  }
0x10: {  	s10 =	sadd.s32 $0x66C00, s12;
	s12 =	sadd.s32 s14, s16;
	s14 =	sadd.s32 s14, s17  }
0x11: {  	v0 =	vimm.f32 $0.0e+00;
	s15 =	sadd.s32 s15, s17;
	s16 =	simm.s32 $0x2800;
	s17 =	simm.s32 $0x3  }
.LBB2_1:
0x12: {  	s28 =	sand.u32 $0xFE00, s3  }
0x13: {  	s29 =	sand.u32 $0x70, s3;
	s30 =	sshrl.u32 s28, $0x2  }
0x14: {  	s28 =	simm.s32 $0x40;
	s30 =	sor.u32 s29, s30;
	s29 =	simm.s32 $0x0  }
.LBB2_2:
0x15: {  	p0 =	sne.s32 s28, $0xFFC0  }
0x16: {  	[tilespmem:s30+$0x2800] =	vst v0;
	s29 =	sadd.s32 $0x10, s29;
	s30 =	smov.u32 s28;
	s28 =	sadd.s32 $0x40, s28  }
.Ltmp0:
0x17: {  	(pc) =	sbr.rel @p0 .LBB2_2-.Ltmp0, $4  }
0x18: {  	_ = 	snop  }
0x19: {  	s30 =	sand.u32 $0xFE00, s30  }
0x1a: {  	s31 =	sand.u32 $0x70, s29;
	s30 =	sshrl.u32 s30, $0x2  }
0x1b: {  	s30 =	sor.u32 s31, s30  }
0x1c: {  	[tilespmem:s30+$0x2800] =	vst v0  }
0x1d: {  	[spmem:s5] =	stream.linear.scatter [tilespmem:s16], [sflag:$0x3], $0x4000, $0x38;
	[tilespmem:$0x1E800] =	vst v63  }
0x1e: {  	_ =	swait.ge [sflag:s17], $0x4000  }
0x1f: {  	[sflag:s17] =	ssyncset.done $0x0  }
0x20: {  	[sflag:s17] =	ssyncadd.s32 $0xFFFFC000  }
0x21: {  	[spmem:s6] =	stream.linear.scatter [tilespmem:s16], [sflag:$0x3], $0x4000, $0x38;
	[tilespmem:$0x1E800] =	vst v63  }
0x22: {  	_ =	swait.ge [sflag:s17], $0x4000  }
0x23: {  	[sflag:s17] =	ssyncset.done $0x0  }
0x24: {  	[sflag:s17] =	ssyncadd.s32 $0xFFFFC000  }
0x25: {  	[spmem:s7] =	stream.linear.scatter [tilespmem:s16], [sflag:$0x3], $0x4000, $0x38;
	[tilespmem:$0x1E800] =	vst v63  }
0x26: {  	_ =	swait.ge [sflag:s17], $0x4000  }
0x27: {  	[sflag:s17] =	ssyncset.done $0x0  }
0x28: {  	[sflag:s17] =	ssyncadd.s32 $0xFFFFC000  }
0x29: {  	[spmem:s8] =	stream.linear.scatter [tilespmem:s16], [sflag:$0x3], $0x4000, $0x38;
	[tilespmem:$0x1E800] =	vst v63  }
0x2a: {  	_ =	swait.ge [sflag:s17], $0x4000  }
0x2b: {  	[sflag:s17] =	ssyncset.done $0x0  }
0x2c: {  	[sflag:s17] =	ssyncadd.s32 $0xFFFFC000  }
0x2d: {  	[spmem:s9] =	stream.linear.scatter [tilespmem:s16], [sflag:$0x3], $0x4000, $0x38;
	[tilespmem:$0x1E800] =	vst v63  }
0x2e: {  	_ =	swait.ge [sflag:s17], $0x4000  }
0x2f: {  	[sflag:s17] =	ssyncset.done $0x0  }
0x30: {  	[sflag:s17] =	ssyncadd.s32 $0xFFFFC000  }
0x31: {  	s28 =	simm.s32 $0x0;
	[bflag:$0x0] =	sbarrier.arrive $0xFFFF  }
0x32: {  	[tilespmem:s28], [sflag:$0x3] =	stream.linear.gather [hbm4b:s12+s28], $0x1400, $0x38;
	[tilespmem:$0x1E800] =	vst v63  }
0x33: {  	_ =	swait.ge [sflag:s17], $0x1400  }
0x34: {  	[sflag:s17] =	ssyncset.done $0x0  }
0x35: {  	[sflag:s17] =	ssyncadd.s32 $0xFFFFEC00  }
0x36: {  	[tilespmem:s18], [sflag:$0x3] =	stream.linear.gather [hbm4b:s13+s28], $0x1400, $0x38;
	[tilespmem:$0x1E800] =	vst v63  }
0x37: {  	_ =	swait.ge [sflag:s17], $0x1400  }
0x38: {  	[sflag:s17] =	ssyncset.done $0x0  }
0x39: {  	[sflag:s17] =	ssyncadd.s32 $0xFFFFEC00  }
0x3a: {  	[tilespmem:s16], [sflag:$0x1] =	stream.indirect.gather [hbm4b:s4+s19], $0x80, s28, s19, $0xb8;
	[tilespmem:$0x1E800] =	vst v63  }
0x3b: {  	s28 =	simm.s32 $0x80  }
0x3c: {  	[tilespmem:s20], [sflag:$0x2] =	stream.indirect.gather [hbm4b:s4+s19], $0x80, s28, s19, $0xb8;
	[tilespmem:$0x1E800] =	vst v63  }
0x3d: {  	_ =	swait.ge [sflag:s21], $0x4000  }
0x3e: {  	[sflag:s21] =	ssyncset.done $0x0  }
0x3f: {  	s28 =	simm.s32 $0x1400;
	[sflag:s21] =	ssyncadd.s32 $0xFFFFC000  }
0x40: {  	[spmem:s1] =	stream.indirect.scatter.add.f32 [tilespmem:s16], [sflag:$0x3], $0x80, s28, s19, $0xb8;
	[tilespmem:$0x1E800] =	vst v63  }
0x41: {  	_ =	swait.ge [sflag:s17], $0x4000  }
0x42: {  	[sflag:s17] =	ssyncset.done $0x0  }
0x43: {  	s28 =	simm.s32 $0x100;
	[sflag:s17] =	ssyncadd.s32 $0xFFFFC000  }
0x44: {  	[tilespmem:s16], [sflag:$0x1] =	stream.indirect.gather [hbm4b:s4+s19], $0x80, s28, s19, $0xb8;
	[tilespmem:$0x1E800] =	vst v63  }
0x45: {  	_ =	swait.ge [sflag:s22], $0x4000  }
0x46: {  	[sflag:s22] =	ssyncset.done $0x0  }
0x47: {  	s28 =	simm.s32 $0x1480;
	[sflag:s22] =	ssyncadd.s32 $0xFFFFC000  }
0x48: {  	[spmem:s1] =	stream.indirect.scatter.add.f32 [tilespmem:s20], [sflag:$0x3], $0x80, s28, s19, $0xb8;
	[tilespmem:$0x1E800] =	vst v63  }
0x49: {  	_ =	swait.ge [sflag:s17], $0x4000  }
0x4a: {  	s29 =	simm.s32 $0x800;
	s28 =	simm.s32 $0x100;
	[sflag:s17] =	ssyncset.done $0x0  }
.LBB2_4:
0x4b: {  	s30 =	sadd.s32 $0x80, s28  }
0x4c: {  	[sflag:s17] =	ssyncadd.s32 $0xFFFFC000;
	s31 =	smov.u32 s29;
	s0 =	sadd.s32 $0x400, s29  }
0x4d: {  	[tilespmem:s20], [sflag:$0x2] =	stream.indirect.gather [hbm4b:s4+s19], $0x80, s30, s19, $0xb8;
	[tilespmem:$0x1E800] =	vst v63  }
0x4e: {  	p0 =	sne.s32 s29, $0x4800;
	_ =	swait.ge [sflag:s21], $0x4000  }
0x4f: {  	[sflag:s21] =	ssyncset.done $0x0  }
0x50: {  	s29 =	sadd.s32 $0x1400, s28;
	[sflag:s21] =	ssyncadd.s32 $0xFFFFC000  }
0x51: {  	[spmem:s1] =	stream.indirect.scatter.add.f32 [tilespmem:s16], [sflag:$0x3], $0x80, s29, s19, $0xb8;
	[tilespmem:$0x1E800] =	vst v63  }
0x52: {  	_ =	swait.ge [sflag:s17], $0x4000  }
0x53: {  	[sflag:s17] =	ssyncset.done $0x0  }
0x54: {  	s29 =	sadd.s32 $0x100, s28;
	[sflag:s17] =	ssyncadd.s32 $0xFFFFC000  }
0x55: {  	[tilespmem:s16], [sflag:$0x1] =	stream.indirect.gather [hbm4b:s4+s19], $0x80, s29, s19, $0xb8;
	[tilespmem:$0x1E800] =	vst v63  }
0x56: {  	_ =	swait.ge [sflag:s22], $0x4000  }
.Ltmp1:
0x57: {  	[sflag:s22] =	ssyncset.done $0x0;
	(pc) =	sbr.rel @p0 .LBB2_4-.Ltmp1, $4  }
0x58: {  	s28 =	sadd.s32 $0x1480, s28;
	[sflag:s22] =	ssyncadd.s32 $0xFFFFC000  }
0x59: {  	[spmem:s1] =	stream.indirect.scatter.add.f32 [tilespmem:s20], [sflag:$0x3], $0x80, s28, s19, $0xb8;
	[tilespmem:$0x1E800] =	vst v63  }
0x5a: {  	_ =	swait.ge [sflag:s17], $0x4000  }
0x5b: {  	s29 =	smov.u32 s0;
	s28 =	sshra.s32 s31, $0x2;
	[sflag:s17] =	ssyncset.done $0x0  }
0x5c: {  	s0 =	sadd.s32 $0x80, s28;
	[sflag:s17] =	ssyncadd.s32 $0xFFFFC000  }
0x5d: {  	[tilespmem:s20], [sflag:$0x2] =	stream.indirect.gather [hbm4b:s4+s19], $0x80, s0, s19, $0xb8;
	[tilespmem:$0x1E800] =	vst v63  }
0x5e: {  	_ =	swait.ge [sflag:s21], $0x4000  }
0x5f: {  	[sflag:s21] =	ssyncset.done $0x0  }
0x60: {  	s30 =	sadd.s32 $0x1400, s28;
	[sflag:s21] =	ssyncadd.s32 $0xFFFFC000  }
0x61: {  	[spmem:s1] =	stream.indirect.scatter.add.f32 [tilespmem:s16], [sflag:$0x3], $0x80, s30, s19, $0xb8;
	[tilespmem:$0x1E800] =	vst v63  }
0x62: {  	_ =	swait.ge [sflag:s17], $0x4000  }
0x63: {  	[sflag:s17] =	ssyncset.done $0x0  }
0x64: {  	s31 =	sadd.s32 $0x100, s28;
	[sflag:s17] =	ssyncadd.s32 $0xFFFFC000  }
0x65: {  	[tilespmem:s16], [sflag:$0x1] =	stream.indirect.gather [hbm4b:s4+s19], $0x80, s31, s19, $0xb8;
	[tilespmem:$0x1E800] =	vst v63  }
0x66: {  	_ =	swait.ge [sflag:s22], $0x4000  }
0x67: {  	[sflag:s22] =	ssyncset.done $0x0  }
0x68: {  	s30 =	sadd.s32 $0x1480, s28;
	[sflag:s22] =	ssyncadd.s32 $0xFFFFC000  }
0x69: {  	[spmem:s1] =	stream.indirect.scatter.add.f32 [tilespmem:s20], [sflag:$0x3], $0x80, s30, s19, $0xb8;
	[tilespmem:$0x1E800] =	vst v63  }
0x6a: {  	_ =	swait.ge [sflag:s17], $0x4000  }
0x6b: {  	[sflag:s17] =	ssyncset.done $0x0  }
0x6c: {  	[sflag:s17] =	ssyncadd.s32 $0xFFFFC000  }
0x6d: {  	[tilespmem:s20], [sflag:$0x2] =	stream.indirect.gather [hbm4b:s4+s19], $0x80, s23, s19, $0xb8;
	[tilespmem:$0x1E800] =	vst v63  }
0x6e: {  	_ =	swait.ge [sflag:s21], $0x4000  }
0x6f: {  	[sflag:s21] =	ssyncset.done $0x0  }
0x70: {  	[sflag:s21] =	ssyncadd.s32 $0xFFFFC000  }
0x71: {  	[spmem:s1] =	stream.indirect.scatter.add.f32 [tilespmem:s16], [sflag:$0x3], $0x80, s24, s19, $0xb8;
	[tilespmem:$0x1E800] =	vst v63  }
0x72: {  	_ =	swait.ge [sflag:s17], $0x4000  }
0x73: {  	[sflag:s17] =	ssyncset.done $0x0  }
0x74: {  	[sflag:s17] =	ssyncadd.s32 $0xFFFFC000  }
0x75: {  	_ =	swait.ge [sflag:s22], $0x4000  }
0x76: {  	[sflag:s22] =	ssyncset.done $0x0  }
0x77: {  	[sflag:s22] =	ssyncadd.s32 $0xFFFFC000  }
0x78: {  	[spmem:s1] =	stream.indirect.scatter.add.f32 [tilespmem:s20], [sflag:$0x3], $0x80, s25, s19, $0xb8;
	[tilespmem:$0x1E800] =	vst v63  }
0x79: {  	_ =	swait.ge [sflag:s17], $0x4000  }
0x7a: {  	[sflag:s17] =	ssyncset.done $0x0  }
0x7b: {  	s31 =	simm.s32 $0x0;
	[sflag:s17] =	ssyncadd.s32 $0xFFFFC000  }
0x7c: {  	[tilespmem:s31], [sflag:$0x3] =	stream.linear.gather [hbm4b:s14+s31], $0x1400, $0x38;
	[tilespmem:$0x1E800] =	vst v63  }
0x7d: {  	_ =	swait.ge [sflag:s17], $0x1400  }
0x7e: {  	[sflag:s17] =	ssyncset.done $0x0  }
0x7f: {  	[sflag:s17] =	ssyncadd.s32 $0xFFFFEC00  }
0x80: {  	[tilespmem:s18], [sflag:$0x3] =	stream.linear.gather [hbm4b:s15+s31], $0x1400, $0x38;
	[tilespmem:$0x1E800] =	vst v63  }
0x81: {  	_ =	swait.ge [sflag:s17], $0x1400  }
0x82: {  	[sflag:s17] =	ssyncset.done $0x0  }
0x83: {  	[sflag:s17] =	ssyncadd.s32 $0xFFFFEC00  }
0x84: {  	[tilespmem:s16], [sflag:$0x1] =	stream.indirect.gather [hbm4b:s4+s19], $0x80, s31, s19, $0xb8;
	[tilespmem:$0x1E800] =	vst v63  }
0x85: {  	s30 =	simm.s32 $0x80  }
0x86: {  	[tilespmem:s20], [sflag:$0x2] =	stream.indirect.gather [hbm4b:s4+s19], $0x80, s30, s19, $0xb8;
	[tilespmem:$0x1E800] =	vst v63  }
0x87: {  	_ =	swait.ge [sflag:s21], $0x4000  }
0x88: {  	[sflag:s21] =	ssyncset.done $0x0  }
0x89: {  	s31 =	simm.s32 $0x1400;
	[sflag:s21] =	ssyncadd.s32 $0xFFFFC000  }
0x8a: {  	[spmem:s1] =	stream.indirect.scatter.add.f32 [tilespmem:s16], [sflag:$0x3], $0x80, s31, s19, $0xb8;
	[tilespmem:$0x1E800] =	vst v63  }
0x8b: {  	_ =	swait.ge [sflag:s17], $0x4000  }
0x8c: {  	[sflag:s17] =	ssyncset.done $0x0  }
0x8d: {  	s30 =	simm.s32 $0x100;
	[sflag:s17] =	ssyncadd.s32 $0xFFFFC000  }
0x8e: {  	[tilespmem:s16], [sflag:$0x1] =	stream.indirect.gather [hbm4b:s4+s19], $0x80, s30, s19, $0xb8;
	[tilespmem:$0x1E800] =	vst v63  }
0x8f: {  	_ =	swait.ge [sflag:s22], $0x4000  }
0x90: {  	[sflag:s22] =	ssyncset.done $0x0  }
0x91: {  	s31 =	simm.s32 $0x1480;
	[sflag:s22] =	ssyncadd.s32 $0xFFFFC000  }
0x92: {  	[spmem:s1] =	stream.indirect.scatter.add.f32 [tilespmem:s20], [sflag:$0x3], $0x80, s31, s19, $0xb8;
	[tilespmem:$0x1E800] =	vst v63  }
0x93: {  	_ =	swait.ge [sflag:s17], $0x4000  }
0x94: {  	s29 =	simm.s32 $0x800;
	s28 =	simm.s32 $0x100;
	[sflag:s17] =	ssyncset.done $0x0  }
.LBB2_6:
0x95: {  	s0 =	sadd.s32 $0x80, s28  }
0x96: {  	[sflag:s17] =	ssyncadd.s32 $0xFFFFC000;
	s30 =	smov.u32 s29;
	s31 =	sadd.s32 $0x400, s29  }
0x97: {  	[tilespmem:s20], [sflag:$0x2] =	stream.indirect.gather [hbm4b:s4+s19], $0x80, s0, s19, $0xb8;
	[tilespmem:$0x1E800] =	vst v63  }
0x98: {  	p0 =	sne.s32 s29, $0x4800;
	_ =	swait.ge [sflag:s21], $0x4000  }
0x99: {  	[sflag:s21] =	ssyncset.done $0x0  }
0x9a: {  	s0 =	sadd.s32 $0x1400, s28;
	[sflag:s21] =	ssyncadd.s32 $0xFFFFC000  }
0x9b: {  	[spmem:s1] =	stream.indirect.scatter.add.f32 [tilespmem:s16], [sflag:$0x3], $0x80, s0, s19, $0xb8;
	[tilespmem:$0x1E800] =	vst v63  }
0x9c: {  	_ =	swait.ge [sflag:s17], $0x4000  }
0x9d: {  	[sflag:s17] =	ssyncset.done $0x0  }
0x9e: {  	s0 =	sadd.s32 $0x100, s28;
	[sflag:s17] =	ssyncadd.s32 $0xFFFFC000  }
0x9f: {  	[tilespmem:s16], [sflag:$0x1] =	stream.indirect.gather [hbm4b:s4+s19], $0x80, s0, s19, $0xb8;
	[tilespmem:$0x1E800] =	vst v63  }
0xa0: {  	_ =	swait.ge [sflag:s22], $0x4000  }
.Ltmp2:
0xa1: {  	[sflag:s22] =	ssyncset.done $0x0;
	(pc) =	sbr.rel @p0 .LBB2_6-.Ltmp2, $4  }
0xa2: {  	s0 =	sadd.s32 $0x1480, s28;
	[sflag:s22] =	ssyncadd.s32 $0xFFFFC000  }
0xa3: {  	[spmem:s1] =	stream.indirect.scatter.add.f32 [tilespmem:s20], [sflag:$0x3], $0x80, s0, s19, $0xb8;
	[tilespmem:$0x1E800] =	vst v63  }
0xa4: {  	_ =	swait.ge [sflag:s17], $0x4000  }
0xa5: {  	s29 =	smov.u32 s31;
	s28 =	sshra.s32 s30, $0x2;
	[sflag:s17] =	ssyncset.done $0x0  }
0xa6: {  	s0 =	sadd.s32 $0x80, s28;
	[sflag:s17] =	ssyncadd.s32 $0xFFFFC000  }
0xa7: {  	[tilespmem:s20], [sflag:$0x2] =	stream.indirect.gather [hbm4b:s4+s19], $0x80, s0, s19, $0xb8;
	[tilespmem:$0x1E800] =	vst v63  }
0xa8: {  	_ =	swait.ge [sflag:s21], $0x4000  }
0xa9: {  	[sflag:s21] =	ssyncset.done $0x0  }
0xaa: {  	s30 =	sadd.s32 $0x1400, s28;
	[sflag:s21] =	ssyncadd.s32 $0xFFFFC000  }
0xab: {  	[spmem:s1] =	stream.indirect.scatter.add.f32 [tilespmem:s16], [sflag:$0x3], $0x80, s30, s19, $0xb8;
	[tilespmem:$0x1E800] =	vst v63  }
0xac: {  	_ =	swait.ge [sflag:s17], $0x4000  }
0xad: {  	[sflag:s17] =	ssyncset.done $0x0  }
0xae: {  	s31 =	sadd.s32 $0x100, s28;
	[sflag:s17] =	ssyncadd.s32 $0xFFFFC000  }
0xaf: {  	[tilespmem:s16], [sflag:$0x1] =	stream.indirect.gather [hbm4b:s4+s19], $0x80, s31, s19, $0xb8;
	[tilespmem:$0x1E800] =	vst v63  }
0xb0: {  	_ =	swait.ge [sflag:s22], $0x4000  }
0xb1: {  	[sflag:s22] =	ssyncset.done $0x0  }
0xb2: {  	s29 =	sadd.s32 $0x1480, s28;
	[sflag:s22] =	ssyncadd.s32 $0xFFFFC000  }
0xb3: {  	[spmem:s1] =	stream.indirect.scatter.add.f32 [tilespmem:s20], [sflag:$0x3], $0x80, s29, s19, $0xb8;
	[tilespmem:$0x1E800] =	vst v63  }
0xb4: {  	_ =	swait.ge [sflag:s17], $0x4000  }
0xb5: {  	[sflag:s17] =	ssyncset.done $0x0  }
0xb6: {  	[sflag:s17] =	ssyncadd.s32 $0xFFFFC000  }
0xb7: {  	[tilespmem:s20], [sflag:$0x2] =	stream.indirect.gather [hbm4b:s4+s19], $0x80, s23, s19, $0xb8;
	[tilespmem:$0x1E800] =	vst v63  }
0xb8: {  	_ =	swait.ge [sflag:s21], $0x4000  }
0xb9: {  	[sflag:s21] =	ssyncset.done $0x0  }
0xba: {  	[sflag:s21] =	ssyncadd.s32 $0xFFFFC000  }
0xbb: {  	[spmem:s1] =	stream.indirect.scatter.add.f32 [tilespmem:s16], [sflag:$0x3], $0x80, s24, s19, $0xb8;
	[tilespmem:$0x1E800] =	vst v63  }
0xbc: {  	_ =	swait.ge [sflag:s17], $0x4000  }
0xbd: {  	[sflag:s17] =	ssyncset.done $0x0  }
0xbe: {  	[sflag:s17] =	ssyncadd.s32 $0xFFFFC000  }
0xbf: {  	_ =	swait.ge [sflag:s22], $0x4000  }
0xc0: {  	[sflag:s22] =	ssyncset.done $0x0  }
0xc1: {  	[sflag:s22] =	ssyncadd.s32 $0xFFFFC000  }
0xc2: {  	[spmem:s1] =	stream.indirect.scatter.add.f32 [tilespmem:s20], [sflag:$0x3], $0x80, s25, s19, $0xb8;
	[tilespmem:$0x1E800] =	vst v63  }
0xc3: {  	_ =	swait.ge [sflag:s17], $0x4000  }
0xc4: {  	s26 =	sadd.s32 $0x1, s26;
	s30 =	sshll.u32 s2, $0x6;
	[sflag:s17] =	ssyncset.done $0x0  }
0xc5: {  	p0 =	sne.s32 s26, s11;
	s0 =	sor.u32 $0x1C03, s30;
	[sflag:s17] =	ssyncadd.s32 $0xFFFFC000  }
.Ltmp3:
0xc6: {  	s31 =	sshrl.u32 s5, $0x3;
	[bflag:$0x0] =	sbarrier.arrive $0xFFFF;
	(pc) =	sbr.rel @p0 .LBB2_1-.Ltmp3, $4  }
0xc7: {  	[hbm:s10], [sflag:s0] =	dma.local [spmem:s31], $0x2800  }
0xc8: {  	_ =	swait.ge [sflag:s17], $0x2800  }
0xc9: {  	[sflag:s17] =	ssyncset.done $0x0  }
0xca: {  	[sflag:s17] =	ssyncadd.s32 $0xFFFFD800  }
0xcb: {  	_ =	sfence.sel $0x180000  }
0xcc: {  	[bflag:$0x0] =	sbarrier.arrive $0xFFFF  }
0xcd: {  	_ =	strace $0x90000050  }
0xce: {  	[bflag:$0x2] =	sbarrier.arrive $0xFFFF  }
0xcf: {  	p0 =	sne.s32 s2, $0x0;
	s0 =	rddreg [dreg:$0x2]  }
0xd0: {  	s0 =	sadd.s32 @!p0 $0x100000, s0  }
0xd1: {  	[sflag:s0] =	ssyncadd.tile.s32 @!p0 $0x1;
	_ =	shalt  }
.Lfunc_end2:
_tile_overlayer_lowered:
.L_overlay_start_2:
0xd2: {  	(tag) =	ssettag $0x2  }
0xd3: {  	s0 =	rddreg [dreg:$0x0];
	s2 =	stileid.u32  }
0xd4: {  	s1 =	rddreg [dreg:$0x1];
	p0 =	sne.s32 s2, $0x0  }
0xd5: {  	s3 =	rddreg [dreg:$0x2];
	[bflag:$0x3] =	sbarrier.arrive $0xFFFF;
	s2 =	simm.s32 @!p0 $0x1C03  }
0xd6: {  	[timem:s3], [sflag:s2] =	dma.local @!p0 [hbm:s0], s1  }
0xd7: {  	s0 =	simm.s32 @!p0 $0x3  }
0xd8: {  	_ =	swait.ge @!p0 [sflag:s0], s1  }
0xd9: {  	s1 =	ssub.s32 @!p0 $0x0, s1;
	[sflag:s0] =	ssyncset.done @!p0 $0x0  }
0xda: {  	[sflag:s0] =	ssyncadd.s32 @!p0 s1  }
0xdb: {  	[bflag:$0x3] =	sbarrier.arrive $0xFFFF  }
0xdc: {  	_ =	shalt  }

// kernel: kernel.9.cloned.1.call-start
scs
__scs_entry_jumppad:
0x0: {  	(pc) =	sbr.rel $0x88, $3  }
0x1: {  	(tag) =	ssettag $0x0;
	lr =	simm.s32 $0x1  }
0x2: {  	[smem:$0x3F99] =	sst lr;
	_ =	strace $0xD0000000  }
0x3: {  	_ = 	snop  }
0x4: {  	_ = 	snop  }
0x5: {  	_ = 	snop  }
0x6: {  	_ = 	snop  }
0x7: {  	_ = 	snop  }
__scs_overlays_trampoline_lowered:
0x8: {  	[smem:$0x3FA8] =	sst s0  }
0x9: {  	[smem:$0x3FA9] =	sst s1  }
0xa: {  	[smem:$0x3FAA] =	sst s2  }
0xb: {  	[smem:$0x3FAB] =	sst s3  }
0xc: {  	[smem:$0x3FAC] =	sst s4  }
0xd: {  	[smem:$0x3FAD] =	sst s5  }
0xe: {  	[smem:$0x3FAE] =	sst s6  }
0xf: {  	[smem:$0x3FAF] =	sst s7  }
0x10: {  	[smem:$0x3FB0] =	sst s8  }
0x11: {  	[smem:$0x3FB1] =	sst s9;
	s0 =	simm.s32 @!p0 $0x0  }
0x12: {  	s1 =	sld [smem:$0x3F97];
	s0 =	simm.s32 @p0 $0x1  }
0x13: {  	[smem:$0x3FB2] =	sst s0;
	s0 =	simm.s32 @!p1 $0x0  }
0x14: {  	s2 =	sld [smem:$0x3F96];
	s0 =	simm.s32 @p1 $0x1  }
0x15: {  	[smem:$0x3FB3] =	sst s0;
	s0 =	simm.s32 @!p2 $0x0  }
0x16: {  	s3 =	sld [smem:$0x3FDB];
	s0 =	simm.s32 @p2 $0x1  }
0x17: {  	s4 =	simm.s32 $0x1BF5;
	[smem:$0x3FB5] =	sst s0  }
0x18: {  	s0 =	sld [smem:$0x3F98];
	_ =	swait.ge [sflag:s4], $0x0  }
0x19: {  	s7 =	sld [smem:$0x3F99]  }
0x1a: {  	s8 =	sadd.s32 $0xFFFFE003, lr  }
0x1b: {  	s9 =	sadd.s32 $0xFFFFFEF7, lr;
	s5 =	simm.s32 $0xFFFFFFFF;
	p2 =	slt.u32 s8, $0xFFFFF086  }
0x1c: {  	p1 =	slt.u32 s9, $0xF7A;
	s5 =	simm.s32 @!p2 $0x0  }
0x1d: {  	s5 =	simm.s32 @p1 $0x1;
	p0 =	seq.s32 s7, s2  }
0x1e: {  	s7 =	smul.u32 @!p0 $0xF7A, s2;
	p2 =	seq.s32 @!p0 s5, $0x0  }
0x1f: {  	s9 =	smul.u32 $0xF7A, s1;
	s8 =	simm.s32 @!p0 $0x1BF5;
	p2 =	por !p2, p0  }
0x20: {  	[sflag:s8] =	ssyncset.s32 @!p0 $0xFFFFF086;
	s6 =	sadd.s32 @!p0 s3, s7;
	s7 =	simm.s32 @!p0 $0x108  }
0x21: {  	s3 =	sadd.s32 s3, s9;
	s6 =	sadd.s32 @!p0 $0x88, s6;
	s7 =	simm.s32 @p2 $0x1082  }
0x22: {  	[simem:s7], [sflag:s8] =	dma.local @!p0 [hbm:s6], $0xF7A  }
0x23: {  	s9 =	sor.u32 $0xD0000000, s2;
	s6 =	simm.s32 $0x108;
	_ =	swait.ge @!p0 [sflag:s8], $0x0  }
0x24: {  	s3 =	sadd.s32 $0x88, s3;
	s6 =	simm.s32 @!p1 $0x1082;
	[sflag:s4] =	ssyncset.s32 $0xFFFFF086  }
0x25: {  	[simem:s6], [sflag:s4] =	dma.local [hbm:s3], $0xF7A  }
0x26: {  	[smem:$0x3F99] =	sst s1;
	(tag) =	ssettag s2;
	_ =	strace s9  }
0x27: {  	s1 =	sld [smem:$0x3FA9]  }
0x28: {  	s2 =	sld [smem:$0x3FAA]  }
0x29: {  	s4 =	sld [smem:$0x3FAC]  }
0x2a: {  	p0 =	seq.s32 s5, $0x0;
	s5 =	sld [smem:$0x3FAD]  }
0x2b: {  	s6 =	sld [smem:$0x3FAE]  }
0x2c: {  	s7 =	sld [smem:$0x3FAF]  }
0x2d: {  	s3 =	simm.s32 $0x108;
	s8 =	sld [smem:$0x3FB0]  }
0x2e: {  	s3 =	simm.s32 @!p0 $0x1082;
	s9 =	sld [smem:$0x3FB1]  }
0x2f: {  	lr =	sadd.s32 s0, s3;
	s0 =	sld [smem:$0x3FA8]  }
0x30: {  	s3 =	sld [smem:$0x3FAB]  }
0x31: {  	[smem:$0x3FB4] =	sst s10  }
0x32: {  	s10 =	sld [smem:$0x3FB2];
	_ =	sdelay $0x3  }
0x33: {  	p0 =	seq.s32 s10, $0x1;
	s10 =	sld [smem:$0x3FB4];
	_ =	sdelay $0x3  }
0x34: {  	[smem:$0x3FB4] =	sst s10  }
0x35: {  	s10 =	sld [smem:$0x3FB3];
	_ =	sdelay $0x3  }
0x36: {  	p1 =	seq.s32 s10, $0x1;
	s10 =	sld [smem:$0x3FB4];
	_ =	sdelay $0x3  }
0x37: {  	[smem:$0x3FB4] =	sst s10  }
0x38: {  	s10 =	sld [smem:$0x3FB5]  }
0x39: {  	_ = 	snop;
	(pc) =	sbr.ind lr, $3  }
0x3a: {  	_ = 	snop  }
0x3b: {  	_ = 	snop  }
0x3c: {  	p2 =	seq.s32 s10, $0x1;
	s10 =	sld [smem:$0x3FB4]  }
0x3d: {  	_ =	shalt  }
0x3e: {  	_ =	shalt  }
0x3f: {  	_ =	shalt  }
0x40: {  	_ =	shalt  }
0x41: {  	_ =	shalt  }
0x42: {  	_ =	shalt  }
0x43: {  	_ =	shalt  }
0x44: {  	_ =	shalt  }
0x45: {  	_ =	shalt  }
0x46: {  	_ =	shalt  }
0x47: {  	_ =	shalt  }
0x48: {  	_ =	shalt  }
0x49: {  	_ =	shalt  }
0x4a: {  	_ =	shalt  }
0x4b: {  	_ =	shalt  }
0x4c: {  	_ =	shalt  }
0x4d: {  	_ =	shalt  }
0x4e: {  	_ =	shalt  }
0x4f: {  	_ =	shalt  }
0x50: {  	_ =	shalt  }
0x51: {  	_ =	shalt  }
0x52: {  	_ =	shalt  }
0x53: {  	_ =	shalt  }
0x54: {  	_ =	shalt  }
0x55: {  	_ =	shalt  }
0x56: {  	_ =	shalt  }
0x57: {  	_ =	shalt  }
0x58: {  	_ =	shalt  }
0x59: {  	_ =	shalt  }
0x5a: {  	_ =	shalt  }
0x5b: {  	_ =	shalt  }
0x5c: {  	_ =	shalt  }
0x5d: {  	_ =	shalt  }
0x5e: {  	_ =	shalt  }
0x5f: {  	_ =	shalt  }
0x60: {  	_ =	shalt  }
0x61: {  	_ =	shalt  }
0x62: {  	_ =	shalt  }
0x63: {  	_ =	shalt  }
0x64: {  	_ =	shalt  }
0x65: {  	_ =	shalt  }
0x66: {  	_ =	shalt  }
0x67: {  	_ =	shalt  }
0x68: {  	_ =	shalt  }
0x69: {  	_ =	shalt  }
0x6a: {  	_ =	shalt  }
0x6b: {  	_ =	shalt  }
0x6c: {  	_ =	shalt  }
0x6d: {  	_ =	shalt  }
0x6e: {  	_ =	shalt  }
0x6f: {  	_ =	shalt  }
0x70: {  	_ =	shalt  }
0x71: {  	_ =	shalt  }
0x72: {  	_ =	shalt  }
0x73: {  	_ =	shalt  }
0x74: {  	_ =	shalt  }
0x75: {  	_ =	shalt  }
0x76: {  	_ =	shalt  }
0x77: {  	_ =	shalt  }
0x78: {  	_ =	shalt  }
0x79: {  	_ =	shalt  }
0x7a: {  	_ =	shalt  }
0x7b: {  	_ =	shalt  }
0x7c: {  	_ =	shalt  }
0x7d: {  	_ =	shalt  }
0x7e: {  	_ =	shalt  }
0x7f: {  	_ =	shalt  }
0x80: {  	_ =	shalt  }
0x81: {  	_ =	shalt  }
0x82: {  	_ =	shalt  }
0x83: {  	_ =	shalt  }
0x84: {  	_ =	shalt  }
0x85: {  	_ =	shalt  }
0x86: {  	_ =	shalt  }
0x87: {  	_ =	shalt  }
.Lfunc_end0:
.L_simem_size_0:
called_computation_lowered:
.L_overlay_start_0:
0x88: {  	s2 =	sld [smem:$0x3FD9]  }
0x89: {  	s3 =	sld [smem:$0x3FFE];
	_ =	sdelay $0x1  }
0x8a: {  	s1 =	srdreg.scid  }
0x8b: {  	s0 =	sand.u32 $0x1, s1  }
0x8c: {  	s17 =	sshll.u32 s0, $0xA;
	s2 =	sadd.s32 s3, s2  }
0x8d: {  	s2 =	sadd.s32 s2, s17  }
0x8e: {  	[smem:$0x3FC0] =	sst s2  }
0x8f: {  	_ = 	snop  }
0x90: {  	(tm) =	ssettm $0x1  }
0x91: {  	s18 =	sld [smem:$0x3FFB];
	_ =	sdelay $0x3  }
0x92: {  	_ =	strace s18  }
0x93: {  	s2 =	sld [smem:$0x3FFC];
	_ =	sdelay $0x3  }
0x94: {  	_ =	strace s2  }
0x95: {  	s2 =	sld [smem:$0x3FFD];
	_ =	sdelay $0x3  }
0x96: {  	_ =	strace s2  }
0x97: {  	_ =	strace $0x8FFFFFFF  }
0x98: {  	s19 =	sld [smem:$0x3FDB];
	_ =	sdelay $0x1  }
0x99: {  	s20 =	simm.s32 $_scs_section_size  }
0x9a: {  	s4 =	simm.s32 $_size__tile_overlayer_lowered;
	s5 =	simm.s32 $_tile_overlayer_lowered  }
0x9b: {  	s6 =	simm.s32 $0x1BFF;
	s21 =	sshll.u32 s5, $0x1;
	s3 =	sadd.s32 s20, s19  }
0x9c: {  	s22 =	simm.s32 $0x0;
	s4 =	sshll.u32 s4, $0x1;
	s5 =	sadd.s32 s21, s3  }
0x9d: {  	[timem:s22], [sflag:s6] =	dma.local [hbm:s5], s4  }
0x9e: {  	_ =	swait.ge [sflag:s6], s4  }
0x9f: {  	s4 =	ssub.s32 $0x0, s4;
	[sflag:s6] =	ssyncset.done $0x0  }
0xa0: {  	[sflag:s6] =	ssyncadd.s32 s4;
	_ =	sdelay $0x1  }
0xa1: {  	s23 =	simm.s32 $0x1B8B  }
0xa2: {  	_ =	swait.ge [sflag:s23], $0x1  }
0xa3: {  	[sflag:s23] =	ssyncset.done $0x0  }
0xa4: {  	[sflag:s23] =	ssyncadd.s32 $0xFFFFFFFF  }
0xa5: {  	s4 =	sld [smem:$0x0]  }
0xa6: {  	s5 =	sand.u32 $0xFFFFFFFE, s1  }
0xa7: {  	p0 =	sne.s32 s1, s5  }
0xa8: {  	s5 =	sshll.u32 @p0 s5, $0xE  }
0xa9: {  	s5 =	sadd.s32 @p0 $0x11B8D, s5;
	s6 =	sshll.u32 @p0 s4, $0x11  }
0xaa: {  	s5 =	sor.u32 @p0 s6, s5  }
0xab: {  	[sflag:s5] =	ssyncadd.remote.s32 @p0 $0x1;
	_ =	sdelay $0x1  }
0xac: {  	s5 =	simm.s32 @p0 $0x1B8D  }
0xad: {  	_ =	swait.eq @p0 [sflag:s5], $0x1  }
0xae: {  	[sflag:s5] =	ssyncadd.s32 @p0 $0xFFFFFFFF  }
0xaf: {  	s6 =	sshll.u32 @!p0 s1, $0xE  }
0xb0: {  	s6 =	sor.u32 @!p0 $0x4000, s6;
	s5 =	simm.s32 @!p0 $0x1B8D  }
0xb1: {  	s4 =	sshll.u32 @!p0 s4, $0x11;
	s6 =	sadd.s32 @!p0 $0x11B8D, s6;
	_ =	swait.eq @!p0 [sflag:s5], $0x1  }
0xb2: {  	s4 =	sor.u32 @!p0 s4, s6;
	[sflag:s5] =	ssyncadd.s32 @!p0 $0xFFFFFFFF  }
0xb3: {  	s25 =	simm.s32 $0x1B8E;
	s24 =	sld [smem:$0x3FFE];
	[sflag:s4] =	ssyncadd.remote.s32 @!p0 $0x1  }
0xb4: {  	s26 =	simm.s32 $execute0_lowered;
	[smem:$0x3FD2] =	sst s25  }
0xb5: {  	s5 =	sshll.u32 s26, $0x1;
	_ =	strace $0x80000049;
	[dreg:$0x1] =	wrdreg $0xFFFFFFFF  }
0xb6: {  	s28 =	simm.s32 $_size_execute0_lowered;
	s3 =	sadd.s32 s3, s5;
	[dreg:$0x0] =	wrdreg $0x0  }
0xb7: {  	s5 =	sshll.u32 s28, $0x1;
	[dreg:$0x2] =	wrdreg s3  }
0xb8: {  	[dreg:$0x3] =	wrdreg s5  }
0xb9: {  	[dreg:$0x4] =	wrdreg $0xC0  }
0xba: {  	_ =	task [dreg:s22], $0x5FFFF  }
0xbb: {  	[dreg:$0x1] =	wrdreg $0xFFFFFFFF  }
0xbc: {  	[dreg:$0x0] =	wrdreg $0x60  }
0xbd: {  	[dreg:$0x2] =	wrdreg s24  }
0xbe: {  	[dreg:$0x3] =	wrdreg $0x68000  }
0xbf: {  	[dreg:$0x4] =	wrdreg $0x9  }
0xc0: {  	_ =	task.clear_ibuf [dreg:s22], $0x5FFFF;
	_ =	strace $0x90000049  }
0xc1: {  	s29 =	simm.s32 $0x9;
	_ =	strace $0x8000004B  }
0xc2: {  	_ =	swait.ge [sflag:s29], $0x1  }
0xc3: {  	[sflag:s29] =	ssyncadd.s32 $0xFFFFFFFF  }
0xc4: {  	_ =	strace $0x9000004B  }
0xc5: {  	_ =	sfence  }
0xc6: {  	s30 =	sld [smem:$0x0];
	_ =	sdelay $0x2  }
0xc7: {  	s31 =	sshll.u32 s1, $0xD;
	s1 =	sshrl.u32 s1, $0x2  }
0xc8: {  	s4 =	sand.u32 $0x4000, s31;
	s1 =	sadd.s32 s1, s30  }
0xc9: {  	s0 =	sor.u32 s4, s0;
	s1 =	sshll.u32 s1, $0x11  }
0xca: {  	s0 =	sor.u32 s1, s0  }
0xcb: {  	s0 =	sadd.s32 $0x8F2B, s0  }
0xcc: {  	[sflag:s0] =	ssyncadd.remote.s32 $0x1  }
0xcd: {  	_ =	sfence.sel $0xFFFF  }
0xce: {  	[dreg:$0x0] =	wrdreg $0xFFFFFFFF;
	(pc) =	sbr.abs _section_cstart, $3  }
0xcf: {  	[dreg:$0x1] =	wrdreg $0xFFFFFFFF  }
0xd0: {  	_ =	task.clear_ibuf [dreg:s22], $0x2FFFF;
	_ =	strace $0x9FFFFFFF  }
0xd1: {  	(tm) =	ssettm $0x7FFFFFFF  }
tec
execute0_lowered:
.L_overlay_start_1:
0x0: {  	(tag) =	ssettag $0x1  }
0x1: {  	s1 =	srdreg.scid;
	s5 =	rddreg [dreg:$0x0]  }
0x2: {  	s0 =	stileid.u32;
	s2 =	rddreg [dreg:$0x1];
	s3 =	simm.s32 $0x0  }
0x3: {  	s13 =	simm.s32 $0x1;
	s14 =	simm.s32 $0x80;
	s17 =	simm.s32 $0x0  }
0x4: {  	s4 =	sand.u32 $0x1, s1;
	s26 =	sshll.u32 s0, $0x1;
	s8 =	smul.u32 $0x14000, s0  }
0x5: {  	[smem:$0x7FF] =	sst s3;
	s9 =	smul.u32 $0x50000, s0;
	s15 =	sshll.u32 s0, $0x6  }
0x6: {  	s1 =	sor.u32 s4, s26;
	s7 =	smul.u32 $0x140000, s4;
	s29 =	ssub.s32 $0x2, s4  }
0x7: {  	s15 =	sor.u32 $0x1C01, s15;
	s6 =	smul.u32 $0x500, s1;
	s1 =	rddreg [dreg:$0x2]  }
0x8: {  	_ =	strace $0x8000004A;
	s30 =	sshrl.u32 s9, $0x2;
	s31 =	sshrl.u32 s29, $0x1  }
0x9: {  	s28 =	sadd.s32 s8, s7;
	s4 =	sadd.s32 s30, s2;
	s12 =	ssub.s32 s29, s31  }
0xa: {  	s10 =	sadd.s32 s6, s5;
	s6 =	sshrl.u32 s28, $0x3;
	s7 =	sadd.s32 $0xC000, s4  }
0xb: {  	s8 =	sadd.s32 $0x10000, s4;
	s16 =	sshrl.u32 s4, $0x3;
	s11 =	sadd.s32 s6, s5  }
0xc: {  	s5 =	sadd.s32 $0x4000, s4;
	s6 =	sadd.s32 $0x8000, s4;
	s9 =	sadd.s32 $0xE800, s10  }
0xd: {  	v0 =	vimm.f32 $0.0e+00;
	v1 =	vimm.f32 $1.000000000e+00;
	s10 =	sadd.s32 $0x68800, s11;
	s11 =	smax.u32 s12, $0x1;
	s12 =	simm.s32 $0x2800  }
.LBB2_1:
0xe: {  	s18 =	sand.u32 $0xFE00, s3  }
0xf: {  	s19 =	sand.u32 $0x70, s3;
	s20 =	sshrl.u32 s18, $0x2  }
0x10: {  	s18 =	simm.s32 $0x40;
	s20 =	sor.u32 s19, s20;
	s19 =	simm.s32 $0x0  }
.LBB2_2:
0x11: {  	p0 =	sne.s32 s18, $0xFFC0  }
0x12: {  	[tilespmem:s20+$0x2800] =	vst v0;
	s19 =	sadd.s32 $0x10, s19;
	s20 =	smov.u32 s18;
	s18 =	sadd.s32 $0x40, s18  }
.Ltmp0:
0x13: {  	(pc) =	sbr.rel @p0 .LBB2_2-.Ltmp0, $4  }
0x14: {  	_ = 	snop  }
0x15: {  	s20 =	sand.u32 $0xFE00, s20  }
0x16: {  	s21 =	sand.u32 $0x70, s19;
	s20 =	sshrl.u32 s20, $0x2  }
0x17: {  	s20 =	sor.u32 s21, s20  }
0x18: {  	[tilespmem:s20+$0x2800] =	vst v0  }
0x19: {  	[spmem:s4] =	stream.linear.scatter [tilespmem:s12], [sflag:$0x1], $0x4000, $0x38;
	[tilespmem:$0x1A800] =	vst v63  }
0x1a: {  	_ =	swait.ge [sflag:s13], $0x4000  }
0x1b: {  	[sflag:s13] =	ssyncset.done $0x0  }
0x1c: {  	[sflag:s13] =	ssyncadd.s32 $0xFFFFC000  }
0x1d: {  	[spmem:s5] =	stream.linear.scatter [tilespmem:s12], [sflag:$0x1], $0x4000, $0x38;
	[tilespmem:$0x1A800] =	vst v63  }
0x1e: {  	_ =	swait.ge [sflag:s13], $0x4000  }
0x1f: {  	[sflag:s13] =	ssyncset.done $0x0  }
0x20: {  	[sflag:s13] =	ssyncadd.s32 $0xFFFFC000  }
0x21: {  	[spmem:s6] =	stream.linear.scatter [tilespmem:s12], [sflag:$0x1], $0x4000, $0x38;
	[tilespmem:$0x1A800] =	vst v63  }
0x22: {  	_ =	swait.ge [sflag:s13], $0x4000  }
0x23: {  	[sflag:s13] =	ssyncset.done $0x0  }
0x24: {  	[sflag:s13] =	ssyncadd.s32 $0xFFFFC000  }
0x25: {  	[spmem:s7] =	stream.linear.scatter [tilespmem:s12], [sflag:$0x1], $0x4000, $0x38;
	[tilespmem:$0x1A800] =	vst v63  }
0x26: {  	_ =	swait.ge [sflag:s13], $0x4000  }
0x27: {  	[sflag:s13] =	ssyncset.done $0x0  }
0x28: {  	s18 =	simm.s32 $0x0;
	[sflag:s13] =	ssyncadd.s32 $0xFFFFC000  }
0x29: {  	[spmem:s8] =	stream.linear.scatter [tilespmem:s12], [sflag:$0x1], $0x4000, $0x38;
	[tilespmem:$0x1A800] =	vst v63  }
0x2a: {  	s19 =	sand.u32 $0xFE00, s18;
	_ =	swait.ge [sflag:s13], $0x4000  }
0x2b: {  	s31 =	sand.u32 $0x70, s18;
	s21 =	sshrl.u32 s19, $0x2;
	[sflag:s13] =	ssyncset.done $0x0  }
0x2c: {  	s19 =	simm.s32 $0x40;
	s20 =	sor.u32 s31, s21;
	[sflag:s13] =	ssyncadd.s32 $0xFFFFC000  }
.LBB2_4:
0x2d: {  	p0 =	sne.s32 s19, $0xFFC0  }
0x2e: {  	[tilespmem:s20+$0x2800] =	vst v1;
	s18 =	sadd.s32 $0x10, s18;
	s20 =	smov.u32 s19;
	s19 =	sadd.s32 $0x40, s19  }
.Ltmp1:
0x2f: {  	(pc) =	sbr.rel @p0 .LBB2_4-.Ltmp1, $4  }
0x30: {  	_ = 	snop  }
0x31: {  	s20 =	sand.u32 $0xFE00, s20  }
0x32: {  	s21 =	sand.u32 $0x70, s18;
	s20 =	sshrl.u32 s20, $0x2  }
0x33: {  	s20 =	sor.u32 s21, s20  }
0x34: {  	[tilespmem:s20+$0x2800] =	vst v1  }
0x35: {  	s18 =	simm.s32 $0x0;
	[bflag:$0x0] =	sbarrier.arrive $0xFFFF  }
0x36: {  	[tilespmem:s18], [sflag:$0x1] =	stream.linear.gather [hbm4b:s9+s18], $0x2800, $0x38;
	[tilespmem:$0x1A800] =	vst v63  }
0x37: {  	_ =	swait.ge [sflag:s13], $0x2800  }
0x38: {  	[sflag:s13] =	ssyncset.done $0x0  }
0x39: {  	s31 =	simm.s32 $0x0;
	[sflag:s13] =	ssyncadd.s32 $0xFFFFD800  }
0x3a: {  	[spmem:s2] =	stream.indirect.scatter.add.f32 [tilespmem:s12], [sflag:$0x1], $0x80, s31, s14, $0xb8;
	[tilespmem:$0x1A800] =	vst v63  }
0x3b: {  	_ =	swait.ge [sflag:s13], $0x4000  }
0x3c: {  	s18 =	simm.s32 $0x200;
	[sflag:s13] =	ssyncset.done $0x0  }
.LBB2_6:
0x3d: {  	s19 =	sshra.s32 s18, $0x2;
	[sflag:s13] =	ssyncadd.s32 $0xFFFFC000;
	p0 =	sne.s32 s18, $0x9E00  }
0x3e: {  	[spmem:s2] =	stream.indirect.scatter.add.f32 [tilespmem:s12], [sflag:$0x1], $0x80, s19, s14, $0xb8;
	[tilespmem:$0x1A800] =	vst v63  }
.Ltmp2:
0x3f: {  	_ = 	snop;
	(pc) =	sbr.rel @p0 .LBB2_6-.Ltmp2, $4  }
0x40: {  	_ = 	snop  }
0x41: {  	s18 =	sadd.s32 $0x200, s18  }
0x42: {  	_ =	swait.ge [sflag:s13], $0x4000  }
0x43: {  	[sflag:s13] =	ssyncset.done $0x0  }
0x44: {  	s17 =	sadd.s32 $0x1, s17  }
0x45: {  	[sflag:s13] =	ssyncadd.s32 $0xFFFFC000;
	p0 =	sne.s32 s17, s11  }
.Ltmp3:
0x46: {  	[bflag:$0x0] =	sbarrier.arrive $0xFFFF;
	(pc) =	sbr.rel @p0 .LBB2_1-.Ltmp3, $4  }
0x47: {  	[hbm:s10], [sflag:s15] =	dma.local [spmem:s16], $0x2800  }
0x48: {  	_ =	swait.ge [sflag:s13], $0x2800  }
0x49: {  	[sflag:s13] =	ssyncset.done $0x0  }
0x4a: {  	[sflag:s13] =	ssyncadd.s32 $0xFFFFD800  }
0x4b: {  	_ =	sfence.sel $0x180000  }
0x4c: {  	[bflag:$0x0] =	sbarrier.arrive $0xFFFF  }
0x4d: {  	p0 =	sne.s32 s0, $0x0;
	_ =	strace $0x9000004A  }
0x4e: {  	s0 =	sadd.s32 @!p0 $0x100000, s1;
	[bflag:$0x2] =	sbarrier.arrive $0xFFFF  }
0x4f: {  	[sflag:s0] =	ssyncadd.tile.s32 @!p0 $0x1;
	_ =	shalt  }
.Lfunc_end2:
_tile_overlayer_lowered:
.L_overlay_start_2:
0x50: {  	(tag) =	ssettag $0x2  }
0x51: {  	s0 =	rddreg [dreg:$0x0];
	s2 =	stileid.u32  }
0x52: {  	s1 =	rddreg [dreg:$0x1];
	p0 =	sne.s32 s2, $0x0  }
0x53: {  	s3 =	rddreg [dreg:$0x2];
	[bflag:$0x3] =	sbarrier.arrive $0xFFFF;
	s2 =	simm.s32 @!p0 $0x1C01  }
0x54: {  	[timem:s3], [sflag:s2] =	dma.local @!p0 [hbm:s0], s1  }
0x55: {  	s0 =	simm.s32 @!p0 $0x1  }
0x56: {  	_ =	swait.ge @!p0 [sflag:s0], s1  }
0x57: {  	s1 =	ssub.s32 @!p0 $0x0, s1;
	[sflag:s0] =	ssyncset.done @!p0 $0x0  }
0x58: {  	[sflag:s0] =	ssyncadd.s32 @!p0 s1  }
0x59: {  	[bflag:$0x3] =	sbarrier.arrive $0xFFFF  }
0x5a: {  	_ =	shalt  }

</sc_bundles>
